<compile_context>
chip_gen: v7x
topology: tpu7x:2x2x1
jax: 0.10.2.dev20260603
libtpu: 0.0.44.dev20260713+nightly
codegen_flags: <defaults>
</compile_context>

<pallas_src>
import functools

import jax
import jax.numpy as jnp
from jax import lax
from jax.experimental import pallas as pl
from jax.experimental.pallas import tpu as pltpu
from jax.experimental.pallas import tpu_sc as plsc

_NC = 2
_NS = 16
_NW = _NC * _NS
_C = 80

_mesh = lambda: plsc.VectorSubcoreMesh(core_axis_name="c", subcore_axis_name="s")


def _tile_split(n_nodes):
    rt = -(-n_nodes // (8 * _NS)) * 8
    return rt, rt * _NS, n_nodes - rt * (_NS - 1)


def _sc_degrees(src, dst, n_nodes):
    e = src.shape[0]
    per_tile = e // _NW
    cc = 40
    n_chunks = per_tile // cc
    n_pairs = n_chunks // 2
    assert n_chunks % 2 == 0
    rt, n_acc, tail = _tile_split(n_nodes)

    @functools.partial(
        pl.kernel,
        out_type=jax.ShapeDtypeStruct((_NC * n_nodes, 128), jnp.float32),
        mesh=_mesh(),
        scratch_types=[
            [pltpu.VMEM((cc,), jnp.int32) for _ in range(2)],
            [pltpu.VMEM((cc,), jnp.int32) for _ in range(2)],
            pltpu.VMEM((cc, 128), jnp.float32),
            pltpu.VMEM((cc, 128), jnp.float32),
            pltpu.VMEM_SHARED((n_acc, 128), jnp.float32),
            [pltpu.SemaphoreType.DMA for _ in range(2)],
        ],
    )
    def deg_kernel(src_h, dst_h, mark_s_h, mark_d_h, zeros_h, out_h,
                   sidx, didx, marks_v, markd_v, acc, isem):
        c = lax.axis_index("c")
        s = lax.axis_index("s")
        wid = c * _NS + s
        ebase = wid * per_tile
        pltpu.sync_copy(mark_s_h, marks_v)
        pltpu.sync_copy(mark_d_h, markd_v)
        pltpu.sync_copy(zeros_h, acc.at[pl.ds(s * rt, rt)])
        plsc.subcore_barrier()

        def fire_idx(i, b):
            pltpu.async_copy(src_h.at[pl.ds(ebase + i * cc, cc)],
                             sidx[b], isem[b])
            pltpu.async_copy(dst_h.at[pl.ds(ebase + i * cc, cc)],
                             didx[b], isem[b])

        def wait_idx(b):
            pltpu.make_async_copy(src_h.at[pl.ds(0, cc)], sidx[b],
                                  isem[b]).wait()
            pltpu.make_async_copy(src_h.at[pl.ds(0, cc)], didx[b],
                                  isem[b]).wait()

        for b in range(2):
            fire_idx(b, b)

        def body(j, carry):
            for b in range(2):
                wait_idx(b)
                pltpu.sync_copy(marks_v, acc.at[sidx[b]], add=True)
                pltpu.sync_copy(markd_v, acc.at[didx[b]], add=True)
                fire_idx(2 * (j + 1) + b, b)
            return carry

        lax.fori_loop(0, n_pairs - 1, body, 0)
        for b in range(2):
            wait_idx(b)
            pltpu.sync_copy(marks_v, acc.at[sidx[b]], add=True)
            pltpu.sync_copy(markd_v, acc.at[didx[b]], add=True)
        plsc.subcore_barrier()

        @pl.when(s < _NS - 1)
        def _():
            oslc = pl.ds(c * n_nodes + s * rt, rt)
            pltpu.sync_copy(acc.at[pl.ds(s * rt, rt)], out_h.at[oslc])

        @pl.when(s == _NS - 1)
        def _():
            oslc = pl.ds(c * n_nodes + (_NS - 1) * rt, tail)
            pltpu.sync_copy(acc.at[pl.ds((_NS - 1) * rt, tail)], out_h.at[oslc])

    lane = lax.broadcasted_iota(jnp.int32, (cc, 128), 1)
    mark_s = jnp.where(lane < 64, 1.0, 0.0).astype(jnp.float32)
    mark_d = jnp.where(lane >= 64, 1.0, 0.0).astype(jnp.float32)
    zeros = jnp.zeros((rt, 128), jnp.float32)
    return deg_kernel(src, dst, mark_s, mark_d, zeros)


def _sc_segment_sum(table, src, dst):
    n_nodes, d = table.shape
    e = src.shape[0]
    per_tile = e // _NW
    cc = 40
    n_chunks = per_tile // cc
    n_pairs = n_chunks // 2
    assert n_chunks % 2 == 0
    rt, n_acc, tail = _tile_split(n_nodes)

    @functools.partial(
        pl.kernel,
        out_type=jax.ShapeDtypeStruct((_NC * n_nodes, d), jnp.float32),
        mesh=_mesh(),
        scratch_types=[
            [pltpu.VMEM((cc,), jnp.int32) for _ in range(2)],
            [pltpu.VMEM((cc,), jnp.int32) for _ in range(2)],
            [pltpu.VMEM((cc, d), jnp.float32) for _ in range(2)],
            pltpu.VMEM_SHARED((n_acc, d), jnp.float32),
            [pltpu.SemaphoreType.DMA for _ in range(2)],
            [pltpu.SemaphoreType.DMA for _ in range(2)],
        ],
    )
    def gs_kernel(table_h, src_h, dst_h, zeros_h, out_h,
                  sidx, didx, rows, acc, isem, gsem):
        c = lax.axis_index("c")
        s = lax.axis_index("s")
        wid = c * _NS + s
        ebase = wid * per_tile
        pltpu.sync_copy(zeros_h, acc.at[pl.ds(s * rt, rt)])
        plsc.subcore_barrier()

        def fire_idx(i, b):
            pltpu.async_copy(src_h.at[pl.ds(ebase + i * cc, cc)],
                             sidx[b], isem[b])
            pltpu.async_copy(dst_h.at[pl.ds(ebase + i * cc, cc)],
                             didx[b], isem[b])

        def wait_idx(b):
            pltpu.make_async_copy(src_h.at[pl.ds(0, cc)], sidx[b],
                                  isem[b]).wait()
            pltpu.make_async_copy(src_h.at[pl.ds(0, cc)], didx[b],
                                  isem[b]).wait()

        def wait_gather(b):
            pltpu.make_async_copy(zeros_h.at[pl.ds(0, cc)], rows[b],
                                  gsem[b]).wait()

        for b in range(2):
            fire_idx(b, b)

        def body(j, carry):
            for b in range(2):
                wait_idx(b)
                pltpu.async_copy(table_h.at[sidx[b]], rows[b], gsem[b])
            for b in range(2):
                wait_gather(b)
                pltpu.sync_copy(rows[b], acc.at[didx[b]], add=True)
                fire_idx(2 * (j + 1) + b, b)
            return carry

        lax.fori_loop(0, n_pairs - 1, body, 0)
        for b in range(2):
            wait_idx(b)
            pltpu.async_copy(table_h.at[sidx[b]], rows[b], gsem[b])
        for b in range(2):
            wait_gather(b)
            pltpu.sync_copy(rows[b], acc.at[didx[b]], add=True)
        plsc.subcore_barrier()

        @pl.when(s < _NS - 1)
        def _():
            oslc = pl.ds(c * n_nodes + s * rt, rt)
            pltpu.sync_copy(acc.at[pl.ds(s * rt, rt)], out_h.at[oslc])

        @pl.when(s == _NS - 1)
        def _():
            oslc = pl.ds(c * n_nodes + (_NS - 1) * rt, tail)
            pltpu.sync_copy(acc.at[pl.ds((_NS - 1) * rt, tail)], out_h.at[oslc])

    zeros = jnp.zeros((rt, d), jnp.float32)
    return gs_kernel(table, src, dst, zeros)


def _norms(d0, d1):
    deg = d0 + d1
    ns = lax.rsqrt(jnp.maximum(deg[:, 0:1], 1.0))
    nd = lax.rsqrt(jnp.maximum(deg[:, 64:65], 1.0))
    return ns, nd


def _tc_scale_src(features, deg, bn):
    n, d = features.shape
    nb = n // bn
    grid = (nb,)

    def body(f_ref, d0_ref, d1_ref, o_ref):
        ns, _ = _norms(d0_ref[...], d1_ref[...])
        o_ref[...] = f_ref[...] * ns

    return pl.pallas_call(
        body,
        grid=grid,
        in_specs=[
            pl.BlockSpec((bn, d), lambda i: (i, 0)),
            pl.BlockSpec((bn, 128), lambda i: (i, 0)),
            pl.BlockSpec((bn, 128), lambda i: (i + nb, 0)),
        ],
        out_specs=pl.BlockSpec((bn, d), lambda i: (i, 0)),
        out_shape=jax.ShapeDtypeStruct((n, d), jnp.float32),
    )(features, deg, deg)


def _tc_layer1(parts, deg, w1, b1, n, bn):
    d = parts.shape[1]
    hid = w1.shape[1]
    half = hid // 2
    nb = n // bn
    grid = (nb,)

    def body(p0_ref, p1_ref, d0_ref, d1_ref, w_ref, b_ref, oa_ref, ob_ref):
        ns, nd = _norms(d0_ref[...], d1_ref[...])
        agg = (p0_ref[...] + p1_ref[...]) * nd
        h = jnp.dot(agg, w_ref[...], preferred_element_type=jnp.float32)
        h = jnp.maximum(h + b_ref[...], 0.0)
        t = h * ns
        oa_ref[...] = t[:, :half]
        ob_ref[...] = t[:, half:]

    return pl.pallas_call(
        body,
        grid=grid,
        in_specs=[
            pl.BlockSpec((bn, d), lambda i: (i, 0)),
            pl.BlockSpec((bn, d), lambda i: (i + nb, 0)),
            pl.BlockSpec((bn, 128), lambda i: (i, 0)),
            pl.BlockSpec((bn, 128), lambda i: (i + nb, 0)),
            pl.BlockSpec((d, hid), lambda i: (0, 0)),
            pl.BlockSpec((1, hid), lambda i: (0, 0)),
        ],
        out_specs=[
            pl.BlockSpec((bn, half), lambda i: (i, 0)),
            pl.BlockSpec((bn, half), lambda i: (i, 0)),
        ],
        out_shape=[jax.ShapeDtypeStruct((n, half), jnp.float32),
                   jax.ShapeDtypeStruct((n, half), jnp.float32)],
    )(parts, parts, deg, deg, w1, b1)


def _tc_layer2_head(parts_a, parts_b, deg, w2, b2, wp, bp, n, bn):
    half = parts_a.shape[1]
    hid = w2.shape[0]
    n_out = wp.shape[1]
    nb = n // bn
    grid = (nb,)

    def body(pa0_ref, pa1_ref, pb0_ref, pb1_ref, d0_ref, d1_ref,
             w_ref, b_ref, wp_ref, bp_ref, o_ref, acc_ref):
        i = pl.program_id(0)
        _, nd = _norms(d0_ref[...], d1_ref[...])
        agg = jnp.concatenate(
            [pa0_ref[...] + pa1_ref[...], pb0_ref[...] + pb1_ref[...]],
            axis=1) * nd
        h = jnp.dot(agg, w_ref[...], preferred_element_type=jnp.float32)
        h = jnp.maximum(h + b_ref[...], 0.0)
        part = jnp.sum(h, axis=0, keepdims=True)

        @pl.when(i == 0)
        def _():
            acc_ref[...] = part

        @pl.when(i > 0)
        def _():
            acc_ref[...] = acc_ref[...] + part

        @pl.when(i == nb - 1)
        def _():
            hg = acc_ref[...] * (1.0 / n)
            o_ref[...] = jnp.dot(hg, wp_ref[...],
                                 preferred_element_type=jnp.float32) + bp_ref[...]

    return pl.pallas_call(
        body,
        grid=grid,
        in_specs=[
            pl.BlockSpec((bn, half), lambda i: (i, 0)),
            pl.BlockSpec((bn, half), lambda i: (i + nb, 0)),
            pl.BlockSpec((bn, half), lambda i: (i, 0)),
            pl.BlockSpec((bn, half), lambda i: (i + nb, 0)),
            pl.BlockSpec((bn, 128), lambda i: (i, 0)),
            pl.BlockSpec((bn, 128), lambda i: (i + nb, 0)),
            pl.BlockSpec((hid, hid), lambda i: (0, 0)),
            pl.BlockSpec((1, hid), lambda i: (0, 0)),
            pl.BlockSpec((hid, n_out), lambda i: (0, 0)),
            pl.BlockSpec((1, n_out), lambda i: (0, 0)),
        ],
        out_specs=pl.BlockSpec((1, n_out), lambda i: (0, 0)),
        out_shape=jax.ShapeDtypeStruct((1, n_out), jnp.float32),
        scratch_shapes=[pltpu.VMEM((1, hid), jnp.float32)],
    )(parts_a, parts_a, parts_b, parts_b, deg, deg, w2, b2, wp, bp)


def kernel(features, edge_index, W1, b1, W2, b2, Wp, bp):
    n, d = features.shape
    src = edge_index[0]
    dst = edge_index[1]
    bn = 1000

    deg = _sc_degrees(src, dst, n)
    table1 = _tc_scale_src(features, deg, bn)
    parts1 = _sc_segment_sum(table1, src, dst)
    t2a, t2b = _tc_layer1(parts1, deg,
                          W1, b1.reshape(1, -1), n, bn)
    parts2a = _sc_segment_sum(t2a, src, dst)
    parts2b = _sc_segment_sum(t2b, src, dst)
    return _tc_layer2_head(parts2a, parts2b, deg,
                           W2, b2.reshape(1, -1),
                           Wp, bp.reshape(1, -1), n, bn)

# --- scband reference (transcript-rebuilt; emitter-appended) ---
"""Pipeline reference for scband-basic-gcnregressor-38268158607722 (READ-ONLY COPY).

The authoritative reference and input builder live on the scoring server;
editing this copy changes nothing except your own understanding.
"""

import jax, jax.numpy as jnp
import numpy as np

N = 10000
E = 320000
IN_DIM = 128
HID = 256
N_CLASSES = 1


def setup_inputs(seed: int = 0) -> dict:
    key = jax.random.key(seed)
    ks = jax.random.split(key, 8)
    features = jax.random.normal(ks[0], (N, IN_DIM), dtype=jnp.float32)
    edge_index = jax.random.randint(ks[1], (2, E), 0, N, dtype=jnp.int32)
    # GraphConv weights (glorot-ish), Linear predict layer
    W1 = jax.random.normal(ks[2], (IN_DIM, HID), dtype=jnp.float32) * (1.0 / np.sqrt(IN_DIM))
    b1 = jnp.zeros((HID,), dtype=jnp.float32)
    W2 = jax.random.normal(ks[3], (HID, HID), dtype=jnp.float32) * (1.0 / np.sqrt(HID))
    b2 = jnp.zeros((HID,), dtype=jnp.float32)
    Wp = jax.random.normal(ks[4], (HID, N_CLASSES), dtype=jnp.float32) * (1.0 / np.sqrt(HID))
    bp = jnp.zeros((N_CLASSES,), dtype=jnp.float32)
    return {"features": features, "edge_index": edge_index, "W1": W1, "b1": b1, "W2": W2, "b2": b2, "Wp": Wp, "bp": bp}


def reference(features, edge_index, W1, b1, W2, b2, Wp, bp):
    src = edge_index[0]
    dst = edge_index[1]
    # DGL GraphConv with norm='both': D_out^{-1/2} on src side, D_in^{-1/2} on dst side
    deg_out = jnp.clip(jnp.bincount(src, length=N), 1).astype(jnp.float32)
    deg_in = jnp.clip(jnp.bincount(dst, length=N), 1).astype(jnp.float32)
    norm_src = deg_out ** -0.5
    norm_dst = deg_in ** -0.5

    def gconv(x, W, b):
        h = x * norm_src[:, None]
        msg = jnp.take(h, src, axis=0)
        agg = jax.ops.segment_sum(msg, dst, num_segments=N)
        agg = agg * norm_dst[:, None]
        return jax.nn.relu(agg @ W + b)

    h = gconv(features, W1, b1)
    h = gconv(h, W2, b2)
    # dgl.mean_nodes over a single graph -> mean over all nodes
    hg = jnp.mean(h, axis=0, keepdims=True)
    return hg @ Wp + bp

if __name__ == "__main__":
    import jax
    _d = setup_inputs()
    print(jax.jit(kernel)(*tuple(_d.values())))

</pallas_src>

<mosaic_0001>
#map = affine_map<(d0, d1) -> (0, 0)>
#map1 = affine_map<(d0, d1) -> (0)>
module attributes {stable_mosaic.version = 14 : i64} {
  func.func @gs_kernel(%arg0: i32, %arg1: i32, %arg2: memref<10000x128xf32, #tpu.memory_space<hbm>>, %arg3: memref<320000xi32, #tpu.memory_space<hbm>>, %arg4: memref<320000xi32, #tpu.memory_space<hbm>>, %arg5: memref<632x128xf32, #tpu.memory_space<hbm>>, %arg6: memref<20000x128xf32, #tpu.memory_space<hbm>>, %arg7: memref<40xi32, #tpu.memory_space<vmem>>, %arg8: memref<40xi32, #tpu.memory_space<vmem>>, %arg9: memref<40xi32, #tpu.memory_space<vmem>>, %arg10: memref<40xi32, #tpu.memory_space<vmem>>, %arg11: memref<40x128xf32, #tpu.memory_space<vmem>>, %arg12: memref<40x128xf32, #tpu.memory_space<vmem>>, %arg13: memref<10112x128xf32, #tpu.memory_space<vmem_shared>>, %arg14: memref<!tpu.dma_semaphore, #tpu.memory_space<semaphore_mem>>, %arg15: memref<!tpu.dma_semaphore, #tpu.memory_space<semaphore_mem>>, %arg16: memref<!tpu.dma_semaphore, #tpu.memory_space<semaphore_mem>>, %arg17: memref<!tpu.dma_semaphore, #tpu.memory_space<semaphore_mem>>) attributes {dimension_semantics = [#tpu.dimension_semantics<core_parallel>, #tpu.dimension_semantics<subcore_parallel>], iteration_bounds = array<i64: 2, 16>, scalar_prefetch = 0 : i64, scratch_operands = 11 : i64, tpu.core_type = #tpu.core_type<sc_vector_subcore>, window_params = [{transform_indices = #map}, {transform_indices = #map1}, {transform_indices = #map1}, {transform_indices = #map}, {transform_indices = #map}]} {
    %mul3A = arith.constant 16 : i32
    %mul3A_0 = arith.muli %arg0, %mul3A : i32
    %add3A = arith.addi %mul3A_0, %arg1 : i32
    %mul3A_1 = arith.constant 10000 : i32
    %mul3A_2 = arith.muli %add3A, %mul3A_1 : i32
    %mul3A_3 = arith.constant 632 : i32
    %mul3A_4 = arith.muli %arg1, %mul3A_3 : i32
    "tpu.region"() ({
      %run_scoped3A = tpu.sem_alloc : memref<!tpu.dma_semaphore, #tpu.memory_space<semaphore_mem>>
      %dma_start3A_65 = arith.constant 0 : i32
      %dma_start3A_66 = tpu.memref_slice %arg13[%mul3A_4, %dma_start3A_65] : memref<10112x128xf32, #tpu.memory_space<vmem_shared>> -> memref<632x128xf32, #tpu.memory_space<vmem_shared>>
      tpu.enqueue_dma source(%arg5 : memref<632x128xf32, #tpu.memory_space<hbm>>) target(%dma_start3A_66 : memref<632x128xf32, #tpu.memory_space<vmem_shared>>) target_semaphore(%run_scoped3A : memref<!tpu.dma_semaphore, #tpu.memory_space<semaphore_mem>>)
      %dma_wait3A_67 = arith.constant 0 : i32
      %dma_wait3A_68 = tpu.memref_slice %arg13[%mul3A_4, %dma_wait3A_67] : memref<10112x128xf32, #tpu.memory_space<vmem_shared>> -> memref<632x128xf32, #tpu.memory_space<vmem_shared>>
      tpu.wait_dma2 semaphore(%run_scoped3A : memref<!tpu.dma_semaphore, #tpu.memory_space<semaphore_mem>>) src(%arg5 : memref<632x128xf32, #tpu.memory_space<hbm>>) dst(%dma_wait3A_68 : memref<632x128xf32, #tpu.memory_space<vmem_shared>>)
      tpu.yield
    }) : () -> ()
    %barrier3A = arith.constant 0 : index
    tpu.barrier barrier_id(%barrier3A)
    %add3A_5 = arith.constant 0 : i32
    %add3A_6 = arith.addi %mul3A_2, %add3A_5 : i32
    %dma_start3A = tpu.memref_slice %arg3[%add3A_6] : memref<320000xi32, #tpu.memory_space<hbm>> -> memref<40xi32, #tpu.memory_space<hbm>>
    %dma_start3A_7 = tpu.memref_slice %arg3[%add3A_6] : memref<320000xi32, #tpu.memory_space<hbm>> -> memref<40xi32, #tpu.memory_space<hbm>>
    tpu.enqueue_dma source(%dma_start3A_7 : memref<40xi32, #tpu.memory_space<hbm>>) target(%arg7 : memref<40xi32, #tpu.memory_space<vmem>>) target_semaphore(%arg14 : memref<!tpu.dma_semaphore, #tpu.memory_space<semaphore_mem>>)
    %add3A_8 = arith.constant 0 : i32
    %add3A_9 = arith.addi %mul3A_2, %add3A_8 : i32
    %dma_start3A_10 = tpu.memref_slice %arg4[%add3A_9] : memref<320000xi32, #tpu.memory_space<hbm>> -> memref<40xi32, #tpu.memory_space<hbm>>
    %dma_start3A_11 = tpu.memref_slice %arg4[%add3A_9] : memref<320000xi32, #tpu.memory_space<hbm>> -> memref<40xi32, #tpu.memory_space<hbm>>
    tpu.enqueue_dma source(%dma_start3A_11 : memref<40xi32, #tpu.memory_space<hbm>>) target(%arg9 : memref<40xi32, #tpu.memory_space<vmem>>) target_semaphore(%arg14 : memref<!tpu.dma_semaphore, #tpu.memory_space<semaphore_mem>>)
    %add3A_12 = arith.constant 40 : i32
    %add3A_13 = arith.addi %mul3A_2, %add3A_12 : i32
    %dma_start3A_14 = tpu.memref_slice %arg3[%add3A_13] : memref<320000xi32, #tpu.memory_space<hbm>> -> memref<40xi32, #tpu.memory_space<hbm>>
    %dma_start3A_15 = tpu.memref_slice %arg3[%add3A_13] : memref<320000xi32, #tpu.memory_space<hbm>> -> memref<40xi32, #tpu.memory_space<hbm>>
    tpu.enqueue_dma source(%dma_start3A_15 : memref<40xi32, #tpu.memory_space<hbm>>) target(%arg8 : memref<40xi32, #tpu.memory_space<vmem>>) target_semaphore(%arg15 : memref<!tpu.dma_semaphore, #tpu.memory_space<semaphore_mem>>)
    %add3A_16 = arith.constant 40 : i32
    %add3A_17 = arith.addi %mul3A_2, %add3A_16 : i32
    %dma_start3A_18 = tpu.memref_slice %arg4[%add3A_17] : memref<320000xi32, #tpu.memory_space<hbm>> -> memref<40xi32, #tpu.memory_space<hbm>>
    %dma_start3A_19 = tpu.memref_slice %arg4[%add3A_17] : memref<320000xi32, #tpu.memory_space<hbm>> -> memref<40xi32, #tpu.memory_space<hbm>>
    tpu.enqueue_dma source(%dma_start3A_19 : memref<40xi32, #tpu.memory_space<hbm>>) target(%arg10 : memref<40xi32, #tpu.memory_space<vmem>>) target_semaphore(%arg15 : memref<!tpu.dma_semaphore, #tpu.memory_space<semaphore_mem>>)
    %scan3A = arith.constant 0 : i32
    %scan3A_20 = arith.constant 0 : i32
    %scan3A_21 = arith.constant 124 : i32
    %scan3A_22 = arith.addi %scan3A_20, %scan3A_21 : i32
    %scan3A_23 = arith.constant 1 : i32
    scf.for %scan3A_65 = %scan3A_20 to %scan3A_22 step %scan3A_23  : i32 {
      %dma_wait3A_66 = arith.constant 0 : i32
      %dma_wait3A_67 = tpu.memref_slice %arg3[%dma_wait3A_66] : memref<320000xi32, #tpu.memory_space<hbm>> -> memref<40xi32, #tpu.memory_space<hbm>>
      %dma_wait3A_68 = arith.constant 0 : i32
      %dma_wait3A_69 = tpu.memref_slice %arg3[%dma_wait3A_68] : memref<320000xi32, #tpu.memory_space<hbm>> -> memref<40xi32, #tpu.memory_space<hbm>>
      tpu.wait_dma2 semaphore(%arg14 : memref<!tpu.dma_semaphore, #tpu.memory_space<semaphore_mem>>) src(%dma_wait3A_69 : memref<40xi32, #tpu.memory_space<hbm>>) dst(%arg7 : memref<40xi32, #tpu.memory_space<vmem>>)
      %dma_wait3A_70 = arith.constant 0 : i32
      %dma_wait3A_71 = tpu.memref_slice %arg3[%dma_wait3A_70] : memref<320000xi32, #tpu.memory_space<hbm>> -> memref<40xi32, #tpu.memory_space<hbm>>
      %dma_wait3A_72 = arith.constant 0 : i32
      %dma_wait3A_73 = tpu.memref_slice %arg3[%dma_wait3A_72] : memref<320000xi32, #tpu.memory_space<hbm>> -> memref<40xi32, #tpu.memory_space<hbm>>
      tpu.wait_dma2 semaphore(%arg14 : memref<!tpu.dma_semaphore, #tpu.memory_space<semaphore_mem>>) src(%dma_wait3A_73 : memref<40xi32, #tpu.memory_space<hbm>>) dst(%arg9 : memref<40xi32, #tpu.memory_space<vmem>>)
      %dma_start3A_74 = arith.constant 0 : i32
      %dma_start3A_75 = arith.constant 0 : i32
      %dma_start3A_76 = tpu.memref_slice %arg2[%dma_start3A_74, %dma_start3A_75] : memref<10000x128xf32, #tpu.memory_space<hbm>> -> memref<10000x128xf32, #tpu.memory_space<hbm>>
      tpu.enqueue_indirect_dma source(%dma_start3A_76 : memref<10000x128xf32, #tpu.memory_space<hbm>>) target(%arg11 : memref<40x128xf32, #tpu.memory_space<vmem>>) offsets(%arg7 : memref<40xi32, #tpu.memory_space<vmem>>) semaphore(%arg16 : memref<!tpu.dma_semaphore, #tpu.memory_space<semaphore_mem>>)
      %dma_wait3A_77 = arith.constant 0 : i32
      %dma_wait3A_78 = tpu.memref_slice %arg3[%dma_wait3A_77] : memref<320000xi32, #tpu.memory_space<hbm>> -> memref<40xi32, #tpu.memory_space<hbm>>
      %dma_wait3A_79 = arith.constant 0 : i32
      %dma_wait3A_80 = tpu.memref_slice %arg3[%dma_wait3A_79] : memref<320000xi32, #tpu.memory_space<hbm>> -> memref<40xi32, #tpu.memory_space<hbm>>
      tpu.wait_dma2 semaphore(%arg15 : memref<!tpu.dma_semaphore, #tpu.memory_space<semaphore_mem>>) src(%dma_wait3A_80 : memref<40xi32, #tpu.memory_space<hbm>>) dst(%arg8 : memref<40xi32, #tpu.memory_space<vmem>>)
      %dma_wait3A_81 = arith.constant 0 : i32
      %dma_wait3A_82 = tpu.memref_slice %arg3[%dma_wait3A_81] : memref<320000xi32, #tpu.memory_space<hbm>> -> memref<40xi32, #tpu.memory_space<hbm>>
      %dma_wait3A_83 = arith.constant 0 : i32
      %dma_wait3A_84 = tpu.memref_slice %arg3[%dma_wait3A_83] : memref<320000xi32, #tpu.memory_space<hbm>> -> memref<40xi32, #tpu.memory_space<hbm>>
      tpu.wait_dma2 semaphore(%arg15 : memref<!tpu.dma_semaphore, #tpu.memory_space<semaphore_mem>>) src(%dma_wait3A_84 : memref<40xi32, #tpu.memory_space<hbm>>) dst(%arg10 : memref<40xi32, #tpu.memory_space<vmem>>)
      %dma_start3A_85 = arith.constant 0 : i32
      %dma_start3A_86 = arith.constant 0 : i32
      %dma_start3A_87 = tpu.memref_slice %arg2[%dma_start3A_85, %dma_start3A_86] : memref<10000x128xf32, #tpu.memory_space<hbm>> -> memref<10000x128xf32, #tpu.memory_space<hbm>>
      tpu.enqueue_indirect_dma source(%dma_start3A_87 : memref<10000x128xf32, #tpu.memory_space<hbm>>) target(%arg12 : memref<40x128xf32, #tpu.memory_space<vmem>>) offsets(%arg8 : memref<40xi32, #tpu.memory_space<vmem>>) semaphore(%arg17 : memref<!tpu.dma_semaphore, #tpu.memory_space<semaphore_mem>>)
      %dma_wait3A_88 = arith.constant 0 : i32
      %dma_wait3A_89 = arith.constant 0 : i32
      %dma_wait3A_90 = tpu.memref_slice %arg5[%dma_wait3A_88, %dma_wait3A_89] : memref<632x128xf32, #tpu.memory_space<hbm>> -> memref<40x128xf32, #tpu.memory_space<hbm>>
      %dma_wait3A_91 = arith.constant 0 : i32
      %dma_wait3A_92 = arith.constant 0 : i32
      %dma_wait3A_93 = tpu.memref_slice %arg5[%dma_wait3A_91, %dma_wait3A_92] : memref<632x128xf32, #tpu.memory_space<hbm>> -> memref<40x128xf32, #tpu.memory_space<hbm>>
      tpu.wait_dma2 semaphore(%arg16 : memref<!tpu.dma_semaphore, #tpu.memory_space<semaphore_mem>>) src(%dma_wait3A_93 : memref<40x128xf32, #tpu.memory_space<hbm>>) dst(%arg11 : memref<40x128xf32, #tpu.memory_space<vmem>>)
      "tpu.region"() ({
        %run_scoped3A = tpu.sem_alloc : memref<!tpu.dma_semaphore, #tpu.memory_space<semaphore_mem>>
        %dma_start3A_132 = arith.constant 0 : i32
        %dma_start3A_133 = arith.constant 0 : i32
        %dma_start3A_134 = tpu.memref_slice %arg13[%dma_start3A_132, %dma_start3A_133] : memref<10112x128xf32, #tpu.memory_space<vmem_shared>> -> memref<10112x128xf32, #tpu.memory_space<vmem_shared>>
        tpu.enqueue_indirect_dma source(%arg11 : memref<40x128xf32, #tpu.memory_space<vmem>>) target(%dma_start3A_134 : memref<10112x128xf32, #tpu.memory_space<vmem_shared>>) offsets(%arg9 : memref<40xi32, #tpu.memory_space<vmem>>) semaphore(%run_scoped3A : memref<!tpu.dma_semaphore, #tpu.memory_space<semaphore_mem>>) {add = true}
        %dma_wait3A_135 = arith.constant 0 : i32
        %dma_wait3A_136 = arith.constant 0 : i32
        %dma_wait3A_137 = tpu.memref_slice %arg13[%dma_wait3A_135, %dma_wait3A_136] : memref<10112x128xf32, #tpu.memory_space<vmem_shared>> -> memref<10112x128xf32, #tpu.memory_space<vmem_shared>>
        tpu.wait_indirect_dma semaphore(%run_scoped3A : memref<!tpu.dma_semaphore, #tpu.memory_space<semaphore_mem>>) src(%arg11 : memref<40x128xf32, #tpu.memory_space<vmem>>) dst(%dma_wait3A_137 : memref<10112x128xf32, #tpu.memory_space<vmem_shared>>)
        tpu.yield
      }) : () -> ()
      %add3A_94 = arith.constant 1 : i32
      %add3A_95 = arith.addi %scan3A_65, %add3A_94 : i32
      %mul3A_96 = arith.constant 2 : i32
      %mul3A_97 = arith.muli %mul3A_96, %add3A_95 : i32
      %add3A_98 = arith.constant 0 : i32
      %add3A_99 = arith.addi %mul3A_97, %add3A_98 : i32
      %mul3A_100 = arith.constant 40 : i32
      %mul3A_101 = arith.muli %add3A_99, %mul3A_100 : i32
      %add3A_102 = arith.addi %mul3A_2, %mul3A_101 : i32
      %dma_start3A_103 = tpu.memref_slice %arg3[%add3A_102] : memref<320000xi32, #tpu.memory_space<hbm>> -> memref<40xi32, #tpu.memory_space<hbm>>
      %dma_start3A_104 = tpu.memref_slice %arg3[%add3A_102] : memref<320000xi32, #tpu.memory_space<hbm>> -> memref<40xi32, #tpu.memory_space<hbm>>
      tpu.enqueue_dma source(%dma_start3A_104 : memref<40xi32, #tpu.memory_space<hbm>>) target(%arg7 : memref<40xi32, #tpu.memory_space<vmem>>) target_semaphore(%arg14 : memref<!tpu.dma_semaphore, #tpu.memory_space<semaphore_mem>>)
      %mul3A_105 = arith.constant 40 : i32
      %mul3A_106 = arith.muli %add3A_99, %mul3A_105 : i32
      %add3A_107 = arith.addi %mul3A_2, %mul3A_106 : i32
      %dma_start3A_108 = tpu.memref_slice %arg4[%add3A_107] : memref<320000xi32, #tpu.memory_space<hbm>> -> memref<40xi32, #tpu.memory_space<hbm>>
      %dma_start3A_109 = tpu.memref_slice %arg4[%add3A_107] : memref<320000xi32, #tpu.memory_space<hbm>> -> memref<40xi32, #tpu.memory_space<hbm>>
      tpu.enqueue_dma source(%dma_start3A_109 : memref<40xi32, #tpu.memory_space<hbm>>) target(%arg9 : memref<40xi32, #tpu.memory_space<vmem>>) target_semaphore(%arg14 : memref<!tpu.dma_semaphore, #tpu.memory_space<semaphore_mem>>)
      %dma_wait3A_110 = arith.constant 0 : i32
      %dma_wait3A_111 = arith.constant 0 : i32
      %dma_wait3A_112 = tpu.memref_slice %arg5[%dma_wait3A_110, %dma_wait3A_111] : memref<632x128xf32, #tpu.memory_space<hbm>> -> memref<40x128xf32, #tpu.memory_space<hbm>>
      %dma_wait3A_113 = arith.constant 0 : i32
      %dma_wait3A_114 = arith.constant 0 : i32
      %dma_wait3A_115 = tpu.memref_slice %arg5[%dma_wait3A_113, %dma_wait3A_114] : memref<632x128xf32, #tpu.memory_space<hbm>> -> memref<40x128xf32, #tpu.memory_space<hbm>>
      tpu.wait_dma2 semaphore(%arg17 : memref<!tpu.dma_semaphore, #tpu.memory_space<semaphore_mem>>) src(%dma_wait3A_115 : memref<40x128xf32, #tpu.memory_space<hbm>>) dst(%arg12 : memref<40x128xf32, #tpu.memory_space<vmem>>)
      "tpu.region"() ({
        %run_scoped3A = tpu.sem_alloc : memref<!tpu.dma_semaphore, #tpu.memory_space<semaphore_mem>>
        %dma_start3A_132 = arith.constant 0 : i32
        %dma_start3A_133 = arith.constant 0 : i32
        %dma_start3A_134 = tpu.memref_slice %arg13[%dma_start3A_132, %dma_start3A_133] : memref<10112x128xf32, #tpu.memory_space<vmem_shared>> -> memref<10112x128xf32, #tpu.memory_space<vmem_shared>>
        tpu.enqueue_indirect_dma source(%arg12 : memref<40x128xf32, #tpu.memory_space<vmem>>) target(%dma_start3A_134 : memref<10112x128xf32, #tpu.memory_space<vmem_shared>>) offsets(%arg10 : memref<40xi32, #tpu.memory_space<vmem>>) semaphore(%run_scoped3A : memref<!tpu.dma_semaphore, #tpu.memory_space<semaphore_mem>>) {add = true}
        %dma_wait3A_135 = arith.constant 0 : i32
        %dma_wait3A_136 = arith.constant 0 : i32
        %dma_wait3A_137 = tpu.memref_slice %arg13[%dma_wait3A_135, %dma_wait3A_136] : memref<10112x128xf32, #tpu.memory_space<vmem_shared>> -> memref<10112x128xf32, #tpu.memory_space<vmem_shared>>
        tpu.wait_indirect_dma semaphore(%run_scoped3A : memref<!tpu.dma_semaphore, #tpu.memory_space<semaphore_mem>>) src(%arg12 : memref<40x128xf32, #tpu.memory_space<vmem>>) dst(%dma_wait3A_137 : memref<10112x128xf32, #tpu.memory_space<vmem_shared>>)
        tpu.yield
      }) : () -> ()
      %add3A_116 = arith.constant 1 : i32
      %add3A_117 = arith.addi %scan3A_65, %add3A_116 : i32
      %mul3A_118 = arith.constant 2 : i32
      %mul3A_119 = arith.muli %mul3A_118, %add3A_117 : i32
      %add3A_120 = arith.constant 1 : i32
      %add3A_121 = arith.addi %mul3A_119, %add3A_120 : i32
      %mul3A_122 = arith.constant 40 : i32
      %mul3A_123 = arith.muli %add3A_121, %mul3A_122 : i32
      %add3A_124 = arith.addi %mul3A_2, %mul3A_123 : i32
      %dma_start3A_125 = tpu.memref_slice %arg3[%add3A_124] : memref<320000xi32, #tpu.memory_space<hbm>> -> memref<40xi32, #tpu.memory_space<hbm>>
      %dma_start3A_126 = tpu.memref_slice %arg3[%add3A_124] : memref<320000xi32, #tpu.memory_space<hbm>> -> memref<40xi32, #tpu.memory_space<hbm>>
      tpu.enqueue_dma source(%dma_start3A_126 : memref<40xi32, #tpu.memory_space<hbm>>) target(%arg8 : memref<40xi32, #tpu.memory_space<vmem>>) target_semaphore(%arg15 : memref<!tpu.dma_semaphore, #tpu.memory_space<semaphore_mem>>)
      %mul3A_127 = arith.constant 40 : i32
      %mul3A_128 = arith.muli %add3A_121, %mul3A_127 : i32
      %add3A_129 = arith.addi %mul3A_2, %mul3A_128 : i32
      %dma_start3A_130 = tpu.memref_slice %arg4[%add3A_129] : memref<320000xi32, #tpu.memory_space<hbm>> -> memref<40xi32, #tpu.memory_space<hbm>>
      %dma_start3A_131 = tpu.memref_slice %arg4[%add3A_129] : memref<320000xi32, #tpu.memory_space<hbm>> -> memref<40xi32, #tpu.memory_space<hbm>>
      tpu.enqueue_dma source(%dma_start3A_131 : memref<40xi32, #tpu.memory_space<hbm>>) target(%arg10 : memref<40xi32, #tpu.memory_space<vmem>>) target_semaphore(%arg15 : memref<!tpu.dma_semaphore, #tpu.memory_space<semaphore_mem>>)
    }
    %scan3A_24 = arith.constant 124 : i32
    %dma_wait3A = arith.constant 0 : i32
    %dma_wait3A_25 = tpu.memref_slice %arg3[%dma_wait3A] : memref<320000xi32, #tpu.memory_space<hbm>> -> memref<40xi32, #tpu.memory_space<hbm>>
    %dma_wait3A_26 = arith.constant 0 : i32
    %dma_wait3A_27 = tpu.memref_slice %arg3[%dma_wait3A_26] : memref<320000xi32, #tpu.memory_space<hbm>> -> memref<40xi32, #tpu.memory_space<hbm>>
    tpu.wait_dma2 semaphore(%arg14 : memref<!tpu.dma_semaphore, #tpu.memory_space<semaphore_mem>>) src(%dma_wait3A_27 : memref<40xi32, #tpu.memory_space<hbm>>) dst(%arg7 : memref<40xi32, #tpu.memory_space<vmem>>)
    %dma_wait3A_28 = arith.constant 0 : i32
    %dma_wait3A_29 = tpu.memref_slice %arg3[%dma_wait3A_28] : memref<320000xi32, #tpu.memory_space<hbm>> -> memref<40xi32, #tpu.memory_space<hbm>>
    %dma_wait3A_30 = arith.constant 0 : i32
    %dma_wait3A_31 = tpu.memref_slice %arg3[%dma_wait3A_30] : memref<320000xi32, #tpu.memory_space<hbm>> -> memref<40xi32, #tpu.memory_space<hbm>>
    tpu.wait_dma2 semaphore(%arg14 : memref<!tpu.dma_semaphore, #tpu.memory_space<semaphore_mem>>) src(%dma_wait3A_31 : memref<40xi32, #tpu.memory_space<hbm>>) dst(%arg9 : memref<40xi32, #tpu.memory_space<vmem>>)
    %dma_start3A_32 = arith.constant 0 : i32
    %dma_start3A_33 = arith.constant 0 : i32
    %dma_start3A_34 = tpu.memref_slice %arg2[%dma_start3A_32, %dma_start3A_33] : memref<10000x128xf32, #tpu.memory_space<hbm>> -> memref<10000x128xf32, #tpu.memory_space<hbm>>
    tpu.enqueue_indirect_dma source(%dma_start3A_34 : memref<10000x128xf32, #tpu.memory_space<hbm>>) target(%arg11 : memref<40x128xf32, #tpu.memory_space<vmem>>) offsets(%arg7 : memref<40xi32, #tpu.memory_space<vmem>>) semaphore(%arg16 : memref<!tpu.dma_semaphore, #tpu.memory_space<semaphore_mem>>)
    %dma_wait3A_35 = arith.constant 0 : i32
    %dma_wait3A_36 = tpu.memref_slice %arg3[%dma_wait3A_35] : memref<320000xi32, #tpu.memory_space<hbm>> -> memref<40xi32, #tpu.memory_space<hbm>>
    %dma_wait3A_37 = arith.constant 0 : i32
    %dma_wait3A_38 = tpu.memref_slice %arg3[%dma_wait3A_37] : memref<320000xi32, #tpu.memory_space<hbm>> -> memref<40xi32, #tpu.memory_space<hbm>>
    tpu.wait_dma2 semaphore(%arg15 : memref<!tpu.dma_semaphore, #tpu.memory_space<semaphore_mem>>) src(%dma_wait3A_38 : memref<40xi32, #tpu.memory_space<hbm>>) dst(%arg8 : memref<40xi32, #tpu.memory_space<vmem>>)
    %dma_wait3A_39 = arith.constant 0 : i32
    %dma_wait3A_40 = tpu.memref_slice %arg3[%dma_wait3A_39] : memref<320000xi32, #tpu.memory_space<hbm>> -> memref<40xi32, #tpu.memory_space<hbm>>
    %dma_wait3A_41 = arith.constant 0 : i32
    %dma_wait3A_42 = tpu.memref_slice %arg3[%dma_wait3A_41] : memref<320000xi32, #tpu.memory_space<hbm>> -> memref<40xi32, #tpu.memory_space<hbm>>
    tpu.wait_dma2 semaphore(%arg15 : memref<!tpu.dma_semaphore, #tpu.memory_space<semaphore_mem>>) src(%dma_wait3A_42 : memref<40xi32, #tpu.memory_space<hbm>>) dst(%arg10 : memref<40xi32, #tpu.memory_space<vmem>>)
    %dma_start3A_43 = arith.constant 0 : i32
    %dma_start3A_44 = arith.constant 0 : i32
    %dma_start3A_45 = tpu.memref_slice %arg2[%dma_start3A_43, %dma_start3A_44] : memref<10000x128xf32, #tpu.memory_space<hbm>> -> memref<10000x128xf32, #tpu.memory_space<hbm>>
    tpu.enqueue_indirect_dma source(%dma_start3A_45 : memref<10000x128xf32, #tpu.memory_space<hbm>>) target(%arg12 : memref<40x128xf32, #tpu.memory_space<vmem>>) offsets(%arg8 : memref<40xi32, #tpu.memory_space<vmem>>) semaphore(%arg17 : memref<!tpu.dma_semaphore, #tpu.memory_space<semaphore_mem>>)
    %dma_wait3A_46 = arith.constant 0 : i32
    %dma_wait3A_47 = arith.constant 0 : i32
    %dma_wait3A_48 = tpu.memref_slice %arg5[%dma_wait3A_46, %dma_wait3A_47] : memref<632x128xf32, #tpu.memory_space<hbm>> -> memref<40x128xf32, #tpu.memory_space<hbm>>
    %dma_wait3A_49 = arith.constant 0 : i32
    %dma_wait3A_50 = arith.constant 0 : i32
    %dma_wait3A_51 = tpu.memref_slice %arg5[%dma_wait3A_49, %dma_wait3A_50] : memref<632x128xf32, #tpu.memory_space<hbm>> -> memref<40x128xf32, #tpu.memory_space<hbm>>
    tpu.wait_dma2 semaphore(%arg16 : memref<!tpu.dma_semaphore, #tpu.memory_space<semaphore_mem>>) src(%dma_wait3A_51 : memref<40x128xf32, #tpu.memory_space<hbm>>) dst(%arg11 : memref<40x128xf32, #tpu.memory_space<vmem>>)
    "tpu.region"() ({
      %run_scoped3A = tpu.sem_alloc : memref<!tpu.dma_semaphore, #tpu.memory_space<semaphore_mem>>
      %dma_start3A_65 = arith.constant 0 : i32
      %dma_start3A_66 = arith.constant 0 : i32
      %dma_start3A_67 = tpu.memref_slice %arg13[%dma_start3A_65, %dma_start3A_66] : memref<10112x128xf32, #tpu.memory_space<vmem_shared>> -> memref<10112x128xf32, #tpu.memory_space<vmem_shared>>
      tpu.enqueue_indirect_dma source(%arg11 : memref<40x128xf32, #tpu.memory_space<vmem>>) target(%dma_start3A_67 : memref<10112x128xf32, #tpu.memory_space<vmem_shared>>) offsets(%arg9 : memref<40xi32, #tpu.memory_space<vmem>>) semaphore(%run_scoped3A : memref<!tpu.dma_semaphore, #tpu.memory_space<semaphore_mem>>) {add = true}
      %dma_wait3A_68 = arith.constant 0 : i32
      %dma_wait3A_69 = arith.constant 0 : i32
      %dma_wait3A_70 = tpu.memref_slice %arg13[%dma_wait3A_68, %dma_wait3A_69] : memref<10112x128xf32, #tpu.memory_space<vmem_shared>> -> memref<10112x128xf32, #tpu.memory_space<vmem_shared>>
      tpu.wait_indirect_dma semaphore(%run_scoped3A : memref<!tpu.dma_semaphore, #tpu.memory_space<semaphore_mem>>) src(%arg11 : memref<40x128xf32, #tpu.memory_space<vmem>>) dst(%dma_wait3A_70 : memref<10112x128xf32, #tpu.memory_space<vmem_shared>>)
      tpu.yield
    }) : () -> ()
    %dma_wait3A_52 = arith.constant 0 : i32
    %dma_wait3A_53 = arith.constant 0 : i32
    %dma_wait3A_54 = tpu.memref_slice %arg5[%dma_wait3A_52, %dma_wait3A_53] : memref<632x128xf32, #tpu.memory_space<hbm>> -> memref<40x128xf32, #tpu.memory_space<hbm>>
    %dma_wait3A_55 = arith.constant 0 : i32
    %dma_wait3A_56 = arith.constant 0 : i32
    %dma_wait3A_57 = tpu.memref_slice %arg5[%dma_wait3A_55, %dma_wait3A_56] : memref<632x128xf32, #tpu.memory_space<hbm>> -> memref<40x128xf32, #tpu.memory_space<hbm>>
    tpu.wait_dma2 semaphore(%arg17 : memref<!tpu.dma_semaphore, #tpu.memory_space<semaphore_mem>>) src(%dma_wait3A_57 : memref<40x128xf32, #tpu.memory_space<hbm>>) dst(%arg12 : memref<40x128xf32, #tpu.memory_space<vmem>>)
    "tpu.region"() ({
      %run_scoped3A = tpu.sem_alloc : memref<!tpu.dma_semaphore, #tpu.memory_space<semaphore_mem>>
      %dma_start3A_65 = arith.constant 0 : i32
      %dma_start3A_66 = arith.constant 0 : i32
      %dma_start3A_67 = tpu.memref_slice %arg13[%dma_start3A_65, %dma_start3A_66] : memref<10112x128xf32, #tpu.memory_space<vmem_shared>> -> memref<10112x128xf32, #tpu.memory_space<vmem_shared>>
      tpu.enqueue_indirect_dma source(%arg12 : memref<40x128xf32, #tpu.memory_space<vmem>>) target(%dma_start3A_67 : memref<10112x128xf32, #tpu.memory_space<vmem_shared>>) offsets(%arg10 : memref<40xi32, #tpu.memory_space<vmem>>) semaphore(%run_scoped3A : memref<!tpu.dma_semaphore, #tpu.memory_space<semaphore_mem>>) {add = true}
      %dma_wait3A_68 = arith.constant 0 : i32
      %dma_wait3A_69 = arith.constant 0 : i32
      %dma_wait3A_70 = tpu.memref_slice %arg13[%dma_wait3A_68, %dma_wait3A_69] : memref<10112x128xf32, #tpu.memory_space<vmem_shared>> -> memref<10112x128xf32, #tpu.memory_space<vmem_shared>>
      tpu.wait_indirect_dma semaphore(%run_scoped3A : memref<!tpu.dma_semaphore, #tpu.memory_space<semaphore_mem>>) src(%arg12 : memref<40x128xf32, #tpu.memory_space<vmem>>) dst(%dma_wait3A_70 : memref<10112x128xf32, #tpu.memory_space<vmem_shared>>)
      tpu.yield
    }) : () -> ()
    %barrier3A_58 = arith.constant 0 : index
    tpu.barrier barrier_id(%barrier3A_58)
    %lt3A = arith.constant 15 : i32
    %lt3A_59 = arith.cmpi slt, %arg1, %lt3A : i32
    %convert_element_type3A = arith.extui %lt3A_59 : i1 to i32
    %cond3A = arith.constant 0 : i32
    %cond3A_60 = arith.cmpi ne, %convert_element_type3A, %cond3A : i32
    scf.if %cond3A_60 {
      %mul3A_65 = arith.constant 10000 : i32
      %mul3A_66 = arith.muli %arg0, %mul3A_65 : i32
      %mul3A_67 = arith.constant 632 : i32
      %mul3A_68 = arith.muli %arg1, %mul3A_67 : i32
      %add3A_69 = arith.addi %mul3A_66, %mul3A_68 : i32
      %mul3A_70 = arith.constant 632 : i32
      %mul3A_71 = arith.muli %arg1, %mul3A_70 : i32
      "tpu.region"() ({
        %run_scoped3A = tpu.sem_alloc : memref<!tpu.dma_semaphore, #tpu.memory_space<semaphore_mem>>
        %dma_start3A_72 = arith.constant 0 : i32
        %dma_start3A_73 = tpu.memref_slice %arg6[%add3A_69, %dma_start3A_72] : memref<20000x128xf32, #tpu.memory_space<hbm>> -> memref<632x128xf32, #tpu.memory_space<hbm>>
        %dma_start3A_74 = arith.constant 0 : i32
        %dma_start3A_75 = tpu.memref_slice %arg13[%mul3A_71, %dma_start3A_74] : memref<10112x128xf32, #tpu.memory_space<vmem_shared>> -> memref<632x128xf32, #tpu.memory_space<vmem_shared>>
        tpu.enqueue_dma source(%dma_start3A_75 : memref<632x128xf32, #tpu.memory_space<vmem_shared>>) target(%dma_start3A_73 : memref<632x128xf32, #tpu.memory_space<hbm>>) target_semaphore(%run_scoped3A : memref<!tpu.dma_semaphore, #tpu.memory_space<semaphore_mem>>)
        %dma_wait3A_76 = arith.constant 0 : i32
        %dma_wait3A_77 = tpu.memref_slice %arg6[%add3A_69, %dma_wait3A_76] : memref<20000x128xf32, #tpu.memory_space<hbm>> -> memref<632x128xf32, #tpu.memory_space<hbm>>
        %dma_wait3A_78 = arith.constant 0 : i32
        %dma_wait3A_79 = tpu.memref_slice %arg13[%mul3A_71, %dma_wait3A_78] : memref<10112x128xf32, #tpu.memory_space<vmem_shared>> -> memref<632x128xf32, #tpu.memory_space<vmem_shared>>
        tpu.wait_dma2 semaphore(%run_scoped3A : memref<!tpu.dma_semaphore, #tpu.memory_space<semaphore_mem>>) src(%dma_wait3A_79 : memref<632x128xf32, #tpu.memory_space<vmem_shared>>) dst(%dma_wait3A_77 : memref<632x128xf32, #tpu.memory_space<hbm>>)
        tpu.yield
      }) : () -> ()
    } else {
    }
    %eq3A = arith.constant 15 : i32
    %eq3A_61 = arith.cmpi eq, %arg1, %eq3A : i32
    %convert_element_type3A_62 = arith.extui %eq3A_61 : i1 to i32
    %cond3A_63 = arith.constant 0 : i32
    %cond3A_64 = arith.cmpi ne, %convert_element_type3A_62, %cond3A_63 : i32
    scf.if %cond3A_64 {
      %mul3A_65 = arith.constant 10000 : i32
      %mul3A_66 = arith.muli %arg0, %mul3A_65 : i32
      %add3A_67 = arith.constant 9480 : i32
      %add3A_68 = arith.addi %mul3A_66, %add3A_67 : i32
      "tpu.region"() ({
        %run_scoped3A = tpu.sem_alloc : memref<!tpu.dma_semaphore, #tpu.memory_space<semaphore_mem>>
        %dma_start3A_69 = arith.constant 0 : i32
        %dma_start3A_70 = tpu.memref_slice %arg6[%add3A_68, %dma_start3A_69] : memref<20000x128xf32, #tpu.memory_space<hbm>> -> memref<520x128xf32, #tpu.memory_space<hbm>>
        %dma_start3A_71 = arith.constant 9480 : i32
        %dma_start3A_72 = arith.constant 0 : i32
        %dma_start3A_73 = tpu.memref_slice %arg13[%dma_start3A_71, %dma_start3A_72] : memref<10112x128xf32, #tpu.memory_space<vmem_shared>> -> memref<520x128xf32, #tpu.memory_space<vmem_shared>>
        tpu.enqueue_dma source(%dma_start3A_73 : memref<520x128xf32, #tpu.memory_space<vmem_shared>>) target(%dma_start3A_70 : memref<520x128xf32, #tpu.memory_space<hbm>>) target_semaphore(%run_scoped3A : memref<!tpu.dma_semaphore, #tpu.memory_space<semaphore_mem>>)
        %dma_wait3A_74 = arith.constant 0 : i32
        %dma_wait3A_75 = tpu.memref_slice %arg6[%add3A_68, %dma_wait3A_74] : memref<20000x128xf32, #tpu.memory_space<hbm>> -> memref<520x128xf32, #tpu.memory_space<hbm>>
        %dma_wait3A_76 = arith.constant 9480 : i32
        %dma_wait3A_77 = arith.constant 0 : i32
        %dma_wait3A_78 = tpu.memref_slice %arg13[%dma_wait3A_76, %dma_wait3A_77] : memref<10112x128xf32, #tpu.memory_space<vmem_shared>> -> memref<520x128xf32, #tpu.memory_space<vmem_shared>>
        tpu.wait_dma2 semaphore(%run_scoped3A : memref<!tpu.dma_semaphore, #tpu.memory_space<semaphore_mem>>) src(%dma_wait3A_78 : memref<520x128xf32, #tpu.memory_space<vmem_shared>>) dst(%dma_wait3A_75 : memref<520x128xf32, #tpu.memory_space<hbm>>)
        tpu.yield
      }) : () -> ()
    } else {
    }
    return
  }
}

#map = affine_map<(d0, d1) -> (0)>
#map1 = affine_map<(d0, d1) -> (0, 0)>
module attributes {stable_mosaic.version = 14 : i64} {
  func.func @deg_kernel(%arg0: i32, %arg1: i32, %arg2: memref<320000xi32, #tpu.memory_space<hbm>>, %arg3: memref<320000xi32, #tpu.memory_space<hbm>>, %arg4: memref<40x128xf32, #tpu.memory_space<hbm>>, %arg5: memref<40x128xf32, #tpu.memory_space<hbm>>, %arg6: memref<632x128xf32, #tpu.memory_space<hbm>>, %arg7: memref<20000x128xf32, #tpu.memory_space<hbm>>, %arg8: memref<40xi32, #tpu.memory_space<vmem>>, %arg9: memref<40xi32, #tpu.memory_space<vmem>>, %arg10: memref<40xi32, #tpu.memory_space<vmem>>, %arg11: memref<40xi32, #tpu.memory_space<vmem>>, %arg12: memref<40x128xf32, #tpu.memory_space<vmem>>, %arg13: memref<40x128xf32, #tpu.memory_space<vmem>>, %arg14: memref<10112x128xf32, #tpu.memory_space<vmem_shared>>, %arg15: memref<!tpu.dma_semaphore, #tpu.memory_space<semaphore_mem>>, %arg16: memref<!tpu.dma_semaphore, #tpu.memory_space<semaphore_mem>>) attributes {dimension_semantics = [#tpu.dimension_semantics<core_parallel>, #tpu.dimension_semantics<subcore_parallel>], iteration_bounds = array<i64: 2, 16>, scalar_prefetch = 0 : i64, scratch_operands = 9 : i64, tpu.core_type = #tpu.core_type<sc_vector_subcore>, window_params = [{transform_indices = #map}, {transform_indices = #map}, {transform_indices = #map1}, {transform_indices = #map1}, {transform_indices = #map1}, {transform_indices = #map1}]} {
    %mul3A = arith.constant 16 : i32
    %mul3A_0 = arith.muli %arg0, %mul3A : i32
    %add3A = arith.addi %mul3A_0, %arg1 : i32
    %mul3A_1 = arith.constant 10000 : i32
    %mul3A_2 = arith.muli %add3A, %mul3A_1 : i32
    "tpu.region"() ({
      %run_scoped3A = tpu.sem_alloc : memref<!tpu.dma_semaphore, #tpu.memory_space<semaphore_mem>>
      tpu.enqueue_dma source(%arg4 : memref<40x128xf32, #tpu.memory_space<hbm>>) target(%arg12 : memref<40x128xf32, #tpu.memory_space<vmem>>) target_semaphore(%run_scoped3A : memref<!tpu.dma_semaphore, #tpu.memory_space<semaphore_mem>>)
      tpu.wait_dma2 semaphore(%run_scoped3A : memref<!tpu.dma_semaphore, #tpu.memory_space<semaphore_mem>>) src(%arg4 : memref<40x128xf32, #tpu.memory_space<hbm>>) dst(%arg12 : memref<40x128xf32, #tpu.memory_space<vmem>>)
      tpu.yield
    }) : () -> ()
    "tpu.region"() ({
      %run_scoped3A = tpu.sem_alloc : memref<!tpu.dma_semaphore, #tpu.memory_space<semaphore_mem>>
      tpu.enqueue_dma source(%arg5 : memref<40x128xf32, #tpu.memory_space<hbm>>) target(%arg13 : memref<40x128xf32, #tpu.memory_space<vmem>>) target_semaphore(%run_scoped3A : memref<!tpu.dma_semaphore, #tpu.memory_space<semaphore_mem>>)
      tpu.wait_dma2 semaphore(%run_scoped3A : memref<!tpu.dma_semaphore, #tpu.memory_space<semaphore_mem>>) src(%arg5 : memref<40x128xf32, #tpu.memory_space<hbm>>) dst(%arg13 : memref<40x128xf32, #tpu.memory_space<vmem>>)
      tpu.yield
    }) : () -> ()
    %mul3A_3 = arith.constant 632 : i32
    %mul3A_4 = arith.muli %arg1, %mul3A_3 : i32
    "tpu.region"() ({
      %run_scoped3A = tpu.sem_alloc : memref<!tpu.dma_semaphore, #tpu.memory_space<semaphore_mem>>
      %dma_start3A_47 = arith.constant 0 : i32
      %dma_start3A_48 = tpu.memref_slice %arg14[%mul3A_4, %dma_start3A_47] : memref<10112x128xf32, #tpu.memory_space<vmem_shared>> -> memref<632x128xf32, #tpu.memory_space<vmem_shared>>
      tpu.enqueue_dma source(%arg6 : memref<632x128xf32, #tpu.memory_space<hbm>>) target(%dma_start3A_48 : memref<632x128xf32, #tpu.memory_space<vmem_shared>>) target_semaphore(%run_scoped3A : memref<!tpu.dma_semaphore, #tpu.memory_space<semaphore_mem>>)
      %dma_wait3A_49 = arith.constant 0 : i32
      %dma_wait3A_50 = tpu.memref_slice %arg14[%mul3A_4, %dma_wait3A_49] : memref<10112x128xf32, #tpu.memory_space<vmem_shared>> -> memref<632x128xf32, #tpu.memory_space<vmem_shared>>
      tpu.wait_dma2 semaphore(%run_scoped3A : memref<!tpu.dma_semaphore, #tpu.memory_space<semaphore_mem>>) src(%arg6 : memref<632x128xf32, #tpu.memory_space<hbm>>) dst(%dma_wait3A_50 : memref<632x128xf32, #tpu.memory_space<vmem_shared>>)
      tpu.yield
    }) : () -> ()
    %barrier3A = arith.constant 0 : index
    tpu.barrier barrier_id(%barrier3A)
    %add3A_5 = arith.constant 0 : i32
    %add3A_6 = arith.addi %mul3A_2, %add3A_5 : i32
    %dma_start3A = tpu.memref_slice %arg2[%add3A_6] : memref<320000xi32, #tpu.memory_space<hbm>> -> memref<40xi32, #tpu.memory_space<hbm>>
    %dma_start3A_7 = tpu.memref_slice %arg2[%add3A_6] : memref<320000xi32, #tpu.memory_space<hbm>> -> memref<40xi32, #tpu.memory_space<hbm>>
    tpu.enqueue_dma source(%dma_start3A_7 : memref<40xi32, #tpu.memory_space<hbm>>) target(%arg8 : memref<40xi32, #tpu.memory_space<vmem>>) target_semaphore(%arg15 : memref<!tpu.dma_semaphore, #tpu.memory_space<semaphore_mem>>)
    %add3A_8 = arith.constant 0 : i32
    %add3A_9 = arith.addi %mul3A_2, %add3A_8 : i32
    %dma_start3A_10 = tpu.memref_slice %arg3[%add3A_9] : memref<320000xi32, #tpu.memory_space<hbm>> -> memref<40xi32, #tpu.memory_space<hbm>>
    %dma_start3A_11 = tpu.memref_slice %arg3[%add3A_9] : memref<320000xi32, #tpu.memory_space<hbm>> -> memref<40xi32, #tpu.memory_space<hbm>>
    tpu.enqueue_dma source(%dma_start3A_11 : memref<40xi32, #tpu.memory_space<hbm>>) target(%arg10 : memref<40xi32, #tpu.memory_space<vmem>>) target_semaphore(%arg15 : memref<!tpu.dma_semaphore, #tpu.memory_space<semaphore_mem>>)
    %add3A_12 = arith.constant 40 : i32
    %add3A_13 = arith.addi %mul3A_2, %add3A_12 : i32
    %dma_start3A_14 = tpu.memref_slice %arg2[%add3A_13] : memref<320000xi32, #tpu.memory_space<hbm>> -> memref<40xi32, #tpu.memory_space<hbm>>
    %dma_start3A_15 = tpu.memref_slice %arg2[%add3A_13] : memref<320000xi32, #tpu.memory_space<hbm>> -> memref<40xi32, #tpu.memory_space<hbm>>
    tpu.enqueue_dma source(%dma_start3A_15 : memref<40xi32, #tpu.memory_space<hbm>>) target(%arg9 : memref<40xi32, #tpu.memory_space<vmem>>) target_semaphore(%arg16 : memref<!tpu.dma_semaphore, #tpu.memory_space<semaphore_mem>>)
    %add3A_16 = arith.constant 40 : i32
    %add3A_17 = arith.addi %mul3A_2, %add3A_16 : i32
    %dma_start3A_18 = tpu.memref_slice %arg3[%add3A_17] : memref<320000xi32, #tpu.memory_space<hbm>> -> memref<40xi32, #tpu.memory_space<hbm>>
    %dma_start3A_19 = tpu.memref_slice %arg3[%add3A_17] : memref<320000xi32, #tpu.memory_space<hbm>> -> memref<40xi32, #tpu.memory_space<hbm>>
    tpu.enqueue_dma source(%dma_start3A_19 : memref<40xi32, #tpu.memory_space<hbm>>) target(%arg11 : memref<40xi32, #tpu.memory_space<vmem>>) target_semaphore(%arg16 : memref<!tpu.dma_semaphore, #tpu.memory_space<semaphore_mem>>)
    %scan3A = arith.constant 0 : i32
    %scan3A_20 = arith.constant 0 : i32
    %scan3A_21 = arith.constant 124 : i32
    %scan3A_22 = arith.addi %scan3A_20, %scan3A_21 : i32
    %scan3A_23 = arith.constant 1 : i32
    scf.for %scan3A_47 = %scan3A_20 to %scan3A_22 step %scan3A_23  : i32 {
      %dma_wait3A_48 = arith.constant 0 : i32
      %dma_wait3A_49 = tpu.memref_slice %arg2[%dma_wait3A_48] : memref<320000xi32, #tpu.memory_space<hbm>> -> memref<40xi32, #tpu.memory_space<hbm>>
      %dma_wait3A_50 = arith.constant 0 : i32
      %dma_wait3A_51 = tpu.memref_slice %arg2[%dma_wait3A_50] : memref<320000xi32, #tpu.memory_space<hbm>> -> memref<40xi32, #tpu.memory_space<hbm>>
      tpu.wait_dma2 semaphore(%arg15 : memref<!tpu.dma_semaphore, #tpu.memory_space<semaphore_mem>>) src(%dma_wait3A_51 : memref<40xi32, #tpu.memory_space<hbm>>) dst(%arg8 : memref<40xi32, #tpu.memory_space<vmem>>)
      %dma_wait3A_52 = arith.constant 0 : i32
      %dma_wait3A_53 = tpu.memref_slice %arg2[%dma_wait3A_52] : memref<320000xi32, #tpu.memory_space<hbm>> -> memref<40xi32, #tpu.memory_space<hbm>>
      %dma_wait3A_54 = arith.constant 0 : i32
      %dma_wait3A_55 = tpu.memref_slice %arg2[%dma_wait3A_54] : memref<320000xi32, #tpu.memory_space<hbm>> -> memref<40xi32, #tpu.memory_space<hbm>>
      tpu.wait_dma2 semaphore(%arg15 : memref<!tpu.dma_semaphore, #tpu.memory_space<semaphore_mem>>) src(%dma_wait3A_55 : memref<40xi32, #tpu.memory_space<hbm>>) dst(%arg10 : memref<40xi32, #tpu.memory_space<vmem>>)
      "tpu.region"() ({
        %run_scoped3A = tpu.sem_alloc : memref<!tpu.dma_semaphore, #tpu.memory_space<semaphore_mem>>
        %dma_start3A_96 = arith.constant 0 : i32
        %dma_start3A_97 = arith.constant 0 : i32
        %dma_start3A_98 = tpu.memref_slice %arg14[%dma_start3A_96, %dma_start3A_97] : memref<10112x128xf32, #tpu.memory_space<vmem_shared>> -> memref<10112x128xf32, #tpu.memory_space<vmem_shared>>
        tpu.enqueue_indirect_dma source(%arg12 : memref<40x128xf32, #tpu.memory_space<vmem>>) target(%dma_start3A_98 : memref<10112x128xf32, #tpu.memory_space<vmem_shared>>) offsets(%arg8 : memref<40xi32, #tpu.memory_space<vmem>>) semaphore(%run_scoped3A : memref<!tpu.dma_semaphore, #tpu.memory_space<semaphore_mem>>) {add = true}
        %dma_wait3A_99 = arith.constant 0 : i32
        %dma_wait3A_100 = arith.constant 0 : i32
        %dma_wait3A_101 = tpu.memref_slice %arg14[%dma_wait3A_99, %dma_wait3A_100] : memref<10112x128xf32, #tpu.memory_space<vmem_shared>> -> memref<10112x128xf32, #tpu.memory_space<vmem_shared>>
        tpu.wait_indirect_dma semaphore(%run_scoped3A : memref<!tpu.dma_semaphore, #tpu.memory_space<semaphore_mem>>) src(%arg12 : memref<40x128xf32, #tpu.memory_space<vmem>>) dst(%dma_wait3A_101 : memref<10112x128xf32, #tpu.memory_space<vmem_shared>>)
        tpu.yield
      }) : () -> ()
      "tpu.region"() ({
        %run_scoped3A = tpu.sem_alloc : memref<!tpu.dma_semaphore, #tpu.memory_space<semaphore_mem>>
        %dma_start3A_96 = arith.constant 0 : i32
        %dma_start3A_97 = arith.constant 0 : i32
        %dma_start3A_98 = tpu.memref_slice %arg14[%dma_start3A_96, %dma_start3A_97] : memref<10112x128xf32, #tpu.memory_space<vmem_shared>> -> memref<10112x128xf32, #tpu.memory_space<vmem_shared>>
        tpu.enqueue_indirect_dma source(%arg13 : memref<40x128xf32, #tpu.memory_space<vmem>>) target(%dma_start3A_98 : memref<10112x128xf32, #tpu.memory_space<vmem_shared>>) offsets(%arg10 : memref<40xi32, #tpu.memory_space<vmem>>) semaphore(%run_scoped3A : memref<!tpu.dma_semaphore, #tpu.memory_space<semaphore_mem>>) {add = true}
        %dma_wait3A_99 = arith.constant 0 : i32
        %dma_wait3A_100 = arith.constant 0 : i32
        %dma_wait3A_101 = tpu.memref_slice %arg14[%dma_wait3A_99, %dma_wait3A_100] : memref<10112x128xf32, #tpu.memory_space<vmem_shared>> -> memref<10112x128xf32, #tpu.memory_space<vmem_shared>>
        tpu.wait_indirect_dma semaphore(%run_scoped3A : memref<!tpu.dma_semaphore, #tpu.memory_space<semaphore_mem>>) src(%arg13 : memref<40x128xf32, #tpu.memory_space<vmem>>) dst(%dma_wait3A_101 : memref<10112x128xf32, #tpu.memory_space<vmem_shared>>)
        tpu.yield
      }) : () -> ()
      %add3A_56 = arith.constant 1 : i32
      %add3A_57 = arith.addi %scan3A_47, %add3A_56 : i32
      %mul3A_58 = arith.constant 2 : i32
      %mul3A_59 = arith.muli %mul3A_58, %add3A_57 : i32
      %add3A_60 = arith.constant 0 : i32
      %add3A_61 = arith.addi %mul3A_59, %add3A_60 : i32
      %mul3A_62 = arith.constant 40 : i32
      %mul3A_63 = arith.muli %add3A_61, %mul3A_62 : i32
      %add3A_64 = arith.addi %mul3A_2, %mul3A_63 : i32
      %dma_start3A_65 = tpu.memref_slice %arg2[%add3A_64] : memref<320000xi32, #tpu.memory_space<hbm>> -> memref<40xi32, #tpu.memory_space<hbm>>
      %dma_start3A_66 = tpu.memref_slice %arg2[%add3A_64] : memref<320000xi32, #tpu.memory_space<hbm>> -> memref<40xi32, #tpu.memory_space<hbm>>
      tpu.enqueue_dma source(%dma_start3A_66 : memref<40xi32, #tpu.memory_space<hbm>>) target(%arg8 : memref<40xi32, #tpu.memory_space<vmem>>) target_semaphore(%arg15 : memref<!tpu.dma_semaphore, #tpu.memory_space<semaphore_mem>>)
      %mul3A_67 = arith.constant 40 : i32
      %mul3A_68 = arith.muli %add3A_61, %mul3A_67 : i32
      %add3A_69 = arith.addi %mul3A_2, %mul3A_68 : i32
      %dma_start3A_70 = tpu.memref_slice %arg3[%add3A_69] : memref<320000xi32, #tpu.memory_space<hbm>> -> memref<40xi32, #tpu.memory_space<hbm>>
      %dma_start3A_71 = tpu.memref_slice %arg3[%add3A_69] : memref<320000xi32, #tpu.memory_space<hbm>> -> memref<40xi32, #tpu.memory_space<hbm>>
      tpu.enqueue_dma source(%dma_start3A_71 : memref<40xi32, #tpu.memory_space<hbm>>) target(%arg10 : memref<40xi32, #tpu.memory_space<vmem>>) target_semaphore(%arg15 : memref<!tpu.dma_semaphore, #tpu.memory_space<semaphore_mem>>)
      %dma_wait3A_72 = arith.constant 0 : i32
      %dma_wait3A_73 = tpu.memref_slice %arg2[%dma_wait3A_72] : memref<320000xi32, #tpu.memory_space<hbm>> -> memref<40xi32, #tpu.memory_space<hbm>>
      %dma_wait3A_74 = arith.constant 0 : i32
      %dma_wait3A_75 = tpu.memref_slice %arg2[%dma_wait3A_74] : memref<320000xi32, #tpu.memory_space<hbm>> -> memref<40xi32, #tpu.memory_space<hbm>>
      tpu.wait_dma2 semaphore(%arg16 : memref<!tpu.dma_semaphore, #tpu.memory_space<semaphore_mem>>) src(%dma_wait3A_75 : memref<40xi32, #tpu.memory_space<hbm>>) dst(%arg9 : memref<40xi32, #tpu.memory_space<vmem>>)
      %dma_wait3A_76 = arith.constant 0 : i32
      %dma_wait3A_77 = tpu.memref_slice %arg2[%dma_wait3A_76] : memref<320000xi32, #tpu.memory_space<hbm>> -> memref<40xi32, #tpu.memory_space<hbm>>
      %dma_wait3A_78 = arith.constant 0 : i32
      %dma_wait3A_79 = tpu.memref_slice %arg2[%dma_wait3A_78] : memref<320000xi32, #tpu.memory_space<hbm>> -> memref<40xi32, #tpu.memory_space<hbm>>
      tpu.wait_dma2 semaphore(%arg16 : memref<!tpu.dma_semaphore, #tpu.memory_space<semaphore_mem>>) src(%dma_wait3A_79 : memref<40xi32, #tpu.memory_space<hbm>>) dst(%arg11 : memref<40xi32, #tpu.memory_space<vmem>>)
      "tpu.region"() ({
        %run_scoped3A = tpu.sem_alloc : memref<!tpu.dma_semaphore, #tpu.memory_space<semaphore_mem>>
        %dma_start3A_96 = arith.constant 0 : i32
        %dma_start3A_97 = arith.constant 0 : i32
        %dma_start3A_98 = tpu.memref_slice %arg14[%dma_start3A_96, %dma_start3A_97] : memref<10112x128xf32, #tpu.memory_space<vmem_shared>> -> memref<10112x128xf32, #tpu.memory_space<vmem_shared>>
        tpu.enqueue_indirect_dma source(%arg12 : memref<40x128xf32, #tpu.memory_space<vmem>>) target(%dma_start3A_98 : memref<10112x128xf32, #tpu.memory_space<vmem_shared>>) offsets(%arg9 : memref<40xi32, #tpu.memory_space<vmem>>) semaphore(%run_scoped3A : memref<!tpu.dma_semaphore, #tpu.memory_space<semaphore_mem>>) {add = true}
        %dma_wait3A_99 = arith.constant 0 : i32
        %dma_wait3A_100 = arith.constant 0 : i32
        %dma_wait3A_101 = tpu.memref_slice %arg14[%dma_wait3A_99, %dma_wait3A_100] : memref<10112x128xf32, #tpu.memory_space<vmem_shared>> -> memref<10112x128xf32, #tpu.memory_space<vmem_shared>>
        tpu.wait_indirect_dma semaphore(%run_scoped3A : memref<!tpu.dma_semaphore, #tpu.memory_space<semaphore_mem>>) src(%arg12 : memref<40x128xf32, #tpu.memory_space<vmem>>) dst(%dma_wait3A_101 : memref<10112x128xf32, #tpu.memory_space<vmem_shared>>)
        tpu.yield
      }) : () -> ()
      "tpu.region"() ({
        %run_scoped3A = tpu.sem_alloc : memref<!tpu.dma_semaphore, #tpu.memory_space<semaphore_mem>>
        %dma_start3A_96 = arith.constant 0 : i32
        %dma_start3A_97 = arith.constant 0 : i32
        %dma_start3A_98 = tpu.memref_slice %arg14[%dma_start3A_96, %dma_start3A_97] : memref<10112x128xf32, #tpu.memory_space<vmem_shared>> -> memref<10112x128xf32, #tpu.memory_space<vmem_shared>>
        tpu.enqueue_indirect_dma source(%arg13 : memref<40x128xf32, #tpu.memory_space<vmem>>) target(%dma_start3A_98 : memref<10112x128xf32, #tpu.memory_space<vmem_shared>>) offsets(%arg11 : memref<40xi32, #tpu.memory_space<vmem>>) semaphore(%run_scoped3A : memref<!tpu.dma_semaphore, #tpu.memory_space<semaphore_mem>>) {add = true}
        %dma_wait3A_99 = arith.constant 0 : i32
        %dma_wait3A_100 = arith.constant 0 : i32
        %dma_wait3A_101 = tpu.memref_slice %arg14[%dma_wait3A_99, %dma_wait3A_100] : memref<10112x128xf32, #tpu.memory_space<vmem_shared>> -> memref<10112x128xf32, #tpu.memory_space<vmem_shared>>
        tpu.wait_indirect_dma semaphore(%run_scoped3A : memref<!tpu.dma_semaphore, #tpu.memory_space<semaphore_mem>>) src(%arg13 : memref<40x128xf32, #tpu.memory_space<vmem>>) dst(%dma_wait3A_101 : memref<10112x128xf32, #tpu.memory_space<vmem_shared>>)
        tpu.yield
      }) : () -> ()
      %add3A_80 = arith.constant 1 : i32
      %add3A_81 = arith.addi %scan3A_47, %add3A_80 : i32
      %mul3A_82 = arith.constant 2 : i32
      %mul3A_83 = arith.muli %mul3A_82, %add3A_81 : i32
      %add3A_84 = arith.constant 1 : i32
      %add3A_85 = arith.addi %mul3A_83, %add3A_84 : i32
      %mul3A_86 = arith.constant 40 : i32
      %mul3A_87 = arith.muli %add3A_85, %mul3A_86 : i32
      %add3A_88 = arith.addi %mul3A_2, %mul3A_87 : i32
      %dma_start3A_89 = tpu.memref_slice %arg2[%add3A_88] : memref<320000xi32, #tpu.memory_space<hbm>> -> memref<40xi32, #tpu.memory_space<hbm>>
      %dma_start3A_90 = tpu.memref_slice %arg2[%add3A_88] : memref<320000xi32, #tpu.memory_space<hbm>> -> memref<40xi32, #tpu.memory_space<hbm>>
      tpu.enqueue_dma source(%dma_start3A_90 : memref<40xi32, #tpu.memory_space<hbm>>) target(%arg9 : memref<40xi32, #tpu.memory_space<vmem>>) target_semaphore(%arg16 : memref<!tpu.dma_semaphore, #tpu.memory_space<semaphore_mem>>)
      %mul3A_91 = arith.constant 40 : i32
      %mul3A_92 = arith.muli %add3A_85, %mul3A_91 : i32
      %add3A_93 = arith.addi %mul3A_2, %mul3A_92 : i32
      %dma_start3A_94 = tpu.memref_slice %arg3[%add3A_93] : memref<320000xi32, #tpu.memory_space<hbm>> -> memref<40xi32, #tpu.memory_space<hbm>>
      %dma_start3A_95 = tpu.memref_slice %arg3[%add3A_93] : memref<320000xi32, #tpu.memory_space<hbm>> -> memref<40xi32, #tpu.memory_space<hbm>>
      tpu.enqueue_dma source(%dma_start3A_95 : memref<40xi32, #tpu.memory_space<hbm>>) target(%arg11 : memref<40xi32, #tpu.memory_space<vmem>>) target_semaphore(%arg16 : memref<!tpu.dma_semaphore, #tpu.memory_space<semaphore_mem>>)
    }
    %scan3A_24 = arith.constant 124 : i32
    %dma_wait3A = arith.constant 0 : i32
    %dma_wait3A_25 = tpu.memref_slice %arg2[%dma_wait3A] : memref<320000xi32, #tpu.memory_space<hbm>> -> memref<40xi32, #tpu.memory_space<hbm>>
    %dma_wait3A_26 = arith.constant 0 : i32
    %dma_wait3A_27 = tpu.memref_slice %arg2[%dma_wait3A_26] : memref<320000xi32, #tpu.memory_space<hbm>> -> memref<40xi32, #tpu.memory_space<hbm>>
    tpu.wait_dma2 semaphore(%arg15 : memref<!tpu.dma_semaphore, #tpu.memory_space<semaphore_mem>>) src(%dma_wait3A_27 : memref<40xi32, #tpu.memory_space<hbm>>) dst(%arg8 : memref<40xi32, #tpu.memory_space<vmem>>)
    %dma_wait3A_28 = arith.constant 0 : i32
    %dma_wait3A_29 = tpu.memref_slice %arg2[%dma_wait3A_28] : memref<320000xi32, #tpu.memory_space<hbm>> -> memref<40xi32, #tpu.memory_space<hbm>>
    %dma_wait3A_30 = arith.constant 0 : i32
    %dma_wait3A_31 = tpu.memref_slice %arg2[%dma_wait3A_30] : memref<320000xi32, #tpu.memory_space<hbm>> -> memref<40xi32, #tpu.memory_space<hbm>>
    tpu.wait_dma2 semaphore(%arg15 : memref<!tpu.dma_semaphore, #tpu.memory_space<semaphore_mem>>) src(%dma_wait3A_31 : memref<40xi32, #tpu.memory_space<hbm>>) dst(%arg10 : memref<40xi32, #tpu.memory_space<vmem>>)
    "tpu.region"() ({
      %run_scoped3A = tpu.sem_alloc : memref<!tpu.dma_semaphore, #tpu.memory_space<semaphore_mem>>
      %dma_start3A_47 = arith.constant 0 : i32
      %dma_start3A_48 = arith.constant 0 : i32
      %dma_start3A_49 = tpu.memref_slice %arg14[%dma_start3A_47, %dma_start3A_48] : memref<10112x128xf32, #tpu.memory_space<vmem_shared>> -> memref<10112x128xf32, #tpu.memory_space<vmem_shared>>
      tpu.enqueue_indirect_dma source(%arg12 : memref<40x128xf32, #tpu.memory_space<vmem>>) target(%dma_start3A_49 : memref<10112x128xf32, #tpu.memory_space<vmem_shared>>) offsets(%arg8 : memref<40xi32, #tpu.memory_space<vmem>>) semaphore(%run_scoped3A : memref<!tpu.dma_semaphore, #tpu.memory_space<semaphore_mem>>) {add = true}
      %dma_wait3A_50 = arith.constant 0 : i32
      %dma_wait3A_51 = arith.constant 0 : i32
      %dma_wait3A_52 = tpu.memref_slice %arg14[%dma_wait3A_50, %dma_wait3A_51] : memref<10112x128xf32, #tpu.memory_space<vmem_shared>> -> memref<10112x128xf32, #tpu.memory_space<vmem_shared>>
      tpu.wait_indirect_dma semaphore(%run_scoped3A : memref<!tpu.dma_semaphore, #tpu.memory_space<semaphore_mem>>) src(%arg12 : memref<40x128xf32, #tpu.memory_space<vmem>>) dst(%dma_wait3A_52 : memref<10112x128xf32, #tpu.memory_space<vmem_shared>>)
      tpu.yield
    }) : () -> ()
    "tpu.region"() ({
      %run_scoped3A = tpu.sem_alloc : memref<!tpu.dma_semaphore, #tpu.memory_space<semaphore_mem>>
      %dma_start3A_47 = arith.constant 0 : i32
      %dma_start3A_48 = arith.constant 0 : i32
      %dma_start3A_49 = tpu.memref_slice %arg14[%dma_start3A_47, %dma_start3A_48] : memref<10112x128xf32, #tpu.memory_space<vmem_shared>> -> memref<10112x128xf32, #tpu.memory_space<vmem_shared>>
      tpu.enqueue_indirect_dma source(%arg13 : memref<40x128xf32, #tpu.memory_space<vmem>>) target(%dma_start3A_49 : memref<10112x128xf32, #tpu.memory_space<vmem_shared>>) offsets(%arg10 : memref<40xi32, #tpu.memory_space<vmem>>) semaphore(%run_scoped3A : memref<!tpu.dma_semaphore, #tpu.memory_space<semaphore_mem>>) {add = true}
      %dma_wait3A_50 = arith.constant 0 : i32
      %dma_wait3A_51 = arith.constant 0 : i32
      %dma_wait3A_52 = tpu.memref_slice %arg14[%dma_wait3A_50, %dma_wait3A_51] : memref<10112x128xf32, #tpu.memory_space<vmem_shared>> -> memref<10112x128xf32, #tpu.memory_space<vmem_shared>>
      tpu.wait_indirect_dma semaphore(%run_scoped3A : memref<!tpu.dma_semaphore, #tpu.memory_space<semaphore_mem>>) src(%arg13 : memref<40x128xf32, #tpu.memory_space<vmem>>) dst(%dma_wait3A_52 : memref<10112x128xf32, #tpu.memory_space<vmem_shared>>)
      tpu.yield
    }) : () -> ()
    %dma_wait3A_32 = arith.constant 0 : i32
    %dma_wait3A_33 = tpu.memref_slice %arg2[%dma_wait3A_32] : memref<320000xi32, #tpu.memory_space<hbm>> -> memref<40xi32, #tpu.memory_space<hbm>>
    %dma_wait3A_34 = arith.constant 0 : i32
    %dma_wait3A_35 = tpu.memref_slice %arg2[%dma_wait3A_34] : memref<320000xi32, #tpu.memory_space<hbm>> -> memref<40xi32, #tpu.memory_space<hbm>>
    tpu.wait_dma2 semaphore(%arg16 : memref<!tpu.dma_semaphore, #tpu.memory_space<semaphore_mem>>) src(%dma_wait3A_35 : memref<40xi32, #tpu.memory_space<hbm>>) dst(%arg9 : memref<40xi32, #tpu.memory_space<vmem>>)
    %dma_wait3A_36 = arith.constant 0 : i32
    %dma_wait3A_37 = tpu.memref_slice %arg2[%dma_wait3A_36] : memref<320000xi32, #tpu.memory_space<hbm>> -> memref<40xi32, #tpu.memory_space<hbm>>
    %dma_wait3A_38 = arith.constant 0 : i32
    %dma_wait3A_39 = tpu.memref_slice %arg2[%dma_wait3A_38] : memref<320000xi32, #tpu.memory_space<hbm>> -> memref<40xi32, #tpu.memory_space<hbm>>
    tpu.wait_dma2 semaphore(%arg16 : memref<!tpu.dma_semaphore, #tpu.memory_space<semaphore_mem>>) src(%dma_wait3A_39 : memref<40xi32, #tpu.memory_space<hbm>>) dst(%arg11 : memref<40xi32, #tpu.memory_space<vmem>>)
    "tpu.region"() ({
      %run_scoped3A = tpu.sem_alloc : memref<!tpu.dma_semaphore, #tpu.memory_space<semaphore_mem>>
      %dma_start3A_47 = arith.constant 0 : i32
      %dma_start3A_48 = arith.constant 0 : i32
      %dma_start3A_49 = tpu.memref_slice %arg14[%dma_start3A_47, %dma_start3A_48] : memref<10112x128xf32, #tpu.memory_space<vmem_shared>> -> memref<10112x128xf32, #tpu.memory_space<vmem_shared>>
      tpu.enqueue_indirect_dma source(%arg12 : memref<40x128xf32, #tpu.memory_space<vmem>>) target(%dma_start3A_49 : memref<10112x128xf32, #tpu.memory_space<vmem_shared>>) offsets(%arg9 : memref<40xi32, #tpu.memory_space<vmem>>) semaphore(%run_scoped3A : memref<!tpu.dma_semaphore, #tpu.memory_space<semaphore_mem>>) {add = true}
      %dma_wait3A_50 = arith.constant 0 : i32
      %dma_wait3A_51 = arith.constant 0 : i32
      %dma_wait3A_52 = tpu.memref_slice %arg14[%dma_wait3A_50, %dma_wait3A_51] : memref<10112x128xf32, #tpu.memory_space<vmem_shared>> -> memref<10112x128xf32, #tpu.memory_space<vmem_shared>>
      tpu.wait_indirect_dma semaphore(%run_scoped3A : memref<!tpu.dma_semaphore, #tpu.memory_space<semaphore_mem>>) src(%arg12 : memref<40x128xf32, #tpu.memory_space<vmem>>) dst(%dma_wait3A_52 : memref<10112x128xf32, #tpu.memory_space<vmem_shared>>)
      tpu.yield
    }) : () -> ()
    "tpu.region"() ({
      %run_scoped3A = tpu.sem_alloc : memref<!tpu.dma_semaphore, #tpu.memory_space<semaphore_mem>>
      %dma_start3A_47 = arith.constant 0 : i32
      %dma_start3A_48 = arith.constant 0 : i32
      %dma_start3A_49 = tpu.memref_slice %arg14[%dma_start3A_47, %dma_start3A_48] : memref<10112x128xf32, #tpu.memory_space<vmem_shared>> -> memref<10112x128xf32, #tpu.memory_space<vmem_shared>>
      tpu.enqueue_indirect_dma source(%arg13 : memref<40x128xf32, #tpu.memory_space<vmem>>) target(%dma_start3A_49 : memref<10112x128xf32, #tpu.memory_space<vmem_shared>>) offsets(%arg11 : memref<40xi32, #tpu.memory_space<vmem>>) semaphore(%run_scoped3A : memref<!tpu.dma_semaphore, #tpu.memory_space<semaphore_mem>>) {add = true}
      %dma_wait3A_50 = arith.constant 0 : i32
      %dma_wait3A_51 = arith.constant 0 : i32
      %dma_wait3A_52 = tpu.memref_slice %arg14[%dma_wait3A_50, %dma_wait3A_51] : memref<10112x128xf32, #tpu.memory_space<vmem_shared>> -> memref<10112x128xf32, #tpu.memory_space<vmem_shared>>
      tpu.wait_indirect_dma semaphore(%run_scoped3A : memref<!tpu.dma_semaphore, #tpu.memory_space<semaphore_mem>>) src(%arg13 : memref<40x128xf32, #tpu.memory_space<vmem>>) dst(%dma_wait3A_52 : memref<10112x128xf32, #tpu.memory_space<vmem_shared>>)
      tpu.yield
    }) : () -> ()
    %barrier3A_40 = arith.constant 0 : index
    tpu.barrier barrier_id(%barrier3A_40)
    %lt3A = arith.constant 15 : i32
    %lt3A_41 = arith.cmpi slt, %arg1, %lt3A : i32
    %convert_element_type3A = arith.extui %lt3A_41 : i1 to i32
    %cond3A = arith.constant 0 : i32
    %cond3A_42 = arith.cmpi ne, %convert_element_type3A, %cond3A : i32
    scf.if %cond3A_42 {
      %mul3A_47 = arith.constant 10000 : i32
      %mul3A_48 = arith.muli %arg0, %mul3A_47 : i32
      %mul3A_49 = arith.constant 632 : i32
      %mul3A_50 = arith.muli %arg1, %mul3A_49 : i32
      %add3A_51 = arith.addi %mul3A_48, %mul3A_50 : i32
      %mul3A_52 = arith.constant 632 : i32
      %mul3A_53 = arith.muli %arg1, %mul3A_52 : i32
      "tpu.region"() ({
        %run_scoped3A = tpu.sem_alloc : memref<!tpu.dma_semaphore, #tpu.memory_space<semaphore_mem>>
        %dma_start3A_54 = arith.constant 0 : i32
        %dma_start3A_55 = tpu.memref_slice %arg7[%add3A_51, %dma_start3A_54] : memref<20000x128xf32, #tpu.memory_space<hbm>> -> memref<632x128xf32, #tpu.memory_space<hbm>>
        %dma_start3A_56 = arith.constant 0 : i32
        %dma_start3A_57 = tpu.memref_slice %arg14[%mul3A_53, %dma_start3A_56] : memref<10112x128xf32, #tpu.memory_space<vmem_shared>> -> memref<632x128xf32, #tpu.memory_space<vmem_shared>>
        tpu.enqueue_dma source(%dma_start3A_57 : memref<632x128xf32, #tpu.memory_space<vmem_shared>>) target(%dma_start3A_55 : memref<632x128xf32, #tpu.memory_space<hbm>>) target_semaphore(%run_scoped3A : memref<!tpu.dma_semaphore, #tpu.memory_space<semaphore_mem>>)
        %dma_wait3A_58 = arith.constant 0 : i32
        %dma_wait3A_59 = tpu.memref_slice %arg7[%add3A_51, %dma_wait3A_58] : memref<20000x128xf32, #tpu.memory_space<hbm>> -> memref<632x128xf32, #tpu.memory_space<hbm>>
        %dma_wait3A_60 = arith.constant 0 : i32
        %dma_wait3A_61 = tpu.memref_slice %arg14[%mul3A_53, %dma_wait3A_60] : memref<10112x128xf32, #tpu.memory_space<vmem_shared>> -> memref<632x128xf32, #tpu.memory_space<vmem_shared>>
        tpu.wait_dma2 semaphore(%run_scoped3A : memref<!tpu.dma_semaphore, #tpu.memory_space<semaphore_mem>>) src(%dma_wait3A_61 : memref<632x128xf32, #tpu.memory_space<vmem_shared>>) dst(%dma_wait3A_59 : memref<632x128xf32, #tpu.memory_space<hbm>>)
        tpu.yield
      }) : () -> ()
    } else {
    }
    %eq3A = arith.constant 15 : i32
    %eq3A_43 = arith.cmpi eq, %arg1, %eq3A : i32
    %convert_element_type3A_44 = arith.extui %eq3A_43 : i1 to i32
    %cond3A_45 = arith.constant 0 : i32
    %cond3A_46 = arith.cmpi ne, %convert_element_type3A_44, %cond3A_45 : i32
    scf.if %cond3A_46 {
      %mul3A_47 = arith.constant 10000 : i32
      %mul3A_48 = arith.muli %arg0, %mul3A_47 : i32
      %add3A_49 = arith.constant 9480 : i32
      %add3A_50 = arith.addi %mul3A_48, %add3A_49 : i32
      "tpu.region"() ({
        %run_scoped3A = tpu.sem_alloc : memref<!tpu.dma_semaphore, #tpu.memory_space<semaphore_mem>>
        %dma_start3A_51 = arith.constant 0 : i32
        %dma_start3A_52 = tpu.memref_slice %arg7[%add3A_50, %dma_start3A_51] : memref<20000x128xf32, #tpu.memory_space<hbm>> -> memref<520x128xf32, #tpu.memory_space<hbm>>
        %dma_start3A_53 = arith.constant 9480 : i32
        %dma_start3A_54 = arith.constant 0 : i32
        %dma_start3A_55 = tpu.memref_slice %arg14[%dma_start3A_53, %dma_start3A_54] : memref<10112x128xf32, #tpu.memory_space<vmem_shared>> -> memref<520x128xf32, #tpu.memory_space<vmem_shared>>
        tpu.enqueue_dma source(%dma_start3A_55 : memref<520x128xf32, #tpu.memory_space<vmem_shared>>) target(%dma_start3A_52 : memref<520x128xf32, #tpu.memory_space<hbm>>) target_semaphore(%run_scoped3A : memref<!tpu.dma_semaphore, #tpu.memory_space<semaphore_mem>>)
        %dma_wait3A_56 = arith.constant 0 : i32
        %dma_wait3A_57 = tpu.memref_slice %arg7[%add3A_50, %dma_wait3A_56] : memref<20000x128xf32, #tpu.memory_space<hbm>> -> memref<520x128xf32, #tpu.memory_space<hbm>>
        %dma_wait3A_58 = arith.constant 9480 : i32
        %dma_wait3A_59 = arith.constant 0 : i32
        %dma_wait3A_60 = tpu.memref_slice %arg14[%dma_wait3A_58, %dma_wait3A_59] : memref<10112x128xf32, #tpu.memory_space<vmem_shared>> -> memref<520x128xf32, #tpu.memory_space<vmem_shared>>
        tpu.wait_dma2 semaphore(%run_scoped3A : memref<!tpu.dma_semaphore, #tpu.memory_space<semaphore_mem>>) src(%dma_wait3A_60 : memref<520x128xf32, #tpu.memory_space<vmem_shared>>) dst(%dma_wait3A_57 : memref<520x128xf32, #tpu.memory_space<hbm>>)
        tpu.yield
      }) : () -> ()
    } else {
    }
    return
  }
}

#map = affine_map<(d0, d1) -> (0, 0)>
#map1 = affine_map<(d0, d1) -> (0)>
module attributes {stable_mosaic.version = 14 : i64} {
  func.func @gs_kernel(%arg0: i32, %arg1: i32, %arg2: memref<10000x128xf32, #tpu.memory_space<hbm>>, %arg3: memref<320000xi32, #tpu.memory_space<hbm>>, %arg4: memref<320000xi32, #tpu.memory_space<hbm>>, %arg5: memref<632x128xf32, #tpu.memory_space<hbm>>, %arg6: memref<20000x128xf32, #tpu.memory_space<hbm>>, %arg7: memref<40xi32, #tpu.memory_space<vmem>>, %arg8: memref<40xi32, #tpu.memory_space<vmem>>, %arg9: memref<40xi32, #tpu.memory_space<vmem>>, %arg10: memref<40xi32, #tpu.memory_space<vmem>>, %arg11: memref<40x128xf32, #tpu.memory_space<vmem>>, %arg12: memref<40x128xf32, #tpu.memory_space<vmem>>, %arg13: memref<10112x128xf32, #tpu.memory_space<vmem_shared>>, %arg14: memref<!tpu.dma_semaphore, #tpu.memory_space<semaphore_mem>>, %arg15: memref<!tpu.dma_semaphore, #tpu.memory_space<semaphore_mem>>, %arg16: memref<!tpu.dma_semaphore, #tpu.memory_space<semaphore_mem>>, %arg17: memref<!tpu.dma_semaphore, #tpu.memory_space<semaphore_mem>>) attributes {dimension_semantics = [#tpu.dimension_semantics<core_parallel>, #tpu.dimension_semantics<subcore_parallel>], iteration_bounds = array<i64: 2, 16>, scalar_prefetch = 0 : i64, scratch_operands = 11 : i64, tpu.core_type = #tpu.core_type<sc_vector_subcore>, window_params = [{transform_indices = #map}, {transform_indices = #map1}, {transform_indices = #map1}, {transform_indices = #map}, {transform_indices = #map}]} {
    %mul3A = arith.constant 16 : i32
    %mul3A_0 = arith.muli %arg0, %mul3A : i32
    %add3A = arith.addi %mul3A_0, %arg1 : i32
    %mul3A_1 = arith.constant 10000 : i32
    %mul3A_2 = arith.muli %add3A, %mul3A_1 : i32
    %mul3A_3 = arith.constant 632 : i32
    %mul3A_4 = arith.muli %arg1, %mul3A_3 : i32
    "tpu.region"() ({
      %run_scoped3A = tpu.sem_alloc : memref<!tpu.dma_semaphore, #tpu.memory_space<semaphore_mem>>
      %dma_start3A_65 = arith.constant 0 : i32
      %dma_start3A_66 = tpu.memref_slice %arg13[%mul3A_4, %dma_start3A_65] : memref<10112x128xf32, #tpu.memory_space<vmem_shared>> -> memref<632x128xf32, #tpu.memory_space<vmem_shared>>
      tpu.enqueue_dma source(%arg5 : memref<632x128xf32, #tpu.memory_space<hbm>>) target(%dma_start3A_66 : memref<632x128xf32, #tpu.memory_space<vmem_shared>>) target_semaphore(%run_scoped3A : memref<!tpu.dma_semaphore, #tpu.memory_space<semaphore_mem>>)
      %dma_wait3A_67 = arith.constant 0 : i32
      %dma_wait3A_68 = tpu.memref_slice %arg13[%mul3A_4, %dma_wait3A_67] : memref<10112x128xf32, #tpu.memory_space<vmem_shared>> -> memref<632x128xf32, #tpu.memory_space<vmem_shared>>
      tpu.wait_dma2 semaphore(%run_scoped3A : memref<!tpu.dma_semaphore, #tpu.memory_space<semaphore_mem>>) src(%arg5 : memref<632x128xf32, #tpu.memory_space<hbm>>) dst(%dma_wait3A_68 : memref<632x128xf32, #tpu.memory_space<vmem_shared>>)
      tpu.yield
    }) : () -> ()
    %barrier3A = arith.constant 0 : index
    tpu.barrier barrier_id(%barrier3A)
    %add3A_5 = arith.constant 0 : i32
    %add3A_6 = arith.addi %mul3A_2, %add3A_5 : i32
    %dma_start3A = tpu.memref_slice %arg3[%add3A_6] : memref<320000xi32, #tpu.memory_space<hbm>> -> memref<40xi32, #tpu.memory_space<hbm>>
    %dma_start3A_7 = tpu.memref_slice %arg3[%add3A_6] : memref<320000xi32, #tpu.memory_space<hbm>> -> memref<40xi32, #tpu.memory_space<hbm>>
    tpu.enqueue_dma source(%dma_start3A_7 : memref<40xi32, #tpu.memory_space<hbm>>) target(%arg7 : memref<40xi32, #tpu.memory_space<vmem>>) target_semaphore(%arg14 : memref<!tpu.dma_semaphore, #tpu.memory_space<semaphore_mem>>)
    %add3A_8 = arith.constant 0 : i32
    %add3A_9 = arith.addi %mul3A_2, %add3A_8 : i32
    %dma_start3A_10 = tpu.memref_slice %arg4[%add3A_9] : memref<320000xi32, #tpu.memory_space<hbm>> -> memref<40xi32, #tpu.memory_space<hbm>>
    %dma_start3A_11 = tpu.memref_slice %arg4[%add3A_9] : memref<320000xi32, #tpu.memory_space<hbm>> -> memref<40xi32, #tpu.memory_space<hbm>>
    tpu.enqueue_dma source(%dma_start3A_11 : memref<40xi32, #tpu.memory_space<hbm>>) target(%arg9 : memref<40xi32, #tpu.memory_space<vmem>>) target_semaphore(%arg14 : memref<!tpu.dma_semaphore, #tpu.memory_space<semaphore_mem>>)
    %add3A_12 = arith.constant 40 : i32
    %add3A_13 = arith.addi %mul3A_2, %add3A_12 : i32
    %dma_start3A_14 = tpu.memref_slice %arg3[%add3A_13] : memref<320000xi32, #tpu.memory_space<hbm>> -> memref<40xi32, #tpu.memory_space<hbm>>
    %dma_start3A_15 = tpu.memref_slice %arg3[%add3A_13] : memref<320000xi32, #tpu.memory_space<hbm>> -> memref<40xi32, #tpu.memory_space<hbm>>
    tpu.enqueue_dma source(%dma_start3A_15 : memref<40xi32, #tpu.memory_space<hbm>>) target(%arg8 : memref<40xi32, #tpu.memory_space<vmem>>) target_semaphore(%arg15 : memref<!tpu.dma_semaphore, #tpu.memory_space<semaphore_mem>>)
    %add3A_16 = arith.constant 40 : i32
    %add3A_17 = arith.addi %mul3A_2, %add3A_16 : i32
    %dma_start3A_18 = tpu.memref_slice %arg4[%add3A_17] : memref<320000xi32, #tpu.memory_space<hbm>> -> memref<40xi32, #tpu.memory_space<hbm>>
    %dma_start3A_19 = tpu.memref_slice %arg4[%add3A_17] : memref<320000xi32, #tpu.memory_space<hbm>> -> memref<40xi32, #tpu.memory_space<hbm>>
    tpu.enqueue_dma source(%dma_start3A_19 : memref<40xi32, #tpu.memory_space<hbm>>) target(%arg10 : memref<40xi32, #tpu.memory_space<vmem>>) target_semaphore(%arg15 : memref<!tpu.dma_semaphore, #tpu.memory_space<semaphore_mem>>)
    %scan3A = arith.constant 0 : i32
    %scan3A_20 = arith.constant 0 : i32
    %scan3A_21 = arith.constant 124 : i32
    %scan3A_22 = arith.addi %scan3A_20, %scan3A_21 : i32
    %scan3A_23 = arith.constant 1 : i32
    scf.for %scan3A_65 = %scan3A_20 to %scan3A_22 step %scan3A_23  : i32 {
      %dma_wait3A_66 = arith.constant 0 : i32
      %dma_wait3A_67 = tpu.memref_slice %arg3[%dma_wait3A_66] : memref<320000xi32, #tpu.memory_space<hbm>> -> memref<40xi32, #tpu.memory_space<hbm>>
      %dma_wait3A_68 = arith.constant 0 : i32
      %dma_wait3A_69 = tpu.memref_slice %arg3[%dma_wait3A_68] : memref<320000xi32, #tpu.memory_space<hbm>> -> memref<40xi32, #tpu.memory_space<hbm>>
      tpu.wait_dma2 semaphore(%arg14 : memref<!tpu.dma_semaphore, #tpu.memory_space<semaphore_mem>>) src(%dma_wait3A_69 : memref<40xi32, #tpu.memory_space<hbm>>) dst(%arg7 : memref<40xi32, #tpu.memory_space<vmem>>)
      %dma_wait3A_70 = arith.constant 0 : i32
      %dma_wait3A_71 = tpu.memref_slice %arg3[%dma_wait3A_70] : memref<320000xi32, #tpu.memory_space<hbm>> -> memref<40xi32, #tpu.memory_space<hbm>>
      %dma_wait3A_72 = arith.constant 0 : i32
      %dma_wait3A_73 = tpu.memref_slice %arg3[%dma_wait3A_72] : memref<320000xi32, #tpu.memory_space<hbm>> -> memref<40xi32, #tpu.memory_space<hbm>>
      tpu.wait_dma2 semaphore(%arg14 : memref<!tpu.dma_semaphore, #tpu.memory_space<semaphore_mem>>) src(%dma_wait3A_73 : memref<40xi32, #tpu.memory_space<hbm>>) dst(%arg9 : memref<40xi32, #tpu.memory_space<vmem>>)
      %dma_start3A_74 = arith.constant 0 : i32
      %dma_start3A_75 = arith.constant 0 : i32
      %dma_start3A_76 = tpu.memref_slice %arg2[%dma_start3A_74, %dma_start3A_75] : memref<10000x128xf32, #tpu.memory_space<hbm>> -> memref<10000x128xf32, #tpu.memory_space<hbm>>
      tpu.enqueue_indirect_dma source(%dma_start3A_76 : memref<10000x128xf32, #tpu.memory_space<hbm>>) target(%arg11 : memref<40x128xf32, #tpu.memory_space<vmem>>) offsets(%arg7 : memref<40xi32, #tpu.memory_space<vmem>>) semaphore(%arg16 : memref<!tpu.dma_semaphore, #tpu.memory_space<semaphore_mem>>)
      %dma_wait3A_77 = arith.constant 0 : i32
      %dma_wait3A_78 = tpu.memref_slice %arg3[%dma_wait3A_77] : memref<320000xi32, #tpu.memory_space<hbm>> -> memref<40xi32, #tpu.memory_space<hbm>>
      %dma_wait3A_79 = arith.constant 0 : i32
      %dma_wait3A_80 = tpu.memref_slice %arg3[%dma_wait3A_79] : memref<320000xi32, #tpu.memory_space<hbm>> -> memref<40xi32, #tpu.memory_space<hbm>>
      tpu.wait_dma2 semaphore(%arg15 : memref<!tpu.dma_semaphore, #tpu.memory_space<semaphore_mem>>) src(%dma_wait3A_80 : memref<40xi32, #tpu.memory_space<hbm>>) dst(%arg8 : memref<40xi32, #tpu.memory_space<vmem>>)
      %dma_wait3A_81 = arith.constant 0 : i32
      %dma_wait3A_82 = tpu.memref_slice %arg3[%dma_wait3A_81] : memref<320000xi32, #tpu.memory_space<hbm>> -> memref<40xi32, #tpu.memory_space<hbm>>
      %dma_wait3A_83 = arith.constant 0 : i32
      %dma_wait3A_84 = tpu.memref_slice %arg3[%dma_wait3A_83] : memref<320000xi32, #tpu.memory_space<hbm>> -> memref<40xi32, #tpu.memory_space<hbm>>
      tpu.wait_dma2 semaphore(%arg15 : memref<!tpu.dma_semaphore, #tpu.memory_space<semaphore_mem>>) src(%dma_wait3A_84 : memref<40xi32, #tpu.memory_space<hbm>>) dst(%arg10 : memref<40xi32, #tpu.memory_space<vmem>>)
      %dma_start3A_85 = arith.constant 0 : i32
      %dma_start3A_86 = arith.constant 0 : i32
      %dma_start3A_87 = tpu.memref_slice %arg2[%dma_start3A_85, %dma_start3A_86] : memref<10000x128xf32, #tpu.memory_space<hbm>> -> memref<10000x128xf32, #tpu.memory_space<hbm>>
      tpu.enqueue_indirect_dma source(%dma_start3A_87 : memref<10000x128xf32, #tpu.memory_space<hbm>>) target(%arg12 : memref<40x128xf32, #tpu.memory_space<vmem>>) offsets(%arg8 : memref<40xi32, #tpu.memory_space<vmem>>) semaphore(%arg17 : memref<!tpu.dma_semaphore, #tpu.memory_space<semaphore_mem>>)
      %dma_wait3A_88 = arith.constant 0 : i32
      %dma_wait3A_89 = arith.constant 0 : i32
      %dma_wait3A_90 = tpu.memref_slice %arg5[%dma_wait3A_88, %dma_wait3A_89] : memref<632x128xf32, #tpu.memory_space<hbm>> -> memref<40x128xf32, #tpu.memory_space<hbm>>
      %dma_wait3A_91 = arith.constant 0 : i32
      %dma_wait3A_92 = arith.constant 0 : i32
      %dma_wait3A_93 = tpu.memref_slice %arg5[%dma_wait3A_91, %dma_wait3A_92] : memref<632x128xf32, #tpu.memory_space<hbm>> -> memref<40x128xf32, #tpu.memory_space<hbm>>
      tpu.wait_dma2 semaphore(%arg16 : memref<!tpu.dma_semaphore, #tpu.memory_space<semaphore_mem>>) src(%dma_wait3A_93 : memref<40x128xf32, #tpu.memory_space<hbm>>) dst(%arg11 : memref<40x128xf32, #tpu.memory_space<vmem>>)
      "tpu.region"() ({
        %run_scoped3A = tpu.sem_alloc : memref<!tpu.dma_semaphore, #tpu.memory_space<semaphore_mem>>
        %dma_start3A_132 = arith.constant 0 : i32
        %dma_start3A_133 = arith.constant 0 : i32
        %dma_start3A_134 = tpu.memref_slice %arg13[%dma_start3A_132, %dma_start3A_133] : memref<10112x128xf32, #tpu.memory_space<vmem_shared>> -> memref<10112x128xf32, #tpu.memory_space<vmem_shared>>
        tpu.enqueue_indirect_dma source(%arg11 : memref<40x128xf32, #tpu.memory_space<vmem>>) target(%dma_start3A_134 : memref<10112x128xf32, #tpu.memory_space<vmem_shared>>) offsets(%arg9 : memref<40xi32, #tpu.memory_space<vmem>>) semaphore(%run_scoped3A : memref<!tpu.dma_semaphore, #tpu.memory_space<semaphore_mem>>) {add = true}
        %dma_wait3A_135 = arith.constant 0 : i32
        %dma_wait3A_136 = arith.constant 0 : i32
        %dma_wait3A_137 = tpu.memref_slice %arg13[%dma_wait3A_135, %dma_wait3A_136] : memref<10112x128xf32, #tpu.memory_space<vmem_shared>> -> memref<10112x128xf32, #tpu.memory_space<vmem_shared>>
        tpu.wait_indirect_dma semaphore(%run_scoped3A : memref<!tpu.dma_semaphore, #tpu.memory_space<semaphore_mem>>) src(%arg11 : memref<40x128xf32, #tpu.memory_space<vmem>>) dst(%dma_wait3A_137 : memref<10112x128xf32, #tpu.memory_space<vmem_shared>>)
        tpu.yield
      }) : () -> ()
      %add3A_94 = arith.constant 1 : i32
      %add3A_95 = arith.addi %scan3A_65, %add3A_94 : i32
      %mul3A_96 = arith.constant 2 : i32
      %mul3A_97 = arith.muli %mul3A_96, %add3A_95 : i32
      %add3A_98 = arith.constant 0 : i32
      %add3A_99 = arith.addi %mul3A_97, %add3A_98 : i32
      %mul3A_100 = arith.constant 40 : i32
      %mul3A_101 = arith.muli %add3A_99, %mul3A_100 : i32
      %add3A_102 = arith.addi %mul3A_2, %mul3A_101 : i32
      %dma_start3A_103 = tpu.memref_slice %arg3[%add3A_102] : memref<320000xi32, #tpu.memory_space<hbm>> -> memref<40xi32, #tpu.memory_space<hbm>>
      %dma_start3A_104 = tpu.memref_slice %arg3[%add3A_102] : memref<320000xi32, #tpu.memory_space<hbm>> -> memref<40xi32, #tpu.memory_space<hbm>>
      tpu.enqueue_dma source(%dma_start3A_104 : memref<40xi32, #tpu.memory_space<hbm>>) target(%arg7 : memref<40xi32, #tpu.memory_space<vmem>>) target_semaphore(%arg14 : memref<!tpu.dma_semaphore, #tpu.memory_space<semaphore_mem>>)
      %mul3A_105 = arith.constant 40 : i32
      %mul3A_106 = arith.muli %add3A_99, %mul3A_105 : i32
      %add3A_107 = arith.addi %mul3A_2, %mul3A_106 : i32
      %dma_start3A_108 = tpu.memref_slice %arg4[%add3A_107] : memref<320000xi32, #tpu.memory_space<hbm>> -> memref<40xi32, #tpu.memory_space<hbm>>
      %dma_start3A_109 = tpu.memref_slice %arg4[%add3A_107] : memref<320000xi32, #tpu.memory_space<hbm>> -> memref<40xi32, #tpu.memory_space<hbm>>
      tpu.enqueue_dma source(%dma_start3A_109 : memref<40xi32, #tpu.memory_space<hbm>>) target(%arg9 : memref<40xi32, #tpu.memory_space<vmem>>) target_semaphore(%arg14 : memref<!tpu.dma_semaphore, #tpu.memory_space<semaphore_mem>>)
      %dma_wait3A_110 = arith.constant 0 : i32
      %dma_wait3A_111 = arith.constant 0 : i32
      %dma_wait3A_112 = tpu.memref_slice %arg5[%dma_wait3A_110, %dma_wait3A_111] : memref<632x128xf32, #tpu.memory_space<hbm>> -> memref<40x128xf32, #tpu.memory_space<hbm>>
      %dma_wait3A_113 = arith.constant 0 : i32
      %dma_wait3A_114 = arith.constant 0 : i32
      %dma_wait3A_115 = tpu.memref_slice %arg5[%dma_wait3A_113, %dma_wait3A_114] : memref<632x128xf32, #tpu.memory_space<hbm>> -> memref<40x128xf32, #tpu.memory_space<hbm>>
      tpu.wait_dma2 semaphore(%arg17 : memref<!tpu.dma_semaphore, #tpu.memory_space<semaphore_mem>>) src(%dma_wait3A_115 : memref<40x128xf32, #tpu.memory_space<hbm>>) dst(%arg12 : memref<40x128xf32, #tpu.memory_space<vmem>>)
      "tpu.region"() ({
        %run_scoped3A = tpu.sem_alloc : memref<!tpu.dma_semaphore, #tpu.memory_space<semaphore_mem>>
        %dma_start3A_132 = arith.constant 0 : i32
        %dma_start3A_133 = arith.constant 0 : i32
        %dma_start3A_134 = tpu.memref_slice %arg13[%dma_start3A_132, %dma_start3A_133] : memref<10112x128xf32, #tpu.memory_space<vmem_shared>> -> memref<10112x128xf32, #tpu.memory_space<vmem_shared>>
        tpu.enqueue_indirect_dma source(%arg12 : memref<40x128xf32, #tpu.memory_space<vmem>>) target(%dma_start3A_134 : memref<10112x128xf32, #tpu.memory_space<vmem_shared>>) offsets(%arg10 : memref<40xi32, #tpu.memory_space<vmem>>) semaphore(%run_scoped3A : memref<!tpu.dma_semaphore, #tpu.memory_space<semaphore_mem>>) {add = true}
        %dma_wait3A_135 = arith.constant 0 : i32
        %dma_wait3A_136 = arith.constant 0 : i32
        %dma_wait3A_137 = tpu.memref_slice %arg13[%dma_wait3A_135, %dma_wait3A_136] : memref<10112x128xf32, #tpu.memory_space<vmem_shared>> -> memref<10112x128xf32, #tpu.memory_space<vmem_shared>>
        tpu.wait_indirect_dma semaphore(%run_scoped3A : memref<!tpu.dma_semaphore, #tpu.memory_space<semaphore_mem>>) src(%arg12 : memref<40x128xf32, #tpu.memory_space<vmem>>) dst(%dma_wait3A_137 : memref<10112x128xf32, #tpu.memory_space<vmem_shared>>)
        tpu.yield
      }) : () -> ()
      %add3A_116 = arith.constant 1 : i32
      %add3A_117 = arith.addi %scan3A_65, %add3A_116 : i32
      %mul3A_118 = arith.constant 2 : i32
      %mul3A_119 = arith.muli %mul3A_118, %add3A_117 : i32
      %add3A_120 = arith.constant 1 : i32
      %add3A_121 = arith.addi %mul3A_119, %add3A_120 : i32
      %mul3A_122 = arith.constant 40 : i32
      %mul3A_123 = arith.muli %add3A_121, %mul3A_122 : i32
      %add3A_124 = arith.addi %mul3A_2, %mul3A_123 : i32
      %dma_start3A_125 = tpu.memref_slice %arg3[%add3A_124] : memref<320000xi32, #tpu.memory_space<hbm>> -> memref<40xi32, #tpu.memory_space<hbm>>
      %dma_start3A_126 = tpu.memref_slice %arg3[%add3A_124] : memref<320000xi32, #tpu.memory_space<hbm>> -> memref<40xi32, #tpu.memory_space<hbm>>
      tpu.enqueue_dma source(%dma_start3A_126 : memref<40xi32, #tpu.memory_space<hbm>>) target(%arg8 : memref<40xi32, #tpu.memory_space<vmem>>) target_semaphore(%arg15 : memref<!tpu.dma_semaphore, #tpu.memory_space<semaphore_mem>>)
      %mul3A_127 = arith.constant 40 : i32
      %mul3A_128 = arith.muli %add3A_121, %mul3A_127 : i32
      %add3A_129 = arith.addi %mul3A_2, %mul3A_128 : i32
      %dma_start3A_130 = tpu.memref_slice %arg4[%add3A_129] : memref<320000xi32, #tpu.memory_space<hbm>> -> memref<40xi32, #tpu.memory_space<hbm>>
      %dma_start3A_131 = tpu.memref_slice %arg4[%add3A_129] : memref<320000xi32, #tpu.memory_space<hbm>> -> memref<40xi32, #tpu.memory_space<hbm>>
      tpu.enqueue_dma source(%dma_start3A_131 : memref<40xi32, #tpu.memory_space<hbm>>) target(%arg10 : memref<40xi32, #tpu.memory_space<vmem>>) target_semaphore(%arg15 : memref<!tpu.dma_semaphore, #tpu.memory_space<semaphore_mem>>)
    }
    %scan3A_24 = arith.constant 124 : i32
    %dma_wait3A = arith.constant 0 : i32
    %dma_wait3A_25 = tpu.memref_slice %arg3[%dma_wait3A] : memref<320000xi32, #tpu.memory_space<hbm>> -> memref<40xi32, #tpu.memory_space<hbm>>
    %dma_wait3A_26 = arith.constant 0 : i32
    %dma_wait3A_27 = tpu.memref_slice %arg3[%dma_wait3A_26] : memref<320000xi32, #tpu.memory_space<hbm>> -> memref<40xi32, #tpu.memory_space<hbm>>
    tpu.wait_dma2 semaphore(%arg14 : memref<!tpu.dma_semaphore, #tpu.memory_space<semaphore_mem>>) src(%dma_wait3A_27 : memref<40xi32, #tpu.memory_space<hbm>>) dst(%arg7 : memref<40xi32, #tpu.memory_space<vmem>>)
    %dma_wait3A_28 = arith.constant 0 : i32
    %dma_wait3A_29 = tpu.memref_slice %arg3[%dma_wait3A_28] : memref<320000xi32, #tpu.memory_space<hbm>> -> memref<40xi32, #tpu.memory_space<hbm>>
    %dma_wait3A_30 = arith.constant 0 : i32
    %dma_wait3A_31 = tpu.memref_slice %arg3[%dma_wait3A_30] : memref<320000xi32, #tpu.memory_space<hbm>> -> memref<40xi32, #tpu.memory_space<hbm>>
    tpu.wait_dma2 semaphore(%arg14 : memref<!tpu.dma_semaphore, #tpu.memory_space<semaphore_mem>>) src(%dma_wait3A_31 : memref<40xi32, #tpu.memory_space<hbm>>) dst(%arg9 : memref<40xi32, #tpu.memory_space<vmem>>)
    %dma_start3A_32 = arith.constant 0 : i32
    %dma_start3A_33 = arith.constant 0 : i32
    %dma_start3A_34 = tpu.memref_slice %arg2[%dma_start3A_32, %dma_start3A_33] : memref<10000x128xf32, #tpu.memory_space<hbm>> -> memref<10000x128xf32, #tpu.memory_space<hbm>>
    tpu.enqueue_indirect_dma source(%dma_start3A_34 : memref<10000x128xf32, #tpu.memory_space<hbm>>) target(%arg11 : memref<40x128xf32, #tpu.memory_space<vmem>>) offsets(%arg7 : memref<40xi32, #tpu.memory_space<vmem>>) semaphore(%arg16 : memref<!tpu.dma_semaphore, #tpu.memory_space<semaphore_mem>>)
    %dma_wait3A_35 = arith.constant 0 : i32
    %dma_wait3A_36 = tpu.memref_slice %arg3[%dma_wait3A_35] : memref<320000xi32, #tpu.memory_space<hbm>> -> memref<40xi32, #tpu.memory_space<hbm>>
    %dma_wait3A_37 = arith.constant 0 : i32
    %dma_wait3A_38 = tpu.memref_slice %arg3[%dma_wait3A_37] : memref<320000xi32, #tpu.memory_space<hbm>> -> memref<40xi32, #tpu.memory_space<hbm>>
    tpu.wait_dma2 semaphore(%arg15 : memref<!tpu.dma_semaphore, #tpu.memory_space<semaphore_mem>>) src(%dma_wait3A_38 : memref<40xi32, #tpu.memory_space<hbm>>) dst(%arg8 : memref<40xi32, #tpu.memory_space<vmem>>)
    %dma_wait3A_39 = arith.constant 0 : i32
    %dma_wait3A_40 = tpu.memref_slice %arg3[%dma_wait3A_39] : memref<320000xi32, #tpu.memory_space<hbm>> -> memref<40xi32, #tpu.memory_space<hbm>>
    %dma_wait3A_41 = arith.constant 0 : i32
    %dma_wait3A_42 = tpu.memref_slice %arg3[%dma_wait3A_41] : memref<320000xi32, #tpu.memory_space<hbm>> -> memref<40xi32, #tpu.memory_space<hbm>>
    tpu.wait_dma2 semaphore(%arg15 : memref<!tpu.dma_semaphore, #tpu.memory_space<semaphore_mem>>) src(%dma_wait3A_42 : memref<40xi32, #tpu.memory_space<hbm>>) dst(%arg10 : memref<40xi32, #tpu.memory_space<vmem>>)
    %dma_start3A_43 = arith.constant 0 : i32
    %dma_start3A_44 = arith.constant 0 : i32
    %dma_start3A_45 = tpu.memref_slice %arg2[%dma_start3A_43, %dma_start3A_44] : memref<10000x128xf32, #tpu.memory_space<hbm>> -> memref<10000x128xf32, #tpu.memory_space<hbm>>
    tpu.enqueue_indirect_dma source(%dma_start3A_45 : memref<10000x128xf32, #tpu.memory_space<hbm>>) target(%arg12 : memref<40x128xf32, #tpu.memory_space<vmem>>) offsets(%arg8 : memref<40xi32, #tpu.memory_space<vmem>>) semaphore(%arg17 : memref<!tpu.dma_semaphore, #tpu.memory_space<semaphore_mem>>)
    %dma_wait3A_46 = arith.constant 0 : i32
    %dma_wait3A_47 = arith.constant 0 : i32
    %dma_wait3A_48 = tpu.memref_slice %arg5[%dma_wait3A_46, %dma_wait3A_47] : memref<632x128xf32, #tpu.memory_space<hbm>> -> memref<40x128xf32, #tpu.memory_space<hbm>>
    %dma_wait3A_49 = arith.constant 0 : i32
    %dma_wait3A_50 = arith.constant 0 : i32
    %dma_wait3A_51 = tpu.memref_slice %arg5[%dma_wait3A_49, %dma_wait3A_50] : memref<632x128xf32, #tpu.memory_space<hbm>> -> memref<40x128xf32, #tpu.memory_space<hbm>>
    tpu.wait_dma2 semaphore(%arg16 : memref<!tpu.dma_semaphore, #tpu.memory_space<semaphore_mem>>) src(%dma_wait3A_51 : memref<40x128xf32, #tpu.memory_space<hbm>>) dst(%arg11 : memref<40x128xf32, #tpu.memory_space<vmem>>)
    "tpu.region"() ({
      %run_scoped3A = tpu.sem_alloc : memref<!tpu.dma_semaphore, #tpu.memory_space<semaphore_mem>>
      %dma_start3A_65 = arith.constant 0 : i32
      %dma_start3A_66 = arith.constant 0 : i32
      %dma_start3A_67 = tpu.memref_slice %arg13[%dma_start3A_65, %dma_start3A_66] : memref<10112x128xf32, #tpu.memory_space<vmem_shared>> -> memref<10112x128xf32, #tpu.memory_space<vmem_shared>>
      tpu.enqueue_indirect_dma source(%arg11 : memref<40x128xf32, #tpu.memory_space<vmem>>) target(%dma_start3A_67 : memref<10112x128xf32, #tpu.memory_space<vmem_shared>>) offsets(%arg9 : memref<40xi32, #tpu.memory_space<vmem>>) semaphore(%run_scoped3A : memref<!tpu.dma_semaphore, #tpu.memory_space<semaphore_mem>>) {add = true}
      %dma_wait3A_68 = arith.constant 0 : i32
      %dma_wait3A_69 = arith.constant 0 : i32
      %dma_wait3A_70 = tpu.memref_slice %arg13[%dma_wait3A_68, %dma_wait3A_69] : memref<10112x128xf32, #tpu.memory_space<vmem_shared>> -> memref<10112x128xf32, #tpu.memory_space<vmem_shared>>
      tpu.wait_indirect_dma semaphore(%run_scoped3A : memref<!tpu.dma_semaphore, #tpu.memory_space<semaphore_mem>>) src(%arg11 : memref<40x128xf32, #tpu.memory_space<vmem>>) dst(%dma_wait3A_70 : memref<10112x128xf32, #tpu.memory_space<vmem_shared>>)
      tpu.yield
    }) : () -> ()
    %dma_wait3A_52 = arith.constant 0 : i32
    %dma_wait3A_53 = arith.constant 0 : i32
    %dma_wait3A_54 = tpu.memref_slice %arg5[%dma_wait3A_52, %dma_wait3A_53] : memref<632x128xf32, #tpu.memory_space<hbm>> -> memref<40x128xf32, #tpu.memory_space<hbm>>
    %dma_wait3A_55 = arith.constant 0 : i32
    %dma_wait3A_56 = arith.constant 0 : i32
    %dma_wait3A_57 = tpu.memref_slice %arg5[%dma_wait3A_55, %dma_wait3A_56] : memref<632x128xf32, #tpu.memory_space<hbm>> -> memref<40x128xf32, #tpu.memory_space<hbm>>
    tpu.wait_dma2 semaphore(%arg17 : memref<!tpu.dma_semaphore, #tpu.memory_space<semaphore_mem>>) src(%dma_wait3A_57 : memref<40x128xf32, #tpu.memory_space<hbm>>) dst(%arg12 : memref<40x128xf32, #tpu.memory_space<vmem>>)
    "tpu.region"() ({
      %run_scoped3A = tpu.sem_alloc : memref<!tpu.dma_semaphore, #tpu.memory_space<semaphore_mem>>
      %dma_start3A_65 = arith.constant 0 : i32
      %dma_start3A_66 = arith.constant 0 : i32
      %dma_start3A_67 = tpu.memref_slice %arg13[%dma_start3A_65, %dma_start3A_66] : memref<10112x128xf32, #tpu.memory_space<vmem_shared>> -> memref<10112x128xf32, #tpu.memory_space<vmem_shared>>
      tpu.enqueue_indirect_dma source(%arg12 : memref<40x128xf32, #tpu.memory_space<vmem>>) target(%dma_start3A_67 : memref<10112x128xf32, #tpu.memory_space<vmem_shared>>) offsets(%arg10 : memref<40xi32, #tpu.memory_space<vmem>>) semaphore(%run_scoped3A : memref<!tpu.dma_semaphore, #tpu.memory_space<semaphore_mem>>) {add = true}
      %dma_wait3A_68 = arith.constant 0 : i32
      %dma_wait3A_69 = arith.constant 0 : i32
      %dma_wait3A_70 = tpu.memref_slice %arg13[%dma_wait3A_68, %dma_wait3A_69] : memref<10112x128xf32, #tpu.memory_space<vmem_shared>> -> memref<10112x128xf32, #tpu.memory_space<vmem_shared>>
      tpu.wait_indirect_dma semaphore(%run_scoped3A : memref<!tpu.dma_semaphore, #tpu.memory_space<semaphore_mem>>) src(%arg12 : memref<40x128xf32, #tpu.memory_space<vmem>>) dst(%dma_wait3A_70 : memref<10112x128xf32, #tpu.memory_space<vmem_shared>>)
      tpu.yield
    }) : () -> ()
    %barrier3A_58 = arith.constant 0 : index
    tpu.barrier barrier_id(%barrier3A_58)
    %lt3A = arith.constant 15 : i32
    %lt3A_59 = arith.cmpi slt, %arg1, %lt3A : i32
    %convert_element_type3A = arith.extui %lt3A_59 : i1 to i32
    %cond3A = arith.constant 0 : i32
    %cond3A_60 = arith.cmpi ne, %convert_element_type3A, %cond3A : i32
    scf.if %cond3A_60 {
      %mul3A_65 = arith.constant 10000 : i32
      %mul3A_66 = arith.muli %arg0, %mul3A_65 : i32
      %mul3A_67 = arith.constant 632 : i32
      %mul3A_68 = arith.muli %arg1, %mul3A_67 : i32
      %add3A_69 = arith.addi %mul3A_66, %mul3A_68 : i32
      %mul3A_70 = arith.constant 632 : i32
      %mul3A_71 = arith.muli %arg1, %mul3A_70 : i32
      "tpu.region"() ({
        %run_scoped3A = tpu.sem_alloc : memref<!tpu.dma_semaphore, #tpu.memory_space<semaphore_mem>>
        %dma_start3A_72 = arith.constant 0 : i32
        %dma_start3A_73 = tpu.memref_slice %arg6[%add3A_69, %dma_start3A_72] : memref<20000x128xf32, #tpu.memory_space<hbm>> -> memref<632x128xf32, #tpu.memory_space<hbm>>
        %dma_start3A_74 = arith.constant 0 : i32
        %dma_start3A_75 = tpu.memref_slice %arg13[%mul3A_71, %dma_start3A_74] : memref<10112x128xf32, #tpu.memory_space<vmem_shared>> -> memref<632x128xf32, #tpu.memory_space<vmem_shared>>
        tpu.enqueue_dma source(%dma_start3A_75 : memref<632x128xf32, #tpu.memory_space<vmem_shared>>) target(%dma_start3A_73 : memref<632x128xf32, #tpu.memory_space<hbm>>) target_semaphore(%run_scoped3A : memref<!tpu.dma_semaphore, #tpu.memory_space<semaphore_mem>>)
        %dma_wait3A_76 = arith.constant 0 : i32
        %dma_wait3A_77 = tpu.memref_slice %arg6[%add3A_69, %dma_wait3A_76] : memref<20000x128xf32, #tpu.memory_space<hbm>> -> memref<632x128xf32, #tpu.memory_space<hbm>>
        %dma_wait3A_78 = arith.constant 0 : i32
        %dma_wait3A_79 = tpu.memref_slice %arg13[%mul3A_71, %dma_wait3A_78] : memref<10112x128xf32, #tpu.memory_space<vmem_shared>> -> memref<632x128xf32, #tpu.memory_space<vmem_shared>>
        tpu.wait_dma2 semaphore(%run_scoped3A : memref<!tpu.dma_semaphore, #tpu.memory_space<semaphore_mem>>) src(%dma_wait3A_79 : memref<632x128xf32, #tpu.memory_space<vmem_shared>>) dst(%dma_wait3A_77 : memref<632x128xf32, #tpu.memory_space<hbm>>)
        tpu.yield
      }) : () -> ()
    } else {
    }
    %eq3A = arith.constant 15 : i32
    %eq3A_61 = arith.cmpi eq, %arg1, %eq3A : i32
    %convert_element_type3A_62 = arith.extui %eq3A_61 : i1 to i32
    %cond3A_63 = arith.constant 0 : i32
    %cond3A_64 = arith.cmpi ne, %convert_element_type3A_62, %cond3A_63 : i32
    scf.if %cond3A_64 {
      %mul3A_65 = arith.constant 10000 : i32
      %mul3A_66 = arith.muli %arg0, %mul3A_65 : i32
      %add3A_67 = arith.constant 9480 : i32
      %add3A_68 = arith.addi %mul3A_66, %add3A_67 : i32
      "tpu.region"() ({
        %run_scoped3A = tpu.sem_alloc : memref<!tpu.dma_semaphore, #tpu.memory_space<semaphore_mem>>
        %dma_start3A_69 = arith.constant 0 : i32
        %dma_start3A_70 = tpu.memref_slice %arg6[%add3A_68, %dma_start3A_69] : memref<20000x128xf32, #tpu.memory_space<hbm>> -> memref<520x128xf32, #tpu.memory_space<hbm>>
        %dma_start3A_71 = arith.constant 9480 : i32
        %dma_start3A_72 = arith.constant 0 : i32
        %dma_start3A_73 = tpu.memref_slice %arg13[%dma_start3A_71, %dma_start3A_72] : memref<10112x128xf32, #tpu.memory_space<vmem_shared>> -> memref<520x128xf32, #tpu.memory_space<vmem_shared>>
        tpu.enqueue_dma source(%dma_start3A_73 : memref<520x128xf32, #tpu.memory_space<vmem_shared>>) target(%dma_start3A_70 : memref<520x128xf32, #tpu.memory_space<hbm>>) target_semaphore(%run_scoped3A : memref<!tpu.dma_semaphore, #tpu.memory_space<semaphore_mem>>)
        %dma_wait3A_74 = arith.constant 0 : i32
        %dma_wait3A_75 = tpu.memref_slice %arg6[%add3A_68, %dma_wait3A_74] : memref<20000x128xf32, #tpu.memory_space<hbm>> -> memref<520x128xf32, #tpu.memory_space<hbm>>
        %dma_wait3A_76 = arith.constant 9480 : i32
        %dma_wait3A_77 = arith.constant 0 : i32
        %dma_wait3A_78 = tpu.memref_slice %arg13[%dma_wait3A_76, %dma_wait3A_77] : memref<10112x128xf32, #tpu.memory_space<vmem_shared>> -> memref<520x128xf32, #tpu.memory_space<vmem_shared>>
        tpu.wait_dma2 semaphore(%run_scoped3A : memref<!tpu.dma_semaphore, #tpu.memory_space<semaphore_mem>>) src(%dma_wait3A_78 : memref<520x128xf32, #tpu.memory_space<vmem_shared>>) dst(%dma_wait3A_75 : memref<520x128xf32, #tpu.memory_space<hbm>>)
        tpu.yield
      }) : () -> ()
    } else {
    }
    return
  }
}

#map = affine_map<(d0, d1) -> (0, 0)>
#map1 = affine_map<(d0, d1) -> (0)>
module attributes {stable_mosaic.version = 14 : i64} {
  func.func @gs_kernel(%arg0: i32, %arg1: i32, %arg2: memref<10000x128xf32, #tpu.memory_space<hbm>>, %arg3: memref<320000xi32, #tpu.memory_space<hbm>>, %arg4: memref<320000xi32, #tpu.memory_space<hbm>>, %arg5: memref<632x128xf32, #tpu.memory_space<hbm>>, %arg6: memref<20000x128xf32, #tpu.memory_space<hbm>>, %arg7: memref<40xi32, #tpu.memory_space<vmem>>, %arg8: memref<40xi32, #tpu.memory_space<vmem>>, %arg9: memref<40xi32, #tpu.memory_space<vmem>>, %arg10: memref<40xi32, #tpu.memory_space<vmem>>, %arg11: memref<40x128xf32, #tpu.memory_space<vmem>>, %arg12: memref<40x128xf32, #tpu.memory_space<vmem>>, %arg13: memref<10112x128xf32, #tpu.memory_space<vmem_shared>>, %arg14: memref<!tpu.dma_semaphore, #tpu.memory_space<semaphore_mem>>, %arg15: memref<!tpu.dma_semaphore, #tpu.memory_space<semaphore_mem>>, %arg16: memref<!tpu.dma_semaphore, #tpu.memory_space<semaphore_mem>>, %arg17: memref<!tpu.dma_semaphore, #tpu.memory_space<semaphore_mem>>) attributes {dimension_semantics = [#tpu.dimension_semantics<core_parallel>, #tpu.dimension_semantics<subcore_parallel>], iteration_bounds = array<i64: 2, 16>, scalar_prefetch = 0 : i64, scratch_operands = 11 : i64, tpu.core_type = #tpu.core_type<sc_vector_subcore>, window_params = [{transform_indices = #map}, {transform_indices = #map1}, {transform_indices = #map1}, {transform_indices = #map}, {transform_indices = #map}]} {
    %mul3A = arith.constant 16 : i32
    %mul3A_0 = arith.muli %arg0, %mul3A : i32
    %add3A = arith.addi %mul3A_0, %arg1 : i32
    %mul3A_1 = arith.constant 10000 : i32
    %mul3A_2 = arith.muli %add3A, %mul3A_1 : i32
    %mul3A_3 = arith.constant 632 : i32
    %mul3A_4 = arith.muli %arg1, %mul3A_3 : i32
    "tpu.region"() ({
      %run_scoped3A = tpu.sem_alloc : memref<!tpu.dma_semaphore, #tpu.memory_space<semaphore_mem>>
      %dma_start3A_65 = arith.constant 0 : i32
      %dma_start3A_66 = tpu.memref_slice %arg13[%mul3A_4, %dma_start3A_65] : memref<10112x128xf32, #tpu.memory_space<vmem_shared>> -> memref<632x128xf32, #tpu.memory_space<vmem_shared>>
      tpu.enqueue_dma source(%arg5 : memref<632x128xf32, #tpu.memory_space<hbm>>) target(%dma_start3A_66 : memref<632x128xf32, #tpu.memory_space<vmem_shared>>) target_semaphore(%run_scoped3A : memref<!tpu.dma_semaphore, #tpu.memory_space<semaphore_mem>>)
      %dma_wait3A_67 = arith.constant 0 : i32
      %dma_wait3A_68 = tpu.memref_slice %arg13[%mul3A_4, %dma_wait3A_67] : memref<10112x128xf32, #tpu.memory_space<vmem_shared>> -> memref<632x128xf32, #tpu.memory_space<vmem_shared>>
      tpu.wait_dma2 semaphore(%run_scoped3A : memref<!tpu.dma_semaphore, #tpu.memory_space<semaphore_mem>>) src(%arg5 : memref<632x128xf32, #tpu.memory_space<hbm>>) dst(%dma_wait3A_68 : memref<632x128xf32, #tpu.memory_space<vmem_shared>>)
      tpu.yield
    }) : () -> ()
    %barrier3A = arith.constant 0 : index
    tpu.barrier barrier_id(%barrier3A)
    %add3A_5 = arith.constant 0 : i32
    %add3A_6 = arith.addi %mul3A_2, %add3A_5 : i32
    %dma_start3A = tpu.memref_slice %arg3[%add3A_6] : memref<320000xi32, #tpu.memory_space<hbm>> -> memref<40xi32, #tpu.memory_space<hbm>>
    %dma_start3A_7 = tpu.memref_slice %arg3[%add3A_6] : memref<320000xi32, #tpu.memory_space<hbm>> -> memref<40xi32, #tpu.memory_space<hbm>>
    tpu.enqueue_dma source(%dma_start3A_7 : memref<40xi32, #tpu.memory_space<hbm>>) target(%arg7 : memref<40xi32, #tpu.memory_space<vmem>>) target_semaphore(%arg14 : memref<!tpu.dma_semaphore, #tpu.memory_space<semaphore_mem>>)
    %add3A_8 = arith.constant 0 : i32
    %add3A_9 = arith.addi %mul3A_2, %add3A_8 : i32
    %dma_start3A_10 = tpu.memref_slice %arg4[%add3A_9] : memref<320000xi32, #tpu.memory_space<hbm>> -> memref<40xi32, #tpu.memory_space<hbm>>
    %dma_start3A_11 = tpu.memref_slice %arg4[%add3A_9] : memref<320000xi32, #tpu.memory_space<hbm>> -> memref<40xi32, #tpu.memory_space<hbm>>
    tpu.enqueue_dma source(%dma_start3A_11 : memref<40xi32, #tpu.memory_space<hbm>>) target(%arg9 : memref<40xi32, #tpu.memory_space<vmem>>) target_semaphore(%arg14 : memref<!tpu.dma_semaphore, #tpu.memory_space<semaphore_mem>>)
    %add3A_12 = arith.constant 40 : i32
    %add3A_13 = arith.addi %mul3A_2, %add3A_12 : i32
    %dma_start3A_14 = tpu.memref_slice %arg3[%add3A_13] : memref<320000xi32, #tpu.memory_space<hbm>> -> memref<40xi32, #tpu.memory_space<hbm>>
    %dma_start3A_15 = tpu.memref_slice %arg3[%add3A_13] : memref<320000xi32, #tpu.memory_space<hbm>> -> memref<40xi32, #tpu.memory_space<hbm>>
    tpu.enqueue_dma source(%dma_start3A_15 : memref<40xi32, #tpu.memory_space<hbm>>) target(%arg8 : memref<40xi32, #tpu.memory_space<vmem>>) target_semaphore(%arg15 : memref<!tpu.dma_semaphore, #tpu.memory_space<semaphore_mem>>)
    %add3A_16 = arith.constant 40 : i32
    %add3A_17 = arith.addi %mul3A_2, %add3A_16 : i32
    %dma_start3A_18 = tpu.memref_slice %arg4[%add3A_17] : memref<320000xi32, #tpu.memory_space<hbm>> -> memref<40xi32, #tpu.memory_space<hbm>>
    %dma_start3A_19 = tpu.memref_slice %arg4[%add3A_17] : memref<320000xi32, #tpu.memory_space<hbm>> -> memref<40xi32, #tpu.memory_space<hbm>>
    tpu.enqueue_dma source(%dma_start3A_19 : memref<40xi32, #tpu.memory_space<hbm>>) target(%arg10 : memref<40xi32, #tpu.memory_space<vmem>>) target_semaphore(%arg15 : memref<!tpu.dma_semaphore, #tpu.memory_space<semaphore_mem>>)
    %scan3A = arith.constant 0 : i32
    %scan3A_20 = arith.constant 0 : i32
    %scan3A_21 = arith.constant 124 : i32
    %scan3A_22 = arith.addi %scan3A_20, %scan3A_21 : i32
    %scan3A_23 = arith.constant 1 : i32
    scf.for %scan3A_65 = %scan3A_20 to %scan3A_22 step %scan3A_23  : i32 {
      %dma_wait3A_66 = arith.constant 0 : i32
      %dma_wait3A_67 = tpu.memref_slice %arg3[%dma_wait3A_66] : memref<320000xi32, #tpu.memory_space<hbm>> -> memref<40xi32, #tpu.memory_space<hbm>>
      %dma_wait3A_68 = arith.constant 0 : i32
      %dma_wait3A_69 = tpu.memref_slice %arg3[%dma_wait3A_68] : memref<320000xi32, #tpu.memory_space<hbm>> -> memref<40xi32, #tpu.memory_space<hbm>>
      tpu.wait_dma2 semaphore(%arg14 : memref<!tpu.dma_semaphore, #tpu.memory_space<semaphore_mem>>) src(%dma_wait3A_69 : memref<40xi32, #tpu.memory_space<hbm>>) dst(%arg7 : memref<40xi32, #tpu.memory_space<vmem>>)
      %dma_wait3A_70 = arith.constant 0 : i32
      %dma_wait3A_71 = tpu.memref_slice %arg3[%dma_wait3A_70] : memref<320000xi32, #tpu.memory_space<hbm>> -> memref<40xi32, #tpu.memory_space<hbm>>
      %dma_wait3A_72 = arith.constant 0 : i32
      %dma_wait3A_73 = tpu.memref_slice %arg3[%dma_wait3A_72] : memref<320000xi32, #tpu.memory_space<hbm>> -> memref<40xi32, #tpu.memory_space<hbm>>
      tpu.wait_dma2 semaphore(%arg14 : memref<!tpu.dma_semaphore, #tpu.memory_space<semaphore_mem>>) src(%dma_wait3A_73 : memref<40xi32, #tpu.memory_space<hbm>>) dst(%arg9 : memref<40xi32, #tpu.memory_space<vmem>>)
      %dma_start3A_74 = arith.constant 0 : i32
      %dma_start3A_75 = arith.constant 0 : i32
      %dma_start3A_76 = tpu.memref_slice %arg2[%dma_start3A_74, %dma_start3A_75] : memref<10000x128xf32, #tpu.memory_space<hbm>> -> memref<10000x128xf32, #tpu.memory_space<hbm>>
      tpu.enqueue_indirect_dma source(%dma_start3A_76 : memref<10000x128xf32, #tpu.memory_space<hbm>>) target(%arg11 : memref<40x128xf32, #tpu.memory_space<vmem>>) offsets(%arg7 : memref<40xi32, #tpu.memory_space<vmem>>) semaphore(%arg16 : memref<!tpu.dma_semaphore, #tpu.memory_space<semaphore_mem>>)
      %dma_wait3A_77 = arith.constant 0 : i32
      %dma_wait3A_78 = tpu.memref_slice %arg3[%dma_wait3A_77] : memref<320000xi32, #tpu.memory_space<hbm>> -> memref<40xi32, #tpu.memory_space<hbm>>
      %dma_wait3A_79 = arith.constant 0 : i32
      %dma_wait3A_80 = tpu.memref_slice %arg3[%dma_wait3A_79] : memref<320000xi32, #tpu.memory_space<hbm>> -> memref<40xi32, #tpu.memory_space<hbm>>
      tpu.wait_dma2 semaphore(%arg15 : memref<!tpu.dma_semaphore, #tpu.memory_space<semaphore_mem>>) src(%dma_wait3A_80 : memref<40xi32, #tpu.memory_space<hbm>>) dst(%arg8 : memref<40xi32, #tpu.memory_space<vmem>>)
      %dma_wait3A_81 = arith.constant 0 : i32
      %dma_wait3A_82 = tpu.memref_slice %arg3[%dma_wait3A_81] : memref<320000xi32, #tpu.memory_space<hbm>> -> memref<40xi32, #tpu.memory_space<hbm>>
      %dma_wait3A_83 = arith.constant 0 : i32
      %dma_wait3A_84 = tpu.memref_slice %arg3[%dma_wait3A_83] : memref<320000xi32, #tpu.memory_space<hbm>> -> memref<40xi32, #tpu.memory_space<hbm>>
      tpu.wait_dma2 semaphore(%arg15 : memref<!tpu.dma_semaphore, #tpu.memory_space<semaphore_mem>>) src(%dma_wait3A_84 : memref<40xi32, #tpu.memory_space<hbm>>) dst(%arg10 : memref<40xi32, #tpu.memory_space<vmem>>)
      %dma_start3A_85 = arith.constant 0 : i32
      %dma_start3A_86 = arith.constant 0 : i32
      %dma_start3A_87 = tpu.memref_slice %arg2[%dma_start3A_85, %dma_start3A_86] : memref<10000x128xf32, #tpu.memory_space<hbm>> -> memref<10000x128xf32, #tpu.memory_space<hbm>>
      tpu.enqueue_indirect_dma source(%dma_start3A_87 : memref<10000x128xf32, #tpu.memory_space<hbm>>) target(%arg12 : memref<40x128xf32, #tpu.memory_space<vmem>>) offsets(%arg8 : memref<40xi32, #tpu.memory_space<vmem>>) semaphore(%arg17 : memref<!tpu.dma_semaphore, #tpu.memory_space<semaphore_mem>>)
      %dma_wait3A_88 = arith.constant 0 : i32
      %dma_wait3A_89 = arith.constant 0 : i32
      %dma_wait3A_90 = tpu.memref_slice %arg5[%dma_wait3A_88, %dma_wait3A_89] : memref<632x128xf32, #tpu.memory_space<hbm>> -> memref<40x128xf32, #tpu.memory_space<hbm>>
      %dma_wait3A_91 = arith.constant 0 : i32
      %dma_wait3A_92 = arith.constant 0 : i32
      %dma_wait3A_93 = tpu.memref_slice %arg5[%dma_wait3A_91, %dma_wait3A_92] : memref<632x128xf32, #tpu.memory_space<hbm>> -> memref<40x128xf32, #tpu.memory_space<hbm>>
      tpu.wait_dma2 semaphore(%arg16 : memref<!tpu.dma_semaphore, #tpu.memory_space<semaphore_mem>>) src(%dma_wait3A_93 : memref<40x128xf32, #tpu.memory_space<hbm>>) dst(%arg11 : memref<40x128xf32, #tpu.memory_space<vmem>>)
      "tpu.region"() ({
        %run_scoped3A = tpu.sem_alloc : memref<!tpu.dma_semaphore, #tpu.memory_space<semaphore_mem>>
        %dma_start3A_132 = arith.constant 0 : i32
        %dma_start3A_133 = arith.constant 0 : i32
        %dma_start3A_134 = tpu.memref_slice %arg13[%dma_start3A_132, %dma_start3A_133] : memref<10112x128xf32, #tpu.memory_space<vmem_shared>> -> memref<10112x128xf32, #tpu.memory_space<vmem_shared>>
        tpu.enqueue_indirect_dma source(%arg11 : memref<40x128xf32, #tpu.memory_space<vmem>>) target(%dma_start3A_134 : memref<10112x128xf32, #tpu.memory_space<vmem_shared>>) offsets(%arg9 : memref<40xi32, #tpu.memory_space<vmem>>) semaphore(%run_scoped3A : memref<!tpu.dma_semaphore, #tpu.memory_space<semaphore_mem>>) {add = true}
        %dma_wait3A_135 = arith.constant 0 : i32
        %dma_wait3A_136 = arith.constant 0 : i32
        %dma_wait3A_137 = tpu.memref_slice %arg13[%dma_wait3A_135, %dma_wait3A_136] : memref<10112x128xf32, #tpu.memory_space<vmem_shared>> -> memref<10112x128xf32, #tpu.memory_space<vmem_shared>>
        tpu.wait_indirect_dma semaphore(%run_scoped3A : memref<!tpu.dma_semaphore, #tpu.memory_space<semaphore_mem>>) src(%arg11 : memref<40x128xf32, #tpu.memory_space<vmem>>) dst(%dma_wait3A_137 : memref<10112x128xf32, #tpu.memory_space<vmem_shared>>)
        tpu.yield
      }) : () -> ()
      %add3A_94 = arith.constant 1 : i32
      %add3A_95 = arith.addi %scan3A_65, %add3A_94 : i32
      %mul3A_96 = arith.constant 2 : i32
      %mul3A_97 = arith.muli %mul3A_96, %add3A_95 : i32
      %add3A_98 = arith.constant 0 : i32
      %add3A_99 = arith.addi %mul3A_97, %add3A_98 : i32
      %mul3A_100 = arith.constant 40 : i32
      %mul3A_101 = arith.muli %add3A_99, %mul3A_100 : i32
      %add3A_102 = arith.addi %mul3A_2, %mul3A_101 : i32
      %dma_start3A_103 = tpu.memref_slice %arg3[%add3A_102] : memref<320000xi32, #tpu.memory_space<hbm>> -> memref<40xi32, #tpu.memory_space<hbm>>
      %dma_start3A_104 = tpu.memref_slice %arg3[%add3A_102] : memref<320000xi32, #tpu.memory_space<hbm>> -> memref<40xi32, #tpu.memory_space<hbm>>
      tpu.enqueue_dma source(%dma_start3A_104 : memref<40xi32, #tpu.memory_space<hbm>>) target(%arg7 : memref<40xi32, #tpu.memory_space<vmem>>) target_semaphore(%arg14 : memref<!tpu.dma_semaphore, #tpu.memory_space<semaphore_mem>>)
      %mul3A_105 = arith.constant 40 : i32
      %mul3A_106 = arith.muli %add3A_99, %mul3A_105 : i32
      %add3A_107 = arith.addi %mul3A_2, %mul3A_106 : i32
      %dma_start3A_108 = tpu.memref_slice %arg4[%add3A_107] : memref<320000xi32, #tpu.memory_space<hbm>> -> memref<40xi32, #tpu.memory_space<hbm>>
      %dma_start3A_109 = tpu.memref_slice %arg4[%add3A_107] : memref<320000xi32, #tpu.memory_space<hbm>> -> memref<40xi32, #tpu.memory_space<hbm>>
      tpu.enqueue_dma source(%dma_start3A_109 : memref<40xi32, #tpu.memory_space<hbm>>) target(%arg9 : memref<40xi32, #tpu.memory_space<vmem>>) target_semaphore(%arg14 : memref<!tpu.dma_semaphore, #tpu.memory_space<semaphore_mem>>)
      %dma_wait3A_110 = arith.constant 0 : i32
      %dma_wait3A_111 = arith.constant 0 : i32
      %dma_wait3A_112 = tpu.memref_slice %arg5[%dma_wait3A_110, %dma_wait3A_111] : memref<632x128xf32, #tpu.memory_space<hbm>> -> memref<40x128xf32, #tpu.memory_space<hbm>>
      %dma_wait3A_113 = arith.constant 0 : i32
      %dma_wait3A_114 = arith.constant 0 : i32
      %dma_wait3A_115 = tpu.memref_slice %arg5[%dma_wait3A_113, %dma_wait3A_114] : memref<632x128xf32, #tpu.memory_space<hbm>> -> memref<40x128xf32, #tpu.memory_space<hbm>>
      tpu.wait_dma2 semaphore(%arg17 : memref<!tpu.dma_semaphore, #tpu.memory_space<semaphore_mem>>) src(%dma_wait3A_115 : memref<40x128xf32, #tpu.memory_space<hbm>>) dst(%arg12 : memref<40x128xf32, #tpu.memory_space<vmem>>)
      "tpu.region"() ({
        %run_scoped3A = tpu.sem_alloc : memref<!tpu.dma_semaphore, #tpu.memory_space<semaphore_mem>>
        %dma_start3A_132 = arith.constant 0 : i32
        %dma_start3A_133 = arith.constant 0 : i32
        %dma_start3A_134 = tpu.memref_slice %arg13[%dma_start3A_132, %dma_start3A_133] : memref<10112x128xf32, #tpu.memory_space<vmem_shared>> -> memref<10112x128xf32, #tpu.memory_space<vmem_shared>>
        tpu.enqueue_indirect_dma source(%arg12 : memref<40x128xf32, #tpu.memory_space<vmem>>) target(%dma_start3A_134 : memref<10112x128xf32, #tpu.memory_space<vmem_shared>>) offsets(%arg10 : memref<40xi32, #tpu.memory_space<vmem>>) semaphore(%run_scoped3A : memref<!tpu.dma_semaphore, #tpu.memory_space<semaphore_mem>>) {add = true}
        %dma_wait3A_135 = arith.constant 0 : i32
        %dma_wait3A_136 = arith.constant 0 : i32
        %dma_wait3A_137 = tpu.memref_slice %arg13[%dma_wait3A_135, %dma_wait3A_136] : memref<10112x128xf32, #tpu.memory_space<vmem_shared>> -> memref<10112x128xf32, #tpu.memory_space<vmem_shared>>
        tpu.wait_indirect_dma semaphore(%run_scoped3A : memref<!tpu.dma_semaphore, #tpu.memory_space<semaphore_mem>>) src(%arg12 : memref<40x128xf32, #tpu.memory_space<vmem>>) dst(%dma_wait3A_137 : memref<10112x128xf32, #tpu.memory_space<vmem_shared>>)
        tpu.yield
      }) : () -> ()
      %add3A_116 = arith.constant 1 : i32
      %add3A_117 = arith.addi %scan3A_65, %add3A_116 : i32
      %mul3A_118 = arith.constant 2 : i32
      %mul3A_119 = arith.muli %mul3A_118, %add3A_117 : i32
      %add3A_120 = arith.constant 1 : i32
      %add3A_121 = arith.addi %mul3A_119, %add3A_120 : i32
      %mul3A_122 = arith.constant 40 : i32
      %mul3A_123 = arith.muli %add3A_121, %mul3A_122 : i32
      %add3A_124 = arith.addi %mul3A_2, %mul3A_123 : i32
      %dma_start3A_125 = tpu.memref_slice %arg3[%add3A_124] : memref<320000xi32, #tpu.memory_space<hbm>> -> memref<40xi32, #tpu.memory_space<hbm>>
      %dma_start3A_126 = tpu.memref_slice %arg3[%add3A_124] : memref<320000xi32, #tpu.memory_space<hbm>> -> memref<40xi32, #tpu.memory_space<hbm>>
      tpu.enqueue_dma source(%dma_start3A_126 : memref<40xi32, #tpu.memory_space<hbm>>) target(%arg8 : memref<40xi32, #tpu.memory_space<vmem>>) target_semaphore(%arg15 : memref<!tpu.dma_semaphore, #tpu.memory_space<semaphore_mem>>)
      %mul3A_127 = arith.constant 40 : i32
      %mul3A_128 = arith.muli %add3A_121, %mul3A_127 : i32
      %add3A_129 = arith.addi %mul3A_2, %mul3A_128 : i32
      %dma_start3A_130 = tpu.memref_slice %arg4[%add3A_129] : memref<320000xi32, #tpu.memory_space<hbm>> -> memref<40xi32, #tpu.memory_space<hbm>>
      %dma_start3A_131 = tpu.memref_slice %arg4[%add3A_129] : memref<320000xi32, #tpu.memory_space<hbm>> -> memref<40xi32, #tpu.memory_space<hbm>>
      tpu.enqueue_dma source(%dma_start3A_131 : memref<40xi32, #tpu.memory_space<hbm>>) target(%arg10 : memref<40xi32, #tpu.memory_space<vmem>>) target_semaphore(%arg15 : memref<!tpu.dma_semaphore, #tpu.memory_space<semaphore_mem>>)
    }
    %scan3A_24 = arith.constant 124 : i32
    %dma_wait3A = arith.constant 0 : i32
    %dma_wait3A_25 = tpu.memref_slice %arg3[%dma_wait3A] : memref<320000xi32, #tpu.memory_space<hbm>> -> memref<40xi32, #tpu.memory_space<hbm>>
    %dma_wait3A_26 = arith.constant 0 : i32
    %dma_wait3A_27 = tpu.memref_slice %arg3[%dma_wait3A_26] : memref<320000xi32, #tpu.memory_space<hbm>> -> memref<40xi32, #tpu.memory_space<hbm>>
    tpu.wait_dma2 semaphore(%arg14 : memref<!tpu.dma_semaphore, #tpu.memory_space<semaphore_mem>>) src(%dma_wait3A_27 : memref<40xi32, #tpu.memory_space<hbm>>) dst(%arg7 : memref<40xi32, #tpu.memory_space<vmem>>)
    %dma_wait3A_28 = arith.constant 0 : i32
    %dma_wait3A_29 = tpu.memref_slice %arg3[%dma_wait3A_28] : memref<320000xi32, #tpu.memory_space<hbm>> -> memref<40xi32, #tpu.memory_space<hbm>>
    %dma_wait3A_30 = arith.constant 0 : i32
    %dma_wait3A_31 = tpu.memref_slice %arg3[%dma_wait3A_30] : memref<320000xi32, #tpu.memory_space<hbm>> -> memref<40xi32, #tpu.memory_space<hbm>>
    tpu.wait_dma2 semaphore(%arg14 : memref<!tpu.dma_semaphore, #tpu.memory_space<semaphore_mem>>) src(%dma_wait3A_31 : memref<40xi32, #tpu.memory_space<hbm>>) dst(%arg9 : memref<40xi32, #tpu.memory_space<vmem>>)
    %dma_start3A_32 = arith.constant 0 : i32
    %dma_start3A_33 = arith.constant 0 : i32
    %dma_start3A_34 = tpu.memref_slice %arg2[%dma_start3A_32, %dma_start3A_33] : memref<10000x128xf32, #tpu.memory_space<hbm>> -> memref<10000x128xf32, #tpu.memory_space<hbm>>
    tpu.enqueue_indirect_dma source(%dma_start3A_34 : memref<10000x128xf32, #tpu.memory_space<hbm>>) target(%arg11 : memref<40x128xf32, #tpu.memory_space<vmem>>) offsets(%arg7 : memref<40xi32, #tpu.memory_space<vmem>>) semaphore(%arg16 : memref<!tpu.dma_semaphore, #tpu.memory_space<semaphore_mem>>)
    %dma_wait3A_35 = arith.constant 0 : i32
    %dma_wait3A_36 = tpu.memref_slice %arg3[%dma_wait3A_35] : memref<320000xi32, #tpu.memory_space<hbm>> -> memref<40xi32, #tpu.memory_space<hbm>>
    %dma_wait3A_37 = arith.constant 0 : i32
    %dma_wait3A_38 = tpu.memref_slice %arg3[%dma_wait3A_37] : memref<320000xi32, #tpu.memory_space<hbm>> -> memref<40xi32, #tpu.memory_space<hbm>>
    tpu.wait_dma2 semaphore(%arg15 : memref<!tpu.dma_semaphore, #tpu.memory_space<semaphore_mem>>) src(%dma_wait3A_38 : memref<40xi32, #tpu.memory_space<hbm>>) dst(%arg8 : memref<40xi32, #tpu.memory_space<vmem>>)
    %dma_wait3A_39 = arith.constant 0 : i32
    %dma_wait3A_40 = tpu.memref_slice %arg3[%dma_wait3A_39] : memref<320000xi32, #tpu.memory_space<hbm>> -> memref<40xi32, #tpu.memory_space<hbm>>
    %dma_wait3A_41 = arith.constant 0 : i32
    %dma_wait3A_42 = tpu.memref_slice %arg3[%dma_wait3A_41] : memref<320000xi32, #tpu.memory_space<hbm>> -> memref<40xi32, #tpu.memory_space<hbm>>
    tpu.wait_dma2 semaphore(%arg15 : memref<!tpu.dma_semaphore, #tpu.memory_space<semaphore_mem>>) src(%dma_wait3A_42 : memref<40xi32, #tpu.memory_space<hbm>>) dst(%arg10 : memref<40xi32, #tpu.memory_space<vmem>>)
    %dma_start3A_43 = arith.constant 0 : i32
    %dma_start3A_44 = arith.constant 0 : i32
    %dma_start3A_45 = tpu.memref_slice %arg2[%dma_start3A_43, %dma_start3A_44] : memref<10000x128xf32, #tpu.memory_space<hbm>> -> memref<10000x128xf32, #tpu.memory_space<hbm>>
    tpu.enqueue_indirect_dma source(%dma_start3A_45 : memref<10000x128xf32, #tpu.memory_space<hbm>>) target(%arg12 : memref<40x128xf32, #tpu.memory_space<vmem>>) offsets(%arg8 : memref<40xi32, #tpu.memory_space<vmem>>) semaphore(%arg17 : memref<!tpu.dma_semaphore, #tpu.memory_space<semaphore_mem>>)
    %dma_wait3A_46 = arith.constant 0 : i32
    %dma_wait3A_47 = arith.constant 0 : i32
    %dma_wait3A_48 = tpu.memref_slice %arg5[%dma_wait3A_46, %dma_wait3A_47] : memref<632x128xf32, #tpu.memory_space<hbm>> -> memref<40x128xf32, #tpu.memory_space<hbm>>
    %dma_wait3A_49 = arith.constant 0 : i32
    %dma_wait3A_50 = arith.constant 0 : i32
    %dma_wait3A_51 = tpu.memref_slice %arg5[%dma_wait3A_49, %dma_wait3A_50] : memref<632x128xf32, #tpu.memory_space<hbm>> -> memref<40x128xf32, #tpu.memory_space<hbm>>
    tpu.wait_dma2 semaphore(%arg16 : memref<!tpu.dma_semaphore, #tpu.memory_space<semaphore_mem>>) src(%dma_wait3A_51 : memref<40x128xf32, #tpu.memory_space<hbm>>) dst(%arg11 : memref<40x128xf32, #tpu.memory_space<vmem>>)
    "tpu.region"() ({
      %run_scoped3A = tpu.sem_alloc : memref<!tpu.dma_semaphore, #tpu.memory_space<semaphore_mem>>
      %dma_start3A_65 = arith.constant 0 : i32
      %dma_start3A_66 = arith.constant 0 : i32
      %dma_start3A_67 = tpu.memref_slice %arg13[%dma_start3A_65, %dma_start3A_66] : memref<10112x128xf32, #tpu.memory_space<vmem_shared>> -> memref<10112x128xf32, #tpu.memory_space<vmem_shared>>
      tpu.enqueue_indirect_dma source(%arg11 : memref<40x128xf32, #tpu.memory_space<vmem>>) target(%dma_start3A_67 : memref<10112x128xf32, #tpu.memory_space<vmem_shared>>) offsets(%arg9 : memref<40xi32, #tpu.memory_space<vmem>>) semaphore(%run_scoped3A : memref<!tpu.dma_semaphore, #tpu.memory_space<semaphore_mem>>) {add = true}
      %dma_wait3A_68 = arith.constant 0 : i32
      %dma_wait3A_69 = arith.constant 0 : i32
      %dma_wait3A_70 = tpu.memref_slice %arg13[%dma_wait3A_68, %dma_wait3A_69] : memref<10112x128xf32, #tpu.memory_space<vmem_shared>> -> memref<10112x128xf32, #tpu.memory_space<vmem_shared>>
      tpu.wait_indirect_dma semaphore(%run_scoped3A : memref<!tpu.dma_semaphore, #tpu.memory_space<semaphore_mem>>) src(%arg11 : memref<40x128xf32, #tpu.memory_space<vmem>>) dst(%dma_wait3A_70 : memref<10112x128xf32, #tpu.memory_space<vmem_shared>>)
      tpu.yield
    }) : () -> ()
    %dma_wait3A_52 = arith.constant 0 : i32
    %dma_wait3A_53 = arith.constant 0 : i32
    %dma_wait3A_54 = tpu.memref_slice %arg5[%dma_wait3A_52, %dma_wait3A_53] : memref<632x128xf32, #tpu.memory_space<hbm>> -> memref<40x128xf32, #tpu.memory_space<hbm>>
    %dma_wait3A_55 = arith.constant 0 : i32
    %dma_wait3A_56 = arith.constant 0 : i32
    %dma_wait3A_57 = tpu.memref_slice %arg5[%dma_wait3A_55, %dma_wait3A_56] : memref<632x128xf32, #tpu.memory_space<hbm>> -> memref<40x128xf32, #tpu.memory_space<hbm>>
    tpu.wait_dma2 semaphore(%arg17 : memref<!tpu.dma_semaphore, #tpu.memory_space<semaphore_mem>>) src(%dma_wait3A_57 : memref<40x128xf32, #tpu.memory_space<hbm>>) dst(%arg12 : memref<40x128xf32, #tpu.memory_space<vmem>>)
    "tpu.region"() ({
      %run_scoped3A = tpu.sem_alloc : memref<!tpu.dma_semaphore, #tpu.memory_space<semaphore_mem>>
      %dma_start3A_65 = arith.constant 0 : i32
      %dma_start3A_66 = arith.constant 0 : i32
      %dma_start3A_67 = tpu.memref_slice %arg13[%dma_start3A_65, %dma_start3A_66] : memref<10112x128xf32, #tpu.memory_space<vmem_shared>> -> memref<10112x128xf32, #tpu.memory_space<vmem_shared>>
      tpu.enqueue_indirect_dma source(%arg12 : memref<40x128xf32, #tpu.memory_space<vmem>>) target(%dma_start3A_67 : memref<10112x128xf32, #tpu.memory_space<vmem_shared>>) offsets(%arg10 : memref<40xi32, #tpu.memory_space<vmem>>) semaphore(%run_scoped3A : memref<!tpu.dma_semaphore, #tpu.memory_space<semaphore_mem>>) {add = true}
      %dma_wait3A_68 = arith.constant 0 : i32
      %dma_wait3A_69 = arith.constant 0 : i32
      %dma_wait3A_70 = tpu.memref_slice %arg13[%dma_wait3A_68, %dma_wait3A_69] : memref<10112x128xf32, #tpu.memory_space<vmem_shared>> -> memref<10112x128xf32, #tpu.memory_space<vmem_shared>>
      tpu.wait_indirect_dma semaphore(%run_scoped3A : memref<!tpu.dma_semaphore, #tpu.memory_space<semaphore_mem>>) src(%arg12 : memref<40x128xf32, #tpu.memory_space<vmem>>) dst(%dma_wait3A_70 : memref<10112x128xf32, #tpu.memory_space<vmem_shared>>)
      tpu.yield
    }) : () -> ()
    %barrier3A_58 = arith.constant 0 : index
    tpu.barrier barrier_id(%barrier3A_58)
    %lt3A = arith.constant 15 : i32
    %lt3A_59 = arith.cmpi slt, %arg1, %lt3A : i32
    %convert_element_type3A = arith.extui %lt3A_59 : i1 to i32
    %cond3A = arith.constant 0 : i32
    %cond3A_60 = arith.cmpi ne, %convert_element_type3A, %cond3A : i32
    scf.if %cond3A_60 {
      %mul3A_65 = arith.constant 10000 : i32
      %mul3A_66 = arith.muli %arg0, %mul3A_65 : i32
      %mul3A_67 = arith.constant 632 : i32
      %mul3A_68 = arith.muli %arg1, %mul3A_67 : i32
      %add3A_69 = arith.addi %mul3A_66, %mul3A_68 : i32
      %mul3A_70 = arith.constant 632 : i32
      %mul3A_71 = arith.muli %arg1, %mul3A_70 : i32
      "tpu.region"() ({
        %run_scoped3A = tpu.sem_alloc : memref<!tpu.dma_semaphore, #tpu.memory_space<semaphore_mem>>
        %dma_start3A_72 = arith.constant 0 : i32
        %dma_start3A_73 = tpu.memref_slice %arg6[%add3A_69, %dma_start3A_72] : memref<20000x128xf32, #tpu.memory_space<hbm>> -> memref<632x128xf32, #tpu.memory_space<hbm>>
        %dma_start3A_74 = arith.constant 0 : i32
        %dma_start3A_75 = tpu.memref_slice %arg13[%mul3A_71, %dma_start3A_74] : memref<10112x128xf32, #tpu.memory_space<vmem_shared>> -> memref<632x128xf32, #tpu.memory_space<vmem_shared>>
        tpu.enqueue_dma source(%dma_start3A_75 : memref<632x128xf32, #tpu.memory_space<vmem_shared>>) target(%dma_start3A_73 : memref<632x128xf32, #tpu.memory_space<hbm>>) target_semaphore(%run_scoped3A : memref<!tpu.dma_semaphore, #tpu.memory_space<semaphore_mem>>)
        %dma_wait3A_76 = arith.constant 0 : i32
        %dma_wait3A_77 = tpu.memref_slice %arg6[%add3A_69, %dma_wait3A_76] : memref<20000x128xf32, #tpu.memory_space<hbm>> -> memref<632x128xf32, #tpu.memory_space<hbm>>
        %dma_wait3A_78 = arith.constant 0 : i32
        %dma_wait3A_79 = tpu.memref_slice %arg13[%mul3A_71, %dma_wait3A_78] : memref<10112x128xf32, #tpu.memory_space<vmem_shared>> -> memref<632x128xf32, #tpu.memory_space<vmem_shared>>
        tpu.wait_dma2 semaphore(%run_scoped3A : memref<!tpu.dma_semaphore, #tpu.memory_space<semaphore_mem>>) src(%dma_wait3A_79 : memref<632x128xf32, #tpu.memory_space<vmem_shared>>) dst(%dma_wait3A_77 : memref<632x128xf32, #tpu.memory_space<hbm>>)
        tpu.yield
      }) : () -> ()
    } else {
    }
    %eq3A = arith.constant 15 : i32
    %eq3A_61 = arith.cmpi eq, %arg1, %eq3A : i32
    %convert_element_type3A_62 = arith.extui %eq3A_61 : i1 to i32
    %cond3A_63 = arith.constant 0 : i32
    %cond3A_64 = arith.cmpi ne, %convert_element_type3A_62, %cond3A_63 : i32
    scf.if %cond3A_64 {
      %mul3A_65 = arith.constant 10000 : i32
      %mul3A_66 = arith.muli %arg0, %mul3A_65 : i32
      %add3A_67 = arith.constant 9480 : i32
      %add3A_68 = arith.addi %mul3A_66, %add3A_67 : i32
      "tpu.region"() ({
        %run_scoped3A = tpu.sem_alloc : memref<!tpu.dma_semaphore, #tpu.memory_space<semaphore_mem>>
        %dma_start3A_69 = arith.constant 0 : i32
        %dma_start3A_70 = tpu.memref_slice %arg6[%add3A_68, %dma_start3A_69] : memref<20000x128xf32, #tpu.memory_space<hbm>> -> memref<520x128xf32, #tpu.memory_space<hbm>>
        %dma_start3A_71 = arith.constant 9480 : i32
        %dma_start3A_72 = arith.constant 0 : i32
        %dma_start3A_73 = tpu.memref_slice %arg13[%dma_start3A_71, %dma_start3A_72] : memref<10112x128xf32, #tpu.memory_space<vmem_shared>> -> memref<520x128xf32, #tpu.memory_space<vmem_shared>>
        tpu.enqueue_dma source(%dma_start3A_73 : memref<520x128xf32, #tpu.memory_space<vmem_shared>>) target(%dma_start3A_70 : memref<520x128xf32, #tpu.memory_space<hbm>>) target_semaphore(%run_scoped3A : memref<!tpu.dma_semaphore, #tpu.memory_space<semaphore_mem>>)
        %dma_wait3A_74 = arith.constant 0 : i32
        %dma_wait3A_75 = tpu.memref_slice %arg6[%add3A_68, %dma_wait3A_74] : memref<20000x128xf32, #tpu.memory_space<hbm>> -> memref<520x128xf32, #tpu.memory_space<hbm>>
        %dma_wait3A_76 = arith.constant 9480 : i32
        %dma_wait3A_77 = arith.constant 0 : i32
        %dma_wait3A_78 = tpu.memref_slice %arg13[%dma_wait3A_76, %dma_wait3A_77] : memref<10112x128xf32, #tpu.memory_space<vmem_shared>> -> memref<520x128xf32, #tpu.memory_space<vmem_shared>>
        tpu.wait_dma2 semaphore(%run_scoped3A : memref<!tpu.dma_semaphore, #tpu.memory_space<semaphore_mem>>) src(%dma_wait3A_78 : memref<520x128xf32, #tpu.memory_space<vmem_shared>>) dst(%dma_wait3A_75 : memref<520x128xf32, #tpu.memory_space<hbm>>)
        tpu.yield
      }) : () -> ()
    } else {
    }
    return
  }
}

module attributes {stable_mosaic.version = 14 : i64} {
  func.func @body(%arg0: i32, %arg1: memref<1000x128xf32, #tpu.memory_space<vmem>>, %arg2: memref<1000x128xf32, #tpu.memory_space<vmem>>, %arg3: memref<1000x128xf32, #tpu.memory_space<vmem>>, %arg4: memref<1000x128xf32, #tpu.memory_space<vmem>>, %arg5: memref<128x256xf32, #tpu.memory_space<vmem>>, %arg6: memref<1x256xf32, #tpu.memory_space<vmem>>, %arg7: memref<1000x128xf32, #tpu.memory_space<vmem>>, %arg8: memref<1000x128xf32, #tpu.memory_space<vmem>>) attributes {dimension_semantics = [#tpu.dimension_semantics<arbitrary>], iteration_bounds = array<i64: 10>, scalar_prefetch = 0 : i64, scratch_operands = 0 : i64, tpu.core_type = #tpu.core_type<tc>, window_params = [{transform_indices = @transform_0, window_bounds = array<i64: 1000, 128>}, {transform_indices = @transform_1, window_bounds = array<i64: 1000, 128>}, {transform_indices = @transform_2, window_bounds = array<i64: 1000, 128>}, {transform_indices = @transform_3, window_bounds = array<i64: 1000, 128>}, {pipeline_mode = #tpu.pipeline_mode<synchronous>, transform_indices = @transform_4, window_bounds = array<i64: 128, 256>}, {pipeline_mode = #tpu.pipeline_mode<synchronous>, transform_indices = @transform_5, window_bounds = array<i64: 1, 256>}, {transform_indices = @transform_6, window_bounds = array<i64: 1000, 128>}, {transform_indices = @transform_7, window_bounds = array<i64: 1000, 128>}]} {
    %get3A = arith.constant 0 : index
    %get3A_0 = arith.constant 0 : index
    %get3A_1 = vector.load %arg3[%get3A, %get3A_0] : memref<1000x128xf32, #tpu.memory_space<vmem>>, vector<1000x128xf32>
    %get3A_2 = arith.constant 0 : index
    %get3A_3 = arith.constant 0 : index
    %get3A_4 = vector.load %arg4[%get3A_2, %get3A_3] : memref<1000x128xf32, #tpu.memory_space<vmem>>, vector<1000x128xf32>
    %add3A = arith.addf %get3A_1, %get3A_4 : vector<1000x128xf32>
    %slice3A = vector.extract_strided_slice %add3A {offsets = [0, 0], sizes = [1000, 1], strides = [1, 1]} : vector<1000x128xf32> to vector<1000x1xf32>
    %max3A = arith.constant 1.000000e+00 : f32
    %max3A_5 = vector.broadcast %max3A : f32 to vector<1000x1xf32>
    %max3A_6 = arith.maximumf %slice3A, %max3A_5 : vector<1000x1xf32>
    %rsqrt3A = math.rsqrt %max3A_6 : vector<1000x1xf32>
    %slice3A_7 = vector.extract_strided_slice %add3A {offsets = [0, 64], sizes = [1000, 1], strides = [1, 1]} : vector<1000x128xf32> to vector<1000x1xf32>
    %max3A_8 = arith.constant 1.000000e+00 : f32
    %max3A_9 = vector.broadcast %max3A_8 : f32 to vector<1000x1xf32>
    %max3A_10 = arith.maximumf %slice3A_7, %max3A_9 : vector<1000x1xf32>
    %rsqrt3A_11 = math.rsqrt %max3A_10 : vector<1000x1xf32>
    %get3A_12 = arith.constant 0 : index
    %get3A_13 = arith.constant 0 : index
    %get3A_14 = vector.load %arg1[%get3A_12, %get3A_13] : memref<1000x128xf32, #tpu.memory_space<vmem>>, vector<1000x128xf32>
    %get3A_15 = arith.constant 0 : index
    %get3A_16 = arith.constant 0 : index
    %get3A_17 = vector.load %arg2[%get3A_15, %get3A_16] : memref<1000x128xf32, #tpu.memory_space<vmem>>, vector<1000x128xf32>
    %add3A_18 = arith.addf %get3A_14, %get3A_17 : vector<1000x128xf32>
    %mul3A = vector.broadcast %rsqrt3A_11 : vector<1000x1xf32> to vector<1000x128xf32>
    %mul3A_19 = arith.mulf %add3A_18, %mul3A : vector<1000x128xf32>
    %get3A_20 = arith.constant 0 : index
    %get3A_21 = arith.constant 0 : index
    %get3A_22 = vector.load %arg5[%get3A_20, %get3A_21] : memref<128x256xf32, #tpu.memory_space<vmem>>, vector<128x256xf32>
    %dot_general3A = arith.constant dense<0.000000e+00> : vector<1000x256xf32>
    %dot_general3A_23 = tpu.matmul %mul3A_19, %get3A_22, %dot_general3A {dimension_numbers = #tpu.dot_dimension_numbers<[1], [0], [0], [1], [0, 0, 1, 1], [], []>, transpose_lhs_hint = false} : vector<1000x128xf32>, vector<128x256xf32>, vector<1000x256xf32> -> vector<1000x256xf32>
    %get3A_24 = arith.constant 0 : index
    %get3A_25 = arith.constant 0 : index
    %get3A_26 = vector.load %arg6[%get3A_24, %get3A_25] : memref<1x256xf32, #tpu.memory_space<vmem>>, vector<1x256xf32>
    %add3A_27 = vector.broadcast %get3A_26 : vector<1x256xf32> to vector<1000x256xf32>
    %add3A_28 = arith.addf %dot_general3A_23, %add3A_27 : vector<1000x256xf32>
    %max3A_29 = arith.constant 0.000000e+00 : f32
    %max3A_30 = vector.broadcast %max3A_29 : f32 to vector<1000x256xf32>
    %max3A_31 = arith.maximumf %add3A_28, %max3A_30 : vector<1000x256xf32>
    %mul3A_32 = vector.broadcast %rsqrt3A : vector<1000x1xf32> to vector<1000x256xf32>
    %mul3A_33 = arith.mulf %max3A_31, %mul3A_32 : vector<1000x256xf32>
    %slice3A_34 = vector.extract_strided_slice %mul3A_33 {offsets = [0, 0], sizes = [1000, 128], strides = [1, 1]} : vector<1000x256xf32> to vector<1000x128xf32>
    %swap3A = arith.constant 0 : index
    %swap3A_35 = arith.constant 0 : index
    %swap3A_36 = vector.load %arg7[%swap3A, %swap3A_35] : memref<1000x128xf32, #tpu.memory_space<vmem>>, vector<1000x128xf32>
    tpu.vector_store %arg7[%swap3A, %swap3A_35], %slice3A_34 {strides = array<i32>} : memref<1000x128xf32, #tpu.memory_space<vmem>>, vector<1000x128xf32>,
    %slice3A_37 = vector.extract_strided_slice %mul3A_33 {offsets = [0, 128], sizes = [1000, 128], strides = [1, 1]} : vector<1000x256xf32> to vector<1000x128xf32>
    %swap3A_38 = arith.constant 0 : index
    %swap3A_39 = arith.constant 0 : index
    %swap3A_40 = vector.load %arg8[%swap3A_38, %swap3A_39] : memref<1000x128xf32, #tpu.memory_space<vmem>>, vector<1000x128xf32>
    tpu.vector_store %arg8[%swap3A_38, %swap3A_39], %slice3A_37 {strides = array<i32>} : memref<1000x128xf32, #tpu.memory_space<vmem>>, vector<1000x128xf32>,
    return
  }
  func.func @transform_0(%arg0: i32) -> (i32, i32) {
    %c0_i32 = arith.constant 0 : i32
    %c0_i32_0 = arith.constant 0 : i32
    return %arg0, %c0_i32 : i32, i32
  }
  func.func @transform_1(%arg0: i32) -> (i32, i32) {
    %add3A = arith.constant 10 : i32
    %add3A_0 = arith.addi %arg0, %add3A : i32
    %c0_i32 = arith.constant 0 : i32
    %c0_i32_1 = arith.constant 0 : i32
    return %add3A_0, %c0_i32 : i32, i32
  }
  func.func @transform_2(%arg0: i32) -> (i32, i32) {
    %c0_i32 = arith.constant 0 : i32
    %c0_i32_0 = arith.constant 0 : i32
    return %arg0, %c0_i32 : i32, i32
  }
  func.func @transform_3(%arg0: i32) -> (i32, i32) {
    %add3A = arith.constant 10 : i32
    %add3A_0 = arith.addi %arg0, %add3A : i32
    %c0_i32 = arith.constant 0 : i32
    %c0_i32_1 = arith.constant 0 : i32
    return %add3A_0, %c0_i32 : i32, i32
  }
  func.func @transform_4(%arg0: i32) -> (i32, i32) {
    %c0_i32 = arith.constant 0 : i32
    %c0_i32_0 = arith.constant 0 : i32
    %c0_i32_1 = arith.constant 0 : i32
    return %c0_i32, %c0_i32_0 : i32, i32
  }
  func.func @transform_5(%arg0: i32) -> (i32, i32) {
    %c0_i32 = arith.constant 0 : i32
    %c0_i32_0 = arith.constant 0 : i32
    %c0_i32_1 = arith.constant 0 : i32
    return %c0_i32, %c0_i32_0 : i32, i32
  }
  func.func @transform_6(%arg0: i32) -> (i32, i32) {
    %c0_i32 = arith.constant 0 : i32
    %c0_i32_0 = arith.constant 0 : i32
    return %arg0, %c0_i32 : i32, i32
  }
  func.func @transform_7(%arg0: i32) -> (i32, i32) {
    %c0_i32 = arith.constant 0 : i32
    %c0_i32_0 = arith.constant 0 : i32
    return %arg0, %c0_i32 : i32, i32
  }
}

module attributes {stable_mosaic.version = 14 : i64} {
  func.func @body(%arg0: i32, %arg1: memref<1000x128xf32, #tpu.memory_space<vmem>>, %arg2: memref<1000x128xf32, #tpu.memory_space<vmem>>, %arg3: memref<1000x128xf32, #tpu.memory_space<vmem>>, %arg4: memref<1000x128xf32, #tpu.memory_space<vmem>>) attributes {dimension_semantics = [#tpu.dimension_semantics<arbitrary>], iteration_bounds = array<i64: 10>, scalar_prefetch = 0 : i64, scratch_operands = 0 : i64, tpu.core_type = #tpu.core_type<tc>, window_params = [{transform_indices = @transform_0, window_bounds = array<i64: 1000, 128>}, {transform_indices = @transform_1, window_bounds = array<i64: 1000, 128>}, {transform_indices = @transform_2, window_bounds = array<i64: 1000, 128>}, {transform_indices = @transform_3, window_bounds = array<i64: 1000, 128>}]} {
    %get3A = arith.constant 0 : index
    %get3A_0 = arith.constant 0 : index
    %get3A_1 = vector.load %arg2[%get3A, %get3A_0] : memref<1000x128xf32, #tpu.memory_space<vmem>>, vector<1000x128xf32>
    %get3A_2 = arith.constant 0 : index
    %get3A_3 = arith.constant 0 : index
    %get3A_4 = vector.load %arg3[%get3A_2, %get3A_3] : memref<1000x128xf32, #tpu.memory_space<vmem>>, vector<1000x128xf32>
    %add3A = arith.addf %get3A_1, %get3A_4 : vector<1000x128xf32>
    %slice3A = vector.extract_strided_slice %add3A {offsets = [0, 0], sizes = [1000, 1], strides = [1, 1]} : vector<1000x128xf32> to vector<1000x1xf32>
    %max3A = arith.constant 1.000000e+00 : f32
    %max3A_5 = vector.broadcast %max3A : f32 to vector<1000x1xf32>
    %max3A_6 = arith.maximumf %slice3A, %max3A_5 : vector<1000x1xf32>
    %rsqrt3A = math.rsqrt %max3A_6 : vector<1000x1xf32>
    %get3A_7 = arith.constant 0 : index
    %get3A_8 = arith.constant 0 : index
    %get3A_9 = vector.load %arg1[%get3A_7, %get3A_8] : memref<1000x128xf32, #tpu.memory_space<vmem>>, vector<1000x128xf32>
    %mul3A = vector.broadcast %rsqrt3A : vector<1000x1xf32> to vector<1000x128xf32>
    %mul3A_10 = arith.mulf %get3A_9, %mul3A : vector<1000x128xf32>
    %swap3A = arith.constant 0 : index
    %swap3A_11 = arith.constant 0 : index
    %swap3A_12 = vector.load %arg4[%swap3A, %swap3A_11] : memref<1000x128xf32, #tpu.memory_space<vmem>>, vector<1000x128xf32>
    tpu.vector_store %arg4[%swap3A, %swap3A_11], %mul3A_10 {strides = array<i32>} : memref<1000x128xf32, #tpu.memory_space<vmem>>, vector<1000x128xf32>,
    return
  }
  func.func @transform_0(%arg0: i32) -> (i32, i32) {
    %c0_i32 = arith.constant 0 : i32
    %c0_i32_0 = arith.constant 0 : i32
    return %arg0, %c0_i32 : i32, i32
  }
  func.func @transform_1(%arg0: i32) -> (i32, i32) {
    %c0_i32 = arith.constant 0 : i32
    %c0_i32_0 = arith.constant 0 : i32
    return %arg0, %c0_i32 : i32, i32
  }
  func.func @transform_2(%arg0: i32) -> (i32, i32) {
    %add3A = arith.constant 10 : i32
    %add3A_0 = arith.addi %arg0, %add3A : i32
    %c0_i32 = arith.constant 0 : i32
    %c0_i32_1 = arith.constant 0 : i32
    return %add3A_0, %c0_i32 : i32, i32
  }
  func.func @transform_3(%arg0: i32) -> (i32, i32) {
    %c0_i32 = arith.constant 0 : i32
    %c0_i32_0 = arith.constant 0 : i32
    return %arg0, %c0_i32 : i32, i32
  }
}

module attributes {stable_mosaic.version = 14 : i64} {
  func.func @body(%arg0: i32, %arg1: memref<1000x128xf32, #tpu.memory_space<vmem>>, %arg2: memref<1000x128xf32, #tpu.memory_space<vmem>>, %arg3: memref<1000x128xf32, #tpu.memory_space<vmem>>, %arg4: memref<1000x128xf32, #tpu.memory_space<vmem>>, %arg5: memref<1000x128xf32, #tpu.memory_space<vmem>>, %arg6: memref<1000x128xf32, #tpu.memory_space<vmem>>, %arg7: memref<256x256xf32, #tpu.memory_space<vmem>>, %arg8: memref<1x256xf32, #tpu.memory_space<vmem>>, %arg9: memref<256x1xf32, #tpu.memory_space<vmem>>, %arg10: memref<1x1xf32, #tpu.memory_space<vmem>>, %arg11: memref<1x1xf32, #tpu.memory_space<vmem>>, %arg12: memref<1x256xf32, #tpu.memory_space<vmem>>) attributes {dimension_semantics = [#tpu.dimension_semantics<arbitrary>], iteration_bounds = array<i64: 10>, scalar_prefetch = 0 : i64, scratch_operands = 1 : i64, tpu.core_type = #tpu.core_type<tc>, window_params = [{transform_indices = @transform_0, window_bounds = array<i64: 1000, 128>}, {transform_indices = @transform_1, window_bounds = array<i64: 1000, 128>}, {transform_indices = @transform_2, window_bounds = array<i64: 1000, 128>}, {transform_indices = @transform_3, window_bounds = array<i64: 1000, 128>}, {transform_indices = @transform_4, window_bounds = array<i64: 1000, 128>}, {transform_indices = @transform_5, window_bounds = array<i64: 1000, 128>}, {pipeline_mode = #tpu.pipeline_mode<synchronous>, transform_indices = @transform_6, window_bounds = array<i64: 256, 256>}, {pipeline_mode = #tpu.pipeline_mode<synchronous>, transform_indices = @transform_7, window_bounds = array<i64: 1, 256>}, {pipeline_mode = #tpu.pipeline_mode<synchronous>, transform_indices = @transform_8, window_bounds = array<i64: 256, 1>}, {pipeline_mode = #tpu.pipeline_mode<synchronous>, transform_indices = @transform_9, window_bounds = array<i64: 1, 1>}, {pipeline_mode = #tpu.pipeline_mode<synchronous>, transform_indices = @transform_10, window_bounds = array<i64: 1, 1>}]} {
    %get3A = arith.constant 0 : index
    %get3A_0 = arith.constant 0 : index
    %get3A_1 = vector.load %arg5[%get3A, %get3A_0] : memref<1000x128xf32, #tpu.memory_space<vmem>>, vector<1000x128xf32>
    %get3A_2 = arith.constant 0 : index
    %get3A_3 = arith.constant 0 : index
    %get3A_4 = vector.load %arg6[%get3A_2, %get3A_3] : memref<1000x128xf32, #tpu.memory_space<vmem>>, vector<1000x128xf32>
    %add3A = arith.addf %get3A_1, %get3A_4 : vector<1000x128xf32>
    %slice3A = vector.extract_strided_slice %add3A {offsets = [0, 64], sizes = [1000, 1], strides = [1, 1]} : vector<1000x128xf32> to vector<1000x1xf32>
    %max3A = arith.constant 1.000000e+00 : f32
    %max3A_5 = vector.broadcast %max3A : f32 to vector<1000x1xf32>
    %max3A_6 = arith.maximumf %slice3A, %max3A_5 : vector<1000x1xf32>
    %rsqrt3A = math.rsqrt %max3A_6 : vector<1000x1xf32>
    %get3A_7 = arith.constant 0 : index
    %get3A_8 = arith.constant 0 : index
    %get3A_9 = vector.load %arg1[%get3A_7, %get3A_8] : memref<1000x128xf32, #tpu.memory_space<vmem>>, vector<1000x128xf32>
    %get3A_10 = arith.constant 0 : index
    %get3A_11 = arith.constant 0 : index
    %get3A_12 = vector.load %arg2[%get3A_10, %get3A_11] : memref<1000x128xf32, #tpu.memory_space<vmem>>, vector<1000x128xf32>
    %add3A_13 = arith.addf %get3A_9, %get3A_12 : vector<1000x128xf32>
    %get3A_14 = arith.constant 0 : index
    %get3A_15 = arith.constant 0 : index
    %get3A_16 = vector.load %arg3[%get3A_14, %get3A_15] : memref<1000x128xf32, #tpu.memory_space<vmem>>, vector<1000x128xf32>
    %get3A_17 = arith.constant 0 : index
    %get3A_18 = arith.constant 0 : index
    %get3A_19 = vector.load %arg4[%get3A_17, %get3A_18] : memref<1000x128xf32, #tpu.memory_space<vmem>>, vector<1000x128xf32>
    %add3A_20 = arith.addf %get3A_16, %get3A_19 : vector<1000x128xf32>
    %concatenate3A = tpu.concatenate %add3A_13, %add3A_20 in 1 : vector<1000x128xf32>, vector<1000x128xf32> -> vector<1000x256xf32>
    %mul3A = vector.broadcast %rsqrt3A : vector<1000x1xf32> to vector<1000x256xf32>
    %mul3A_21 = arith.mulf %concatenate3A, %mul3A : vector<1000x256xf32>
    %get3A_22 = arith.constant 0 : index
    %get3A_23 = arith.constant 0 : index
    %get3A_24 = vector.load %arg7[%get3A_22, %get3A_23] : memref<256x256xf32, #tpu.memory_space<vmem>>, vector<256x256xf32>
    %dot_general3A = arith.constant dense<0.000000e+00> : vector<1000x256xf32>
    %dot_general3A_25 = tpu.matmul %mul3A_21, %get3A_24, %dot_general3A {dimension_numbers = #tpu.dot_dimension_numbers<[1], [0], [0], [1], [0, 0, 1, 1], [], []>, transpose_lhs_hint = false} : vector<1000x256xf32>, vector<256x256xf32>, vector<1000x256xf32> -> vector<1000x256xf32>
    %get3A_26 = arith.constant 0 : index
    %get3A_27 = arith.constant 0 : index
    %get3A_28 = vector.load %arg8[%get3A_26, %get3A_27] : memref<1x256xf32, #tpu.memory_space<vmem>>, vector<1x256xf32>
    %add3A_29 = vector.broadcast %get3A_28 : vector<1x256xf32> to vector<1000x256xf32>
    %add3A_30 = arith.addf %dot_general3A_25, %add3A_29 : vector<1000x256xf32>
    %max3A_31 = arith.constant 0.000000e+00 : f32
    %max3A_32 = vector.broadcast %max3A_31 : f32 to vector<1000x256xf32>
    %max3A_33 = arith.maximumf %add3A_30, %max3A_32 : vector<1000x256xf32>
    %reduce_sum3A = arith.constant dense<0.000000e+00> : vector<256xf32>
    %reduce_sum3A_34 = vector.multi_reduction <add>, %max3A_33, %reduce_sum3A [0] : vector<1000x256xf32> to vector<256xf32>
    %broadcast_in_dim3A = vector.shape_cast %reduce_sum3A_34 : vector<256xf32> to vector<1x256xf32>
    %eq3A = arith.constant 0 : i32
    %eq3A_35 = arith.cmpi eq, %arg0, %eq3A : i32
    %convert_element_type3A = arith.extui %eq3A_35 : i1 to i32
    %cond3A = arith.constant 0 : i32
    %cond3A_36 = arith.cmpi ne, %convert_element_type3A, %cond3A : i32
    scf.if %cond3A_36 {
      %swap3A = arith.constant 0 : index
      %swap3A_46 = arith.constant 0 : index
      %swap3A_47 = vector.load %arg12[%swap3A, %swap3A_46] : memref<1x256xf32, #tpu.memory_space<vmem>>, vector<1x256xf32>
      tpu.vector_store %arg12[%swap3A, %swap3A_46], %broadcast_in_dim3A {strides = array<i32>} : memref<1x256xf32, #tpu.memory_space<vmem>>, vector<1x256xf32>,
    } else {
    }
    %gt3A = arith.constant 0 : i32
    %gt3A_37 = arith.cmpi sgt, %arg0, %gt3A : i32
    %convert_element_type3A_38 = arith.extui %gt3A_37 : i1 to i32
    %cond3A_39 = arith.constant 0 : i32
    %cond3A_40 = arith.cmpi ne, %convert_element_type3A_38, %cond3A_39 : i32
    scf.if %cond3A_40 {
      %get3A_46 = arith.constant 0 : index
      %get3A_47 = arith.constant 0 : index
      %get3A_48 = vector.load %arg12[%get3A_46, %get3A_47] : memref<1x256xf32, #tpu.memory_space<vmem>>, vector<1x256xf32>
      %add3A_49 = arith.addf %get3A_48, %broadcast_in_dim3A : vector<1x256xf32>
      %swap3A = arith.constant 0 : index
      %swap3A_50 = arith.constant 0 : index
      %swap3A_51 = vector.load %arg12[%swap3A, %swap3A_50] : memref<1x256xf32, #tpu.memory_space<vmem>>, vector<1x256xf32>
      tpu.vector_store %arg12[%swap3A, %swap3A_50], %add3A_49 {strides = array<i32>} : memref<1x256xf32, #tpu.memory_space<vmem>>, vector<1x256xf32>,
    } else {
    }
    %eq3A_41 = arith.constant 9 : i32
    %eq3A_42 = arith.cmpi eq, %arg0, %eq3A_41 : i32
    %convert_element_type3A_43 = arith.extui %eq3A_42 : i1 to i32
    %cond3A_44 = arith.constant 0 : i32
    %cond3A_45 = arith.cmpi ne, %convert_element_type3A_43, %cond3A_44 : i32
    scf.if %cond3A_45 {
      %get3A_46 = arith.constant 0 : index
      %get3A_47 = arith.constant 0 : index
      %get3A_48 = vector.load %arg12[%get3A_46, %get3A_47] : memref<1x256xf32, #tpu.memory_space<vmem>>, vector<1x256xf32>
      %mul3A_49 = arith.constant 9.99999974E-5 : f32
      %mul3A_50 = vector.broadcast %mul3A_49 : f32 to vector<1x256xf32>
      %mul3A_51 = arith.mulf %get3A_48, %mul3A_50 : vector<1x256xf32>
      %get3A_52 = arith.constant 0 : index
      %get3A_53 = arith.constant 0 : index
      %get3A_54 = vector.load %arg9[%get3A_52, %get3A_53] : memref<256x1xf32, #tpu.memory_space<vmem>>, vector<256x1xf32>
      %dot_general3A_55 = arith.constant dense<0.000000e+00> : vector<1x1xf32>
      %dot_general3A_56 = tpu.matmul %mul3A_51, %get3A_54, %dot_general3A_55 {dimension_numbers = #tpu.dot_dimension_numbers<[1], [0], [0], [1], [0, 0, 1, 1], [], []>, transpose_lhs_hint = false} : vector<1x256xf32>, vector<256x1xf32>, vector<1x1xf32> -> vector<1x1xf32>
      %get3A_57 = arith.constant 0 : index
      %get3A_58 = arith.constant 0 : index
      %get3A_59 = vector.load %arg10[%get3A_57, %get3A_58] : memref<1x1xf32, #tpu.memory_space<vmem>>, vector<1x1xf32>
      %add3A_60 = arith.addf %dot_general3A_56, %get3A_59 : vector<1x1xf32>
      %swap3A = arith.constant 0 : index
      %swap3A_61 = arith.constant 0 : index
      %swap3A_62 = vector.load %arg11[%swap3A, %swap3A_61] : memref<1x1xf32, #tpu.memory_space<vmem>>, vector<1x1xf32>
      tpu.vector_store %arg11[%swap3A, %swap3A_61], %add3A_60 {strides = array<i32>} : memref<1x1xf32, #tpu.memory_space<vmem>>, vector<1x1xf32>,
    } else {
    }
    return
  }
  func.func @transform_0(%arg0: i32) -> (i32, i32) {
    %c0_i32 = arith.constant 0 : i32
    %c0_i32_0 = arith.constant 0 : i32
    return %arg0, %c0_i32 : i32, i32
  }
  func.func @transform_1(%arg0: i32) -> (i32, i32) {
    %add3A = arith.constant 10 : i32
    %add3A_0 = arith.addi %arg0, %add3A : i32
    %c0_i32 = arith.constant 0 : i32
    %c0_i32_1 = arith.constant 0 : i32
    return %add3A_0, %c0_i32 : i32, i32
  }
  func.func @transform_2(%arg0: i32) -> (i32, i32) {
    %c0_i32 = arith.constant 0 : i32
    %c0_i32_0 = arith.constant 0 : i32
    return %arg0, %c0_i32 : i32, i32
  }
  func.func @transform_3(%arg0: i32) -> (i32, i32) {
    %add3A = arith.constant 10 : i32
    %add3A_0 = arith.addi %arg0, %add3A : i32
    %c0_i32 = arith.constant 0 : i32
    %c0_i32_1 = arith.constant 0 : i32
    return %add3A_0, %c0_i32 : i32, i32
  }
  func.func @transform_4(%arg0: i32) -> (i32, i32) {
    %c0_i32 = arith.constant 0 : i32
    %c0_i32_0 = arith.constant 0 : i32
    return %arg0, %c0_i32 : i32, i32
  }
  func.func @transform_5(%arg0: i32) -> (i32, i32) {
    %add3A = arith.constant 10 : i32
    %add3A_0 = arith.addi %arg0, %add3A : i32
    %c0_i32 = arith.constant 0 : i32
    %c0_i32_1 = arith.constant 0 : i32
    return %add3A_0, %c0_i32 : i32, i32
  }
  func.func @transform_6(%arg0: i32) -> (i32, i32) {
    %c0_i32 = arith.constant 0 : i32
    %c0_i32_0 = arith.constant 0 : i32
    %c0_i32_1 = arith.constant 0 : i32
    return %c0_i32, %c0_i32_0 : i32, i32
  }
  func.func @transform_7(%arg0: i32) -> (i32, i32) {
    %c0_i32 = arith.constant 0 : i32
    %c0_i32_0 = arith.constant 0 : i32
    %c0_i32_1 = arith.constant 0 : i32
    return %c0_i32, %c0_i32_0 : i32, i32
  }
  func.func @transform_8(%arg0: i32) -> (i32, i32) {
    %c0_i32 = arith.constant 0 : i32
    %c0_i32_0 = arith.constant 0 : i32
    %c0_i32_1 = arith.constant 0 : i32
    return %c0_i32, %c0_i32_0 : i32, i32
  }
  func.func @transform_9(%arg0: i32) -> (i32, i32) {
    %c0_i32 = arith.constant 0 : i32
    %c0_i32_0 = arith.constant 0 : i32
    %c0_i32_1 = arith.constant 0 : i32
    return %c0_i32, %c0_i32_0 : i32, i32
  }
  func.func @transform_10(%arg0: i32) -> (i32, i32) {
    %c0_i32 = arith.constant 0 : i32
    %c0_i32_0 = arith.constant 0 : i32
    %c0_i32_1 = arith.constant 0 : i32
    return %c0_i32, %c0_i32_0 : i32, i32
  }
}

</mosaic_0001>

<sc_bundles>
// kernel: kernel.12.cloned.1.call-start
scs
__scs_entry_jumppad:
0x0: {  	(pc) =	sbr.rel $0x88, $3  }
0x1: {  	(tag) =	ssettag $0x0;
	lr =	simm.s32 $0x1  }
0x2: {  	[smem:$0x3F99] =	sst lr;
	_ =	strace $0xD0000000  }
0x3: {  	_ = 	snop  }
0x4: {  	_ = 	snop  }
0x5: {  	_ = 	snop  }
0x6: {  	_ = 	snop  }
0x7: {  	_ = 	snop  }
__scs_overlays_trampoline_lowered:
0x8: {  	[smem:$0x3FA8] =	sst s0  }
0x9: {  	[smem:$0x3FA9] =	sst s1  }
0xa: {  	[smem:$0x3FAA] =	sst s2  }
0xb: {  	[smem:$0x3FAB] =	sst s3  }
0xc: {  	[smem:$0x3FAC] =	sst s4  }
0xd: {  	[smem:$0x3FAD] =	sst s5  }
0xe: {  	[smem:$0x3FAE] =	sst s6  }
0xf: {  	[smem:$0x3FAF] =	sst s7  }
0x10: {  	[smem:$0x3FB0] =	sst s8  }
0x11: {  	[smem:$0x3FB1] =	sst s9;
	s0 =	simm.s32 @!p0 $0x0  }
0x12: {  	s1 =	sld [smem:$0x3F97];
	s0 =	simm.s32 @p0 $0x1  }
0x13: {  	[smem:$0x3FB2] =	sst s0;
	s0 =	simm.s32 @!p1 $0x0  }
0x14: {  	s2 =	sld [smem:$0x3F96];
	s0 =	simm.s32 @p1 $0x1  }
0x15: {  	[smem:$0x3FB3] =	sst s0;
	s0 =	simm.s32 @!p2 $0x0  }
0x16: {  	s3 =	sld [smem:$0x3FDB];
	s0 =	simm.s32 @p2 $0x1  }
0x17: {  	s4 =	simm.s32 $0x1BF5;
	[smem:$0x3FB5] =	sst s0  }
0x18: {  	s0 =	sld [smem:$0x3F98];
	_ =	swait.ge [sflag:s4], $0x0  }
0x19: {  	s7 =	sld [smem:$0x3F99]  }
0x1a: {  	s8 =	sadd.s32 $0xFFFFE003, lr  }
0x1b: {  	s9 =	sadd.s32 $0xFFFFFEF7, lr;
	s5 =	simm.s32 $0xFFFFFFFF;
	p2 =	slt.u32 s8, $0xFFFFF086  }
0x1c: {  	p1 =	slt.u32 s9, $0xF7A;
	s5 =	simm.s32 @!p2 $0x0  }
0x1d: {  	s5 =	simm.s32 @p1 $0x1;
	p0 =	seq.s32 s7, s2  }
0x1e: {  	s7 =	smul.u32 @!p0 $0xF7A, s2;
	p2 =	seq.s32 @!p0 s5, $0x0  }
0x1f: {  	s9 =	smul.u32 $0xF7A, s1;
	s8 =	simm.s32 @!p0 $0x1BF5;
	p2 =	por !p2, p0  }
0x20: {  	[sflag:s8] =	ssyncset.s32 @!p0 $0xFFFFF086;
	s6 =	sadd.s32 @!p0 s3, s7;
	s7 =	simm.s32 @!p0 $0x108  }
0x21: {  	s3 =	sadd.s32 s3, s9;
	s6 =	sadd.s32 @!p0 $0x88, s6;
	s7 =	simm.s32 @p2 $0x1082  }
0x22: {  	[simem:s7], [sflag:s8] =	dma.local @!p0 [hbm:s6], $0xF7A  }
0x23: {  	s9 =	sor.u32 $0xD0000000, s2;
	s6 =	simm.s32 $0x108;
	_ =	swait.ge @!p0 [sflag:s8], $0x0  }
0x24: {  	s3 =	sadd.s32 $0x88, s3;
	s6 =	simm.s32 @!p1 $0x1082;
	[sflag:s4] =	ssyncset.s32 $0xFFFFF086  }
0x25: {  	[simem:s6], [sflag:s4] =	dma.local [hbm:s3], $0xF7A  }
0x26: {  	[smem:$0x3F99] =	sst s1;
	(tag) =	ssettag s2;
	_ =	strace s9  }
0x27: {  	s1 =	sld [smem:$0x3FA9]  }
0x28: {  	s2 =	sld [smem:$0x3FAA]  }
0x29: {  	s4 =	sld [smem:$0x3FAC]  }
0x2a: {  	p0 =	seq.s32 s5, $0x0;
	s5 =	sld [smem:$0x3FAD]  }
0x2b: {  	s6 =	sld [smem:$0x3FAE]  }
0x2c: {  	s7 =	sld [smem:$0x3FAF]  }
0x2d: {  	s3 =	simm.s32 $0x108;
	s8 =	sld [smem:$0x3FB0]  }
0x2e: {  	s3 =	simm.s32 @!p0 $0x1082;
	s9 =	sld [smem:$0x3FB1]  }
0x2f: {  	lr =	sadd.s32 s0, s3;
	s0 =	sld [smem:$0x3FA8]  }
0x30: {  	s3 =	sld [smem:$0x3FAB]  }
0x31: {  	[smem:$0x3FB4] =	sst s10  }
0x32: {  	s10 =	sld [smem:$0x3FB2];
	_ =	sdelay $0x3  }
0x33: {  	p0 =	seq.s32 s10, $0x1;
	s10 =	sld [smem:$0x3FB4];
	_ =	sdelay $0x3  }
0x34: {  	[smem:$0x3FB4] =	sst s10  }
0x35: {  	s10 =	sld [smem:$0x3FB3];
	_ =	sdelay $0x3  }
0x36: {  	p1 =	seq.s32 s10, $0x1;
	s10 =	sld [smem:$0x3FB4];
	_ =	sdelay $0x3  }
0x37: {  	[smem:$0x3FB4] =	sst s10  }
0x38: {  	s10 =	sld [smem:$0x3FB5]  }
0x39: {  	_ = 	snop;
	(pc) =	sbr.ind lr, $3  }
0x3a: {  	_ = 	snop  }
0x3b: {  	_ = 	snop  }
0x3c: {  	p2 =	seq.s32 s10, $0x1;
	s10 =	sld [smem:$0x3FB4]  }
0x3d: {  	_ =	shalt  }
0x3e: {  	_ =	shalt  }
0x3f: {  	_ =	shalt  }
0x40: {  	_ =	shalt  }
0x41: {  	_ =	shalt  }
0x42: {  	_ =	shalt  }
0x43: {  	_ =	shalt  }
0x44: {  	_ =	shalt  }
0x45: {  	_ =	shalt  }
0x46: {  	_ =	shalt  }
0x47: {  	_ =	shalt  }
0x48: {  	_ =	shalt  }
0x49: {  	_ =	shalt  }
0x4a: {  	_ =	shalt  }
0x4b: {  	_ =	shalt  }
0x4c: {  	_ =	shalt  }
0x4d: {  	_ =	shalt  }
0x4e: {  	_ =	shalt  }
0x4f: {  	_ =	shalt  }
0x50: {  	_ =	shalt  }
0x51: {  	_ =	shalt  }
0x52: {  	_ =	shalt  }
0x53: {  	_ =	shalt  }
0x54: {  	_ =	shalt  }
0x55: {  	_ =	shalt  }
0x56: {  	_ =	shalt  }
0x57: {  	_ =	shalt  }
0x58: {  	_ =	shalt  }
0x59: {  	_ =	shalt  }
0x5a: {  	_ =	shalt  }
0x5b: {  	_ =	shalt  }
0x5c: {  	_ =	shalt  }
0x5d: {  	_ =	shalt  }
0x5e: {  	_ =	shalt  }
0x5f: {  	_ =	shalt  }
0x60: {  	_ =	shalt  }
0x61: {  	_ =	shalt  }
0x62: {  	_ =	shalt  }
0x63: {  	_ =	shalt  }
0x64: {  	_ =	shalt  }
0x65: {  	_ =	shalt  }
0x66: {  	_ =	shalt  }
0x67: {  	_ =	shalt  }
0x68: {  	_ =	shalt  }
0x69: {  	_ =	shalt  }
0x6a: {  	_ =	shalt  }
0x6b: {  	_ =	shalt  }
0x6c: {  	_ =	shalt  }
0x6d: {  	_ =	shalt  }
0x6e: {  	_ =	shalt  }
0x6f: {  	_ =	shalt  }
0x70: {  	_ =	shalt  }
0x71: {  	_ =	shalt  }
0x72: {  	_ =	shalt  }
0x73: {  	_ =	shalt  }
0x74: {  	_ =	shalt  }
0x75: {  	_ =	shalt  }
0x76: {  	_ =	shalt  }
0x77: {  	_ =	shalt  }
0x78: {  	_ =	shalt  }
0x79: {  	_ =	shalt  }
0x7a: {  	_ =	shalt  }
0x7b: {  	_ =	shalt  }
0x7c: {  	_ =	shalt  }
0x7d: {  	_ =	shalt  }
0x7e: {  	_ =	shalt  }
0x7f: {  	_ =	shalt  }
0x80: {  	_ =	shalt  }
0x81: {  	_ =	shalt  }
0x82: {  	_ =	shalt  }
0x83: {  	_ =	shalt  }
0x84: {  	_ =	shalt  }
0x85: {  	_ =	shalt  }
0x86: {  	_ =	shalt  }
0x87: {  	_ =	shalt  }
.Lfunc_end0:
.L_simem_size_0:
called_computation.1_lowered:
.L_overlay_start_0:
0x88: {  	s2 =	sld [smem:$0x3FD9]  }
0x89: {  	s3 =	sld [smem:$0x3FFE];
	_ =	sdelay $0x1  }
0x8a: {  	s1 =	srdreg.scid  }
0x8b: {  	s0 =	sand.u32 $0x1, s1  }
0x8c: {  	s16 =	sshll.u32 s0, $0xA;
	s2 =	sadd.s32 s3, s2  }
0x8d: {  	s2 =	sadd.s32 s2, s16  }
0x8e: {  	[smem:$0x3FC0] =	sst s2  }
0x8f: {  	_ = 	snop  }
0x90: {  	(tm) =	ssettm $0x1  }
0x91: {  	s17 =	sld [smem:$0x3FFB];
	_ =	sdelay $0x3  }
0x92: {  	_ =	strace s17  }
0x93: {  	s2 =	sld [smem:$0x3FFC];
	_ =	sdelay $0x3  }
0x94: {  	_ =	strace s2  }
0x95: {  	s2 =	sld [smem:$0x3FFD];
	_ =	sdelay $0x3  }
0x96: {  	_ =	strace s2  }
0x97: {  	_ =	strace $0x8FFFFFFF  }
0x98: {  	s18 =	sld [smem:$0x3FDB];
	_ =	sdelay $0x1  }
0x99: {  	s19 =	simm.s32 $_scs_section_size  }
0x9a: {  	s4 =	simm.s32 $_size__tile_overlayer_lowered;
	s5 =	simm.s32 $_tile_overlayer_lowered  }
0x9b: {  	s22 =	simm.s32 $0x1BFF;
	s21 =	sshll.u32 s5, $0x1;
	s2 =	sadd.s32 s19, s18  }
0x9c: {  	s6 =	simm.s32 $0x0;
	s20 =	sshll.u32 s4, $0x1;
	s4 =	sadd.s32 s21, s2  }
0x9d: {  	[timem:s6], [sflag:s22] =	dma.local [hbm:s4], s20  }
0x9e: {  	_ =	swait.ge [sflag:s22], s20  }
0x9f: {  	s3 =	ssub.s32 $0x0, s20;
	[sflag:s22] =	ssyncset.done $0x0  }
0xa0: {  	[sflag:s22] =	ssyncadd.s32 s3;
	_ =	sdelay $0x1  }
0xa1: {  	s23 =	simm.s32 $0x1B8B  }
0xa2: {  	_ =	swait.ge [sflag:s23], $0x1  }
0xa3: {  	[sflag:s23] =	ssyncset.done $0x0  }
0xa4: {  	s25 =	simm.s32 $0x1B8E;
	s24 =	sld [smem:$0x3FFE];
	[sflag:s23] =	ssyncadd.s32 $0xFFFFFFFF  }
0xa5: {  	s26 =	simm.s32 $execute0_lowered;
	[smem:$0x3FD2] =	sst s25  }
0xa6: {  	s4 =	sshll.u32 s26, $0x1;
	_ =	strace $0x80000049;
	[dreg:$0x1] =	wrdreg $0xFFFFFFFF  }
0xa7: {  	s28 =	simm.s32 $_size_execute0_lowered;
	s2 =	sadd.s32 s2, s4;
	[dreg:$0x0] =	wrdreg $0x0  }
0xa8: {  	s4 =	sshll.u32 s28, $0x1;
	[dreg:$0x2] =	wrdreg s2  }
0xa9: {  	[dreg:$0x3] =	wrdreg s4  }
0xaa: {  	[dreg:$0x4] =	wrdreg $0xC0  }
0xab: {  	_ =	task [dreg:s6], $0x5FFFF  }
0xac: {  	[dreg:$0x1] =	wrdreg $0xFFFFFFFF  }
0xad: {  	[dreg:$0x0] =	wrdreg $0x60  }
0xae: {  	[dreg:$0x2] =	wrdreg s24  }
0xaf: {  	[dreg:$0x3] =	wrdreg $0x2A000  }
0xb0: {  	[dreg:$0x4] =	wrdreg $0x9  }
0xb1: {  	_ =	task.clear_ibuf [dreg:s6], $0x5FFFF;
	_ =	strace $0x90000049  }
0xb2: {  	s29 =	simm.s32 $0x9;
	_ =	strace $0x8000004B  }
0xb3: {  	_ =	swait.ge [sflag:s29], $0x1  }
0xb4: {  	[sflag:s29] =	ssyncadd.s32 $0xFFFFFFFF  }
0xb5: {  	_ =	strace $0x9000004B  }
0xb6: {  	_ =	sfence  }
0xb7: {  	s30 =	sld [smem:$0x0];
	_ =	sdelay $0x2  }
0xb8: {  	s31 =	sshll.u32 s1, $0xD;
	s1 =	sshrl.u32 s1, $0x2  }
0xb9: {  	s3 =	sand.u32 $0x4000, s31;
	s1 =	sadd.s32 s1, s30  }
0xba: {  	s0 =	sor.u32 s3, s0;
	s1 =	sshll.u32 s1, $0x11  }
0xbb: {  	s0 =	sor.u32 s1, s0  }
0xbc: {  	s0 =	sadd.s32 $0x8F2B, s0  }
0xbd: {  	[sflag:s0] =	ssyncadd.remote.s32 $0x1  }
0xbe: {  	_ =	sfence.sel $0xFFFF  }
0xbf: {  	[dreg:$0x0] =	wrdreg $0xFFFFFFFF;
	(pc) =	sbr.abs _section_cstart, $3  }
0xc0: {  	[dreg:$0x1] =	wrdreg $0xFFFFFFFF  }
0xc1: {  	_ =	task.clear_ibuf [dreg:s6], $0x2FFFF;
	_ =	strace $0x9FFFFFFF  }
0xc2: {  	(tm) =	ssettm $0x7FFFFFFF  }
0xc3: {  	_ =	shalt  }
tec
execute0_lowered:
.L_overlay_start_1:
0x0: {  	(tag) =	ssettag $0x1  }
0x1: {  	s0 =	rddreg [dreg:$0x0]  }
0x2: {  	s1 =	rddreg [dreg:$0x1];
	s2 =	simm.s32 $0x0;
	s5 =	srdreg.scid  }
0x3: {  	s13 =	stileid.u32;
	s28 =	simm.s32 $0x200;
	s29 =	simm.s32 $0x2  }
0x4: {  	s30 =	simm.s32 $0x1600;
	s31 =	simm.s32 $0x3;
	[smem:$0x7FF] =	sst s2  }
0x5: {  	s3 =	sadd.s32 $0x67800, s0;
	s4 =	sadd.s32 $0xC800, s0;
	s6 =	sadd.s32 $0x2A00, s0  }
0x6: {  	s7 =	sadd.s32 $0x16E00, s0;
	s5 =	sand.u32 $0x1, s5;
	s10 =	smul.u32 $0x4F000, s13  }
0x7: {  	s0 =	sadd.s32 $0x8EA00, s0;
	s14 =	smul.u32 $0x2780, s13;
	s20 =	sshll.u32 s13, $0x6  }
0x8: {  	s22 =	smul.u32 $0x2710, s13;
	p0 =	seq.s32 s13, $0xF;
	_ =	strace $0x8000004A  }
0x9: {  	[dreg:$0x3] =	wrdreg s7;
	s18 =	ssub.s32 $0x2, s5;
	s21 =	smul.u32 $0x27100, s5  }
0xa: {  	s8 =	sshll.u32 s5, $0x4;
	s5 =	smul.u32 $0x138800, s5;
	s9 =	sshrl.u32 s18, $0x1  }
0xb: {  	s8 =	sor.u32 s13, s8;
	s19 =	sshrl.u32 s10, $0x2;
	s7 =	ssub.s32 s18, s9  }
0xc: {  	s11 =	smul.u32 $0x2710, s8;
	s8 =	sadd.s32 s19, s1;
	s9 =	sor.u32 $0x1C05, s20  }
0xd: {  	s24 =	sadd.s32 s14, s21;
	s5 =	sshrl.u32 s5, $0x3;
	s10 =	sadd.s32 s22, s21  }
0xe: {  	s20 =	simm.s32 $0x5;
	s21 =	simm.s32 $0x100;
	s22 =	simm.s32 $0x80  }
0xf: {  	s14 =	sadd.s32 s0, s24;
	s0 =	sadd.s32 s0, s5;
	s25 =	sadd.s32 $0x78, s10  }
0x10: {  	s16 =	smax.u32 s7, $0x1;
	s19 =	sadd.s32 $0x50, s10;
	s24 =	simm.s32 $0x1  }
0x11: {  	s5 =	simm.s32 $0x0;
	s12 =	sshrl.u32 s11, $0x3;
	s11 =	sadd.s32 $0x28, s11  }
0x12: {  	s26 =	sshrl.u32 s25, $0x3;
	s15 =	sadd.s32 s4, s12;
	s11 =	sshrl.u32 s11, $0x3  }
0x13: {  	s12 =	sadd.s32 s6, s12;
	s17 =	sadd.s32 s26, s6;
	[dreg:$0x4] =	wrdreg s15  }
0x14: {  	s18 =	sadd.s32 s26, s4;
	s26 =	simm.s32 $0x28;
	[dreg:$0x5] =	wrdreg s12  }
0x15: {  	s23 =	sadd.s32 s4, s11;
	s11 =	sadd.s32 s6, s11;
	s15 =	sadd.s32 $0x25080, s0  }
0x16: {  	s0 =	simm.s32 $0x4;
	[dreg:$0x7] =	wrdreg s11;
	s11 =	sadd.s32 $0x128400, s1  }
0x17: {  	[dreg:$0x6] =	wrdreg s23;
	s23 =	simm.s32 $0x180;
	s25 =	sshrl.u32 @p0 s11, $0x3  }
.LBB2_1:
0x18: {  	s7 =	sshrl.u32 s8, $0x3;
	s10 =	rddreg [dreg:$0x3]  }
0x19: {  	[spmem:s7], [sflag:s9] =	dma.local [hbm:s10], $0x2780  }
0x1a: {  	_ =	swait.ge [sflag:s20], $0x2780  }
0x1b: {  	[sflag:s20] =	ssyncset.done $0x0  }
0x1c: {  	[sflag:s20] =	ssyncadd.s32 $0xFFFFD880  }
0x1d: {  	[bflag:$0x0] =	sbarrier.arrive $0xFFFF  }
0x1e: {  	s11 =	rddreg [dreg:$0x4]  }
0x1f: {  	[tilespmem:s2], [sflag:$0x1] =	stream.linear.gather [hbm4b:s11+s2], $0x28, $0x38;
	[tilespmem:$0x16600] =	vst v63  }
0x20: {  	s12 =	rddreg [dreg:$0x5]  }
0x21: {  	[tilespmem:s21], [sflag:$0x1] =	stream.linear.gather [hbm4b:s12+s2], $0x28, $0x38;
	[tilespmem:$0x16600] =	vst v63  }
0x22: {  	s13 =	rddreg [dreg:$0x6]  }
0x23: {  	[tilespmem:s22], [sflag:$0x2] =	stream.linear.gather [hbm4b:s13+s2], $0x28, $0x38;
	[tilespmem:$0x16600] =	vst v63  }
0x24: {  	s10 =	rddreg [dreg:$0x7]  }
0x25: {  	[tilespmem:s23], [sflag:$0x2] =	stream.linear.gather [hbm4b:s10+s2], $0x28, $0x38;
	[tilespmem:$0x16600] =	vst v63  }
0x26: {  	_ =	swait.ge [sflag:s24], $0x28  }
0x27: {  	[sflag:s24] =	ssyncset.done $0x0  }
0x28: {  	[sflag:s24] =	ssyncadd.s32 $0xFFFFFFD8  }
0x29: {  	_ =	swait.ge [sflag:s24], $0x28  }
0x2a: {  	[sflag:s24] =	ssyncset.done $0x0  }
0x2b: {  	[sflag:s24] =	ssyncadd.s32 $0xFFFFFFD8  }
0x2c: {  	[tilespmem:s28], [sflag:$0x3] =	stream.indirect.gather [hbm4b:s3+s26], $0x80, s2, s26, $0xb8;
	[tilespmem:$0x16600] =	vst v63  }
0x2d: {  	_ =	swait.ge [sflag:s29], $0x28  }
0x2e: {  	[sflag:s29] =	ssyncset.done $0x0  }
0x2f: {  	[sflag:s29] =	ssyncadd.s32 $0xFFFFFFD8  }
0x30: {  	_ =	swait.ge [sflag:s29], $0x28  }
0x31: {  	[sflag:s29] =	ssyncset.done $0x0  }
0x32: {  	[sflag:s29] =	ssyncadd.s32 $0xFFFFFFD8  }
0x33: {  	[tilespmem:s30], [sflag:$0x4] =	stream.indirect.gather [hbm4b:s3+s26], $0x80, s22, s26, $0xb8;
	[tilespmem:$0x16600] =	vst v63  }
0x34: {  	_ =	swait.ge [sflag:s31], $0x1400  }
0x35: {  	[sflag:s31] =	ssyncset.done $0x0  }
0x36: {  	[sflag:s31] =	ssyncadd.s32 $0xFFFFEC00  }
0x37: {  	[spmem:s1] =	stream.indirect.scatter.add.f32 [tilespmem:s28], [sflag:$0x5], $0x80, s21, s26, $0xb8;
	[tilespmem:$0x16600] =	vst v63  }
0x38: {  	_ =	swait.ge [sflag:s20], $0x1400  }
0x39: {  	s11 =	sshrl.u32 s19, $0x3;
	[sflag:s20] =	ssyncset.done $0x0  }
0x3a: {  	s12 =	sadd.s32 s4, s11;
	[sflag:s20] =	ssyncadd.s32 $0xFFFFEC00  }
0x3b: {  	[tilespmem:s2], [sflag:$0x1] =	stream.linear.gather [hbm4b:s12+s2], $0x28, $0x38;
	[tilespmem:$0x16600] =	vst v63  }
0x3c: {  	s7 =	sadd.s32 s6, s11  }
0x3d: {  	[tilespmem:s21], [sflag:$0x1] =	stream.linear.gather [hbm4b:s7+s2], $0x28, $0x38;
	[tilespmem:$0x16600] =	vst v63  }
0x3e: {  	_ =	swait.ge [sflag:s0], $0x1400  }
0x3f: {  	[sflag:s0] =	ssyncset.done $0x0  }
0x40: {  	[sflag:s0] =	ssyncadd.s32 $0xFFFFEC00  }
0x41: {  	[spmem:s1] =	stream.indirect.scatter.add.f32 [tilespmem:s30], [sflag:$0x5], $0x80, s23, s26, $0xb8;
	[tilespmem:$0x16600] =	vst v63  }
0x42: {  	_ =	swait.ge [sflag:s20], $0x1400  }
0x43: {  	s11 =	sadd.s32 $0x0, s17;
	s13 =	sadd.s32 $0x0, s18;
	[sflag:s20] =	ssyncset.done $0x0  }
0x44: {  	s10 =	sadd.s32 $0x50, s19;
	s7 =	simm.s32 $0xA;
	[sflag:s20] =	ssyncadd.s32 $0xFFFFEC00  }
0x45: {  	[tilespmem:s22], [sflag:$0x2] =	stream.linear.gather [hbm4b:s13+s2], $0x28, $0x38;
	[tilespmem:$0x16600] =	vst v63  }
.LBB2_2:
0x46: {  	[tilespmem:s23], [sflag:$0x2] =	stream.linear.gather [hbm4b:s11+s2], $0x28, $0x38;
	[tilespmem:$0x16600] =	vst v63  }
0x47: {  	s11 =	smov.u32 s7  }
0x48: {  	p1 =	sne.s32 s7, $0x4CE;
	s7 =	sadd.s32 $0xA, s7;
	_ =	swait.ge [sflag:s24], $0x28  }
0x49: {  	[sflag:s24] =	ssyncset.done $0x0  }
0x4a: {  	[sflag:s24] =	ssyncadd.s32 $0xFFFFFFD8  }
0x4b: {  	_ =	swait.ge [sflag:s24], $0x28  }
0x4c: {  	[sflag:s24] =	ssyncset.done $0x0  }
0x4d: {  	[sflag:s24] =	ssyncadd.s32 $0xFFFFFFD8  }
0x4e: {  	[tilespmem:s28], [sflag:$0x3] =	stream.indirect.gather [hbm4b:s3+s26], $0x80, s2, s26, $0xb8;
	[tilespmem:$0x16600] =	vst v63  }
0x4f: {  	_ =	swait.ge [sflag:s29], $0x28  }
0x50: {  	[sflag:s29] =	ssyncset.done $0x0  }
0x51: {  	[sflag:s29] =	ssyncadd.s32 $0xFFFFFFD8  }
0x52: {  	_ =	swait.ge [sflag:s29], $0x28  }
0x53: {  	[sflag:s29] =	ssyncset.done $0x0  }
0x54: {  	[sflag:s29] =	ssyncadd.s32 $0xFFFFFFD8  }
0x55: {  	[tilespmem:s30], [sflag:$0x4] =	stream.indirect.gather [hbm4b:s3+s26], $0x80, s22, s26, $0xb8;
	[tilespmem:$0x16600] =	vst v63  }
0x56: {  	_ =	swait.ge [sflag:s31], $0x1400  }
0x57: {  	[sflag:s31] =	ssyncset.done $0x0  }
0x58: {  	[sflag:s31] =	ssyncadd.s32 $0xFFFFEC00  }
0x59: {  	[spmem:s1] =	stream.indirect.scatter.add.f32 [tilespmem:s28], [sflag:$0x5], $0x80, s21, s26, $0xb8;
	[tilespmem:$0x16600] =	vst v63  }
0x5a: {  	_ =	swait.ge [sflag:s20], $0x1400  }
0x5b: {  	s12 =	sshrl.u32 s10, $0x3;
	[sflag:s20] =	ssyncset.done $0x0  }
0x5c: {  	s13 =	sadd.s32 s4, s12;
	[sflag:s20] =	ssyncadd.s32 $0xFFFFEC00  }
0x5d: {  	[tilespmem:s2], [sflag:$0x1] =	stream.linear.gather [hbm4b:s13+s2], $0x28, $0x38;
	[tilespmem:$0x16600] =	vst v63  }
0x5e: {  	s12 =	sadd.s32 s6, s12  }
0x5f: {  	[tilespmem:s21], [sflag:$0x1] =	stream.linear.gather [hbm4b:s12+s2], $0x28, $0x38;
	[tilespmem:$0x16600] =	vst v63  }
0x60: {  	_ =	swait.ge [sflag:s0], $0x1400  }
0x61: {  	[sflag:s0] =	ssyncset.done $0x0  }
0x62: {  	[sflag:s0] =	ssyncadd.s32 $0xFFFFEC00  }
0x63: {  	[spmem:s1] =	stream.indirect.scatter.add.f32 [tilespmem:s30], [sflag:$0x5], $0x80, s23, s26, $0xb8;
	[tilespmem:$0x16600] =	vst v63  }
.Ltmp0:
0x64: {  	_ =	swait.ge [sflag:s20], $0x1400;
	(pc) =	sbr.rel @p1 .LBB2_2-.Ltmp0, $4  }
0x65: {  	[sflag:s20] =	ssyncset.done $0x0  }
0x66: {  	s12 =	sadd.s32 s11, s18;
	[sflag:s20] =	ssyncadd.s32 $0xFFFFEC00  }
0x67: {  	[tilespmem:s22], [sflag:$0x2] =	stream.linear.gather [hbm4b:s12+s2], $0x28, $0x38;
	[tilespmem:$0x16600] =	vst v63  }
0x68: {  	s10 =	sadd.s32 $0x50, s10;
	s11 =	sadd.s32 s11, s17  }
0x69: {  	[tilespmem:s23], [sflag:$0x2] =	stream.linear.gather [hbm4b:s11+s2], $0x28, $0x38;
	[tilespmem:$0x16600] =	vst v63  }
0x6a: {  	_ =	swait.ge [sflag:s24], $0x28  }
0x6b: {  	[sflag:s24] =	ssyncset.done $0x0  }
0x6c: {  	[sflag:s24] =	ssyncadd.s32 $0xFFFFFFD8  }
0x6d: {  	_ =	swait.ge [sflag:s24], $0x28  }
0x6e: {  	[sflag:s24] =	ssyncset.done $0x0  }
0x6f: {  	[sflag:s24] =	ssyncadd.s32 $0xFFFFFFD8  }
0x70: {  	[tilespmem:s28], [sflag:$0x3] =	stream.indirect.gather [hbm4b:s3+s26], $0x80, s2, s26, $0xb8;
	[tilespmem:$0x16600] =	vst v63  }
0x71: {  	_ =	swait.ge [sflag:s29], $0x28  }
0x72: {  	[sflag:s29] =	ssyncset.done $0x0  }
0x73: {  	[sflag:s29] =	ssyncadd.s32 $0xFFFFFFD8  }
0x74: {  	_ =	swait.ge [sflag:s29], $0x28  }
0x75: {  	[sflag:s29] =	ssyncset.done $0x0  }
0x76: {  	[sflag:s29] =	ssyncadd.s32 $0xFFFFFFD8  }
0x77: {  	[tilespmem:s30], [sflag:$0x4] =	stream.indirect.gather [hbm4b:s3+s26], $0x80, s22, s26, $0xb8;
	[tilespmem:$0x16600] =	vst v63  }
0x78: {  	_ =	swait.ge [sflag:s31], $0x1400  }
0x79: {  	[sflag:s31] =	ssyncset.done $0x0  }
0x7a: {  	[sflag:s31] =	ssyncadd.s32 $0xFFFFEC00  }
0x7b: {  	[spmem:s1] =	stream.indirect.scatter.add.f32 [tilespmem:s28], [sflag:$0x5], $0x80, s21, s26, $0xb8;
	[tilespmem:$0x16600] =	vst v63  }
0x7c: {  	_ =	swait.ge [sflag:s20], $0x1400  }
0x7d: {  	[sflag:s20] =	ssyncset.done $0x0  }
0x7e: {  	[sflag:s20] =	ssyncadd.s32 $0xFFFFEC00  }
0x7f: {  	_ =	swait.ge [sflag:s0], $0x1400  }
0x80: {  	[sflag:s0] =	ssyncset.done $0x0  }
0x81: {  	[sflag:s0] =	ssyncadd.s32 $0xFFFFEC00  }
0x82: {  	[spmem:s1] =	stream.indirect.scatter.add.f32 [tilespmem:s30], [sflag:$0x5], $0x80, s23, s26, $0xb8;
	[tilespmem:$0x16600] =	vst v63  }
0x83: {  	_ =	swait.ge [sflag:s20], $0x1400  }
0x84: {  	[sflag:s20] =	ssyncset.done $0x0  }
0x85: {  	[sflag:s20] =	ssyncadd.s32 $0xFFFFEC00  }
0x86: {  	s7 =	simm.s32 @p0 $0x5;
	[bflag:$0x0] =	sbarrier.arrive $0xFFFF  }
0x87: {  	[hbm:s15], [sflag:s9] =	dma.local @p0 [spmem:s25], $0x2080  }
0x88: {  	_ =	swait.ge @p0 [sflag:s7], $0x2080  }
0x89: {  	s5 =	sadd.s32 $0x1, s5;
	[sflag:s7] =	ssyncset.done @p0 $0x0  }
0x8a: {  	p1 =	sne.s32 s5, s16;
	[sflag:s7] =	ssyncadd.s32 @p0 $0xFFFFDF80;
	s7 =	sshrl.u32 @!p0 s8, $0x3  }
0x8b: {  	[hbm:s14], [sflag:s9] =	dma.local @!p0 [spmem:s7], $0x2780  }
.Ltmp1:
0x8c: {  	_ = 	snop;
	(pc) =	sbr.rel @p1 .LBB2_1-.Ltmp1, $4  }
0x8d: {  	s7 =	simm.s32 @!p0 $0x5  }
0x8e: {  	_ =	swait.ge @!p0 [sflag:s7], $0x2780  }
0x8f: {  	[sflag:s7] =	ssyncset.done @!p0 $0x0  }
0x90: {  	[sflag:s7] =	ssyncadd.s32 @!p0 $0xFFFFD880  }
0x91: {  	_ =	sfence.sel $0x180000  }
0x92: {  	[bflag:$0x0] =	sbarrier.arrive $0xFFFF  }
0x93: {  	_ =	strace $0x9000004A  }
0x94: {  	s0 =	stileid.u32;
	[bflag:$0x2] =	sbarrier.arrive $0xFFFF  }
0x95: {  	p0 =	sne.s32 s0, $0x0;
	s0 =	rddreg [dreg:$0x2]  }
0x96: {  	s0 =	sadd.s32 @!p0 $0x100000, s0  }
0x97: {  	[sflag:s0] =	ssyncadd.tile.s32 @!p0 $0x1;
	_ =	shalt  }
.Lfunc_end2:
_tile_overlayer_lowered:
.L_overlay_start_2:
0x98: {  	(tag) =	ssettag $0x2  }
0x99: {  	s0 =	rddreg [dreg:$0x0];
	s2 =	stileid.u32  }
0x9a: {  	s1 =	rddreg [dreg:$0x1];
	p0 =	sne.s32 s2, $0x0  }
0x9b: {  	s3 =	rddreg [dreg:$0x2];
	[bflag:$0x3] =	sbarrier.arrive $0xFFFF;
	s2 =	simm.s32 @!p0 $0x1C05  }
0x9c: {  	[timem:s3], [sflag:s2] =	dma.local @!p0 [hbm:s0], s1  }
0x9d: {  	s0 =	simm.s32 @!p0 $0x5  }
0x9e: {  	_ =	swait.ge @!p0 [sflag:s0], s1  }
0x9f: {  	s1 =	ssub.s32 @!p0 $0x0, s1;
	[sflag:s0] =	ssyncset.done @!p0 $0x0  }
0xa0: {  	[sflag:s0] =	ssyncadd.s32 @!p0 s1  }
0xa1: {  	[bflag:$0x3] =	sbarrier.arrive $0xFFFF  }
0xa2: {  	_ =	shalt  }

// kernel: kernel.15.cloned.1.call-start
scs
__scs_entry_jumppad:
0x0: {  	(pc) =	sbr.rel $0x88, $3  }
0x1: {  	(tag) =	ssettag $0x0;
	lr =	simm.s32 $0x1  }
0x2: {  	[smem:$0x3F99] =	sst lr;
	_ =	strace $0xD0000000  }
0x3: {  	_ = 	snop  }
0x4: {  	_ = 	snop  }
0x5: {  	_ = 	snop  }
0x6: {  	_ = 	snop  }
0x7: {  	_ = 	snop  }
__scs_overlays_trampoline_lowered:
0x8: {  	[smem:$0x3FA8] =	sst s0  }
0x9: {  	[smem:$0x3FA9] =	sst s1  }
0xa: {  	[smem:$0x3FAA] =	sst s2  }
0xb: {  	[smem:$0x3FAB] =	sst s3  }
0xc: {  	[smem:$0x3FAC] =	sst s4  }
0xd: {  	[smem:$0x3FAD] =	sst s5  }
0xe: {  	[smem:$0x3FAE] =	sst s6  }
0xf: {  	[smem:$0x3FAF] =	sst s7  }
0x10: {  	[smem:$0x3FB0] =	sst s8  }
0x11: {  	[smem:$0x3FB1] =	sst s9;
	s0 =	simm.s32 @!p0 $0x0  }
0x12: {  	s1 =	sld [smem:$0x3F97];
	s0 =	simm.s32 @p0 $0x1  }
0x13: {  	[smem:$0x3FB2] =	sst s0;
	s0 =	simm.s32 @!p1 $0x0  }
0x14: {  	s2 =	sld [smem:$0x3F96];
	s0 =	simm.s32 @p1 $0x1  }
0x15: {  	[smem:$0x3FB3] =	sst s0;
	s0 =	simm.s32 @!p2 $0x0  }
0x16: {  	s3 =	sld [smem:$0x3FDB];
	s0 =	simm.s32 @p2 $0x1  }
0x17: {  	s4 =	simm.s32 $0x1BF5;
	[smem:$0x3FB5] =	sst s0  }
0x18: {  	s0 =	sld [smem:$0x3F98];
	_ =	swait.ge [sflag:s4], $0x0  }
0x19: {  	s7 =	sld [smem:$0x3F99]  }
0x1a: {  	s8 =	sadd.s32 $0xFFFFE003, lr  }
0x1b: {  	s9 =	sadd.s32 $0xFFFFFEF7, lr;
	s5 =	simm.s32 $0xFFFFFFFF;
	p2 =	slt.u32 s8, $0xFFFFF086  }
0x1c: {  	p1 =	slt.u32 s9, $0xF7A;
	s5 =	simm.s32 @!p2 $0x0  }
0x1d: {  	s5 =	simm.s32 @p1 $0x1;
	p0 =	seq.s32 s7, s2  }
0x1e: {  	s7 =	smul.u32 @!p0 $0xF7A, s2;
	p2 =	seq.s32 @!p0 s5, $0x0  }
0x1f: {  	s9 =	smul.u32 $0xF7A, s1;
	s8 =	simm.s32 @!p0 $0x1BF5;
	p2 =	por !p2, p0  }
0x20: {  	[sflag:s8] =	ssyncset.s32 @!p0 $0xFFFFF086;
	s6 =	sadd.s32 @!p0 s3, s7;
	s7 =	simm.s32 @!p0 $0x108  }
0x21: {  	s3 =	sadd.s32 s3, s9;
	s6 =	sadd.s32 @!p0 $0x88, s6;
	s7 =	simm.s32 @p2 $0x1082  }
0x22: {  	[simem:s7], [sflag:s8] =	dma.local @!p0 [hbm:s6], $0xF7A  }
0x23: {  	s9 =	sor.u32 $0xD0000000, s2;
	s6 =	simm.s32 $0x108;
	_ =	swait.ge @!p0 [sflag:s8], $0x0  }
0x24: {  	s3 =	sadd.s32 $0x88, s3;
	s6 =	simm.s32 @!p1 $0x1082;
	[sflag:s4] =	ssyncset.s32 $0xFFFFF086  }
0x25: {  	[simem:s6], [sflag:s4] =	dma.local [hbm:s3], $0xF7A  }
0x26: {  	[smem:$0x3F99] =	sst s1;
	(tag) =	ssettag s2;
	_ =	strace s9  }
0x27: {  	s1 =	sld [smem:$0x3FA9]  }
0x28: {  	s2 =	sld [smem:$0x3FAA]  }
0x29: {  	s4 =	sld [smem:$0x3FAC]  }
0x2a: {  	p0 =	seq.s32 s5, $0x0;
	s5 =	sld [smem:$0x3FAD]  }
0x2b: {  	s6 =	sld [smem:$0x3FAE]  }
0x2c: {  	s7 =	sld [smem:$0x3FAF]  }
0x2d: {  	s3 =	simm.s32 $0x108;
	s8 =	sld [smem:$0x3FB0]  }
0x2e: {  	s3 =	simm.s32 @!p0 $0x1082;
	s9 =	sld [smem:$0x3FB1]  }
0x2f: {  	lr =	sadd.s32 s0, s3;
	s0 =	sld [smem:$0x3FA8]  }
0x30: {  	s3 =	sld [smem:$0x3FAB]  }
0x31: {  	[smem:$0x3FB4] =	sst s10  }
0x32: {  	s10 =	sld [smem:$0x3FB2];
	_ =	sdelay $0x3  }
0x33: {  	p0 =	seq.s32 s10, $0x1;
	s10 =	sld [smem:$0x3FB4];
	_ =	sdelay $0x3  }
0x34: {  	[smem:$0x3FB4] =	sst s10  }
0x35: {  	s10 =	sld [smem:$0x3FB3];
	_ =	sdelay $0x3  }
0x36: {  	p1 =	seq.s32 s10, $0x1;
	s10 =	sld [smem:$0x3FB4];
	_ =	sdelay $0x3  }
0x37: {  	[smem:$0x3FB4] =	sst s10  }
0x38: {  	s10 =	sld [smem:$0x3FB5]  }
0x39: {  	_ = 	snop;
	(pc) =	sbr.ind lr, $3  }
0x3a: {  	_ = 	snop  }
0x3b: {  	_ = 	snop  }
0x3c: {  	p2 =	seq.s32 s10, $0x1;
	s10 =	sld [smem:$0x3FB4]  }
0x3d: {  	_ =	shalt  }
0x3e: {  	_ =	shalt  }
0x3f: {  	_ =	shalt  }
0x40: {  	_ =	shalt  }
0x41: {  	_ =	shalt  }
0x42: {  	_ =	shalt  }
0x43: {  	_ =	shalt  }
0x44: {  	_ =	shalt  }
0x45: {  	_ =	shalt  }
0x46: {  	_ =	shalt  }
0x47: {  	_ =	shalt  }
0x48: {  	_ =	shalt  }
0x49: {  	_ =	shalt  }
0x4a: {  	_ =	shalt  }
0x4b: {  	_ =	shalt  }
0x4c: {  	_ =	shalt  }
0x4d: {  	_ =	shalt  }
0x4e: {  	_ =	shalt  }
0x4f: {  	_ =	shalt  }
0x50: {  	_ =	shalt  }
0x51: {  	_ =	shalt  }
0x52: {  	_ =	shalt  }
0x53: {  	_ =	shalt  }
0x54: {  	_ =	shalt  }
0x55: {  	_ =	shalt  }
0x56: {  	_ =	shalt  }
0x57: {  	_ =	shalt  }
0x58: {  	_ =	shalt  }
0x59: {  	_ =	shalt  }
0x5a: {  	_ =	shalt  }
0x5b: {  	_ =	shalt  }
0x5c: {  	_ =	shalt  }
0x5d: {  	_ =	shalt  }
0x5e: {  	_ =	shalt  }
0x5f: {  	_ =	shalt  }
0x60: {  	_ =	shalt  }
0x61: {  	_ =	shalt  }
0x62: {  	_ =	shalt  }
0x63: {  	_ =	shalt  }
0x64: {  	_ =	shalt  }
0x65: {  	_ =	shalt  }
0x66: {  	_ =	shalt  }
0x67: {  	_ =	shalt  }
0x68: {  	_ =	shalt  }
0x69: {  	_ =	shalt  }
0x6a: {  	_ =	shalt  }
0x6b: {  	_ =	shalt  }
0x6c: {  	_ =	shalt  }
0x6d: {  	_ =	shalt  }
0x6e: {  	_ =	shalt  }
0x6f: {  	_ =	shalt  }
0x70: {  	_ =	shalt  }
0x71: {  	_ =	shalt  }
0x72: {  	_ =	shalt  }
0x73: {  	_ =	shalt  }
0x74: {  	_ =	shalt  }
0x75: {  	_ =	shalt  }
0x76: {  	_ =	shalt  }
0x77: {  	_ =	shalt  }
0x78: {  	_ =	shalt  }
0x79: {  	_ =	shalt  }
0x7a: {  	_ =	shalt  }
0x7b: {  	_ =	shalt  }
0x7c: {  	_ =	shalt  }
0x7d: {  	_ =	shalt  }
0x7e: {  	_ =	shalt  }
0x7f: {  	_ =	shalt  }
0x80: {  	_ =	shalt  }
0x81: {  	_ =	shalt  }
0x82: {  	_ =	shalt  }
0x83: {  	_ =	shalt  }
0x84: {  	_ =	shalt  }
0x85: {  	_ =	shalt  }
0x86: {  	_ =	shalt  }
0x87: {  	_ =	shalt  }
.Lfunc_end0:
.L_simem_size_0:
called_computation.2_lowered:
.L_overlay_start_0:
0x88: {  	s2 =	sld [smem:$0x3FD9]  }
0x89: {  	s3 =	sld [smem:$0x3FFE];
	_ =	sdelay $0x1  }
0x8a: {  	s1 =	srdreg.scid  }
0x8b: {  	s0 =	sand.u32 $0x1, s1  }
0x8c: {  	s17 =	sshll.u32 s0, $0xA;
	s2 =	sadd.s32 s3, s2  }
0x8d: {  	s2 =	sadd.s32 s2, s17  }
0x8e: {  	[smem:$0x3FC0] =	sst s2  }
0x8f: {  	_ = 	snop  }
0x90: {  	(tm) =	ssettm $0x1  }
0x91: {  	s18 =	sld [smem:$0x3FFB];
	_ =	sdelay $0x3  }
0x92: {  	_ =	strace s18  }
0x93: {  	s2 =	sld [smem:$0x3FFC];
	_ =	sdelay $0x3  }
0x94: {  	_ =	strace s2  }
0x95: {  	s2 =	sld [smem:$0x3FFD];
	_ =	sdelay $0x3  }
0x96: {  	_ =	strace s2  }
0x97: {  	_ =	strace $0x8FFFFFFF  }
0x98: {  	s19 =	sld [smem:$0x3FDB];
	_ =	sdelay $0x1  }
0x99: {  	s20 =	simm.s32 $_scs_section_size  }
0x9a: {  	s4 =	simm.s32 $_size__tile_overlayer_lowered;
	s5 =	simm.s32 $_tile_overlayer_lowered  }
0x9b: {  	s6 =	simm.s32 $0x1BFF;
	s21 =	sshll.u32 s5, $0x1;
	s3 =	sadd.s32 s20, s19  }
0x9c: {  	s22 =	simm.s32 $0x0;
	s4 =	sshll.u32 s4, $0x1;
	s5 =	sadd.s32 s21, s3  }
0x9d: {  	[timem:s22], [sflag:s6] =	dma.local [hbm:s5], s4  }
0x9e: {  	_ =	swait.ge [sflag:s6], s4  }
0x9f: {  	s4 =	ssub.s32 $0x0, s4;
	[sflag:s6] =	ssyncset.done $0x0  }
0xa0: {  	[sflag:s6] =	ssyncadd.s32 s4;
	_ =	sdelay $0x1  }
0xa1: {  	s23 =	simm.s32 $0x1B8B  }
0xa2: {  	_ =	swait.ge [sflag:s23], $0x1  }
0xa3: {  	[sflag:s23] =	ssyncset.done $0x0  }
0xa4: {  	[sflag:s23] =	ssyncadd.s32 $0xFFFFFFFF  }
0xa5: {  	s4 =	sld [smem:$0x0]  }
0xa6: {  	s5 =	sand.u32 $0xFFFFFFFE, s1  }
0xa7: {  	p0 =	sne.s32 s1, s5  }
0xa8: {  	s5 =	sshll.u32 @p0 s5, $0xE  }
0xa9: {  	s5 =	sadd.s32 @p0 $0x11B8D, s5;
	s6 =	sshll.u32 @p0 s4, $0x11  }
0xaa: {  	s5 =	sor.u32 @p0 s6, s5  }
0xab: {  	[sflag:s5] =	ssyncadd.remote.s32 @p0 $0x1;
	_ =	sdelay $0x1  }
0xac: {  	s5 =	simm.s32 @p0 $0x1B8D  }
0xad: {  	_ =	swait.eq @p0 [sflag:s5], $0x1  }
0xae: {  	[sflag:s5] =	ssyncadd.s32 @p0 $0xFFFFFFFF  }
0xaf: {  	s6 =	sshll.u32 @!p0 s1, $0xE  }
0xb0: {  	s6 =	sor.u32 @!p0 $0x4000, s6;
	s5 =	simm.s32 @!p0 $0x1B8D  }
0xb1: {  	s4 =	sshll.u32 @!p0 s4, $0x11;
	s6 =	sadd.s32 @!p0 $0x11B8D, s6;
	_ =	swait.eq @!p0 [sflag:s5], $0x1  }
0xb2: {  	s4 =	sor.u32 @!p0 s4, s6;
	[sflag:s5] =	ssyncadd.s32 @!p0 $0xFFFFFFFF  }
0xb3: {  	s25 =	simm.s32 $0x1B8E;
	s24 =	sld [smem:$0x3FFE];
	[sflag:s4] =	ssyncadd.remote.s32 @!p0 $0x1  }
0xb4: {  	s26 =	simm.s32 $execute0_lowered;
	[smem:$0x3FD2] =	sst s25  }
0xb5: {  	s5 =	sshll.u32 s26, $0x1;
	_ =	strace $0x8000004F;
	[dreg:$0x1] =	wrdreg $0xFFFFFFFF  }
0xb6: {  	s28 =	simm.s32 $_size_execute0_lowered;
	s3 =	sadd.s32 s3, s5;
	[dreg:$0x0] =	wrdreg $0x0  }
0xb7: {  	s5 =	sshll.u32 s28, $0x1;
	[dreg:$0x2] =	wrdreg s3  }
0xb8: {  	[dreg:$0x3] =	wrdreg s5  }
0xb9: {  	[dreg:$0x4] =	wrdreg $0xC0  }
0xba: {  	_ =	task [dreg:s22], $0x5FFFF  }
0xbb: {  	[dreg:$0x1] =	wrdreg $0xFFFFFFFF  }
0xbc: {  	[dreg:$0x0] =	wrdreg $0x60  }
0xbd: {  	[dreg:$0x2] =	wrdreg s24  }
0xbe: {  	[dreg:$0x3] =	wrdreg $0x2A000  }
0xbf: {  	[dreg:$0x4] =	wrdreg $0x9  }
0xc0: {  	_ =	task.clear_ibuf [dreg:s22], $0x5FFFF;
	_ =	strace $0x9000004F  }
0xc1: {  	s29 =	simm.s32 $0x9;
	_ =	strace $0x80000051  }
0xc2: {  	_ =	swait.ge [sflag:s29], $0x1  }
0xc3: {  	[sflag:s29] =	ssyncadd.s32 $0xFFFFFFFF  }
0xc4: {  	_ =	strace $0x90000051  }
0xc5: {  	_ =	sfence  }
0xc6: {  	s30 =	sld [smem:$0x0];
	_ =	sdelay $0x2  }
0xc7: {  	s31 =	sshll.u32 s1, $0xD;
	s1 =	sshrl.u32 s1, $0x2  }
0xc8: {  	s4 =	sand.u32 $0x4000, s31;
	s1 =	sadd.s32 s1, s30  }
0xc9: {  	s0 =	sor.u32 s4, s0;
	s1 =	sshll.u32 s1, $0x11  }
0xca: {  	s0 =	sor.u32 s1, s0  }
0xcb: {  	s0 =	sadd.s32 $0x8F2B, s0  }
0xcc: {  	[sflag:s0] =	ssyncadd.remote.s32 $0x1  }
0xcd: {  	_ =	sfence.sel $0xFFFF  }
0xce: {  	[dreg:$0x0] =	wrdreg $0xFFFFFFFF;
	(pc) =	sbr.abs _section_cstart, $3  }
0xcf: {  	[dreg:$0x1] =	wrdreg $0xFFFFFFFF  }
0xd0: {  	_ =	task.clear_ibuf [dreg:s22], $0x2FFFF;
	_ =	strace $0x9FFFFFFF  }
0xd1: {  	(tm) =	ssettm $0x7FFFFFFF  }
tec
execute0_lowered:
.L_overlay_start_1:
0x0: {  	(tag) =	ssettag $0x1  }
0x1: {  	s0 =	rddreg [dreg:$0x0]  }
0x2: {  	s1 =	rddreg [dreg:$0x1];
	s2 =	simm.s32 $0x0;
	s5 =	srdreg.scid  }
0x3: {  	s13 =	stileid.u32;
	s28 =	simm.s32 $0x200;
	s29 =	simm.s32 $0x2  }
0x4: {  	s30 =	simm.s32 $0x1600;
	s31 =	simm.s32 $0x3;
	[smem:$0x7FF] =	sst s2  }
0x5: {  	s3 =	sadd.s32 $0x8EA00, s0;
	s4 =	sadd.s32 $0xC800, s0;
	s6 =	sadd.s32 $0x2A00, s0  }
0x6: {  	s7 =	sadd.s32 $0x16E00, s0;
	s5 =	sand.u32 $0x1, s5;
	s10 =	smul.u32 $0x4F000, s13  }
0x7: {  	s0 =	sadd.s32 $0x103E00, s0;
	s14 =	smul.u32 $0x2780, s13;
	s20 =	sshll.u32 s13, $0x6  }
0x8: {  	s22 =	smul.u32 $0x2710, s13;
	p0 =	seq.s32 s13, $0xF;
	_ =	strace $0x80000050  }
0x9: {  	[dreg:$0x3] =	wrdreg s7;
	s18 =	ssub.s32 $0x2, s5;
	s21 =	smul.u32 $0x27100, s5  }
0xa: {  	s8 =	sshll.u32 s5, $0x4;
	s5 =	smul.u32 $0x138800, s5;
	s9 =	sshrl.u32 s18, $0x1  }
0xb: {  	s8 =	sor.u32 s13, s8;
	s19 =	sshrl.u32 s10, $0x2;
	s7 =	ssub.s32 s18, s9  }
0xc: {  	s11 =	smul.u32 $0x2710, s8;
	s8 =	sadd.s32 s19, s1;
	s9 =	sor.u32 $0x1C05, s20  }
0xd: {  	s24 =	sadd.s32 s14, s21;
	s5 =	sshrl.u32 s5, $0x3;
	s10 =	sadd.s32 s22, s21  }
0xe: {  	s20 =	simm.s32 $0x5;
	s21 =	simm.s32 $0x100;
	s22 =	simm.s32 $0x80  }
0xf: {  	s14 =	sadd.s32 s0, s24;
	s0 =	sadd.s32 s0, s5;
	s25 =	sadd.s32 $0x78, s10  }
0x10: {  	s16 =	smax.u32 s7, $0x1;
	s19 =	sadd.s32 $0x50, s10;
	s24 =	simm.s32 $0x1  }
0x11: {  	s5 =	simm.s32 $0x0;
	s12 =	sshrl.u32 s11, $0x3;
	s11 =	sadd.s32 $0x28, s11  }
0x12: {  	s26 =	sshrl.u32 s25, $0x3;
	s15 =	sadd.s32 s4, s12;
	s11 =	sshrl.u32 s11, $0x3  }
0x13: {  	s12 =	sadd.s32 s6, s12;
	s17 =	sadd.s32 s26, s6;
	[dreg:$0x4] =	wrdreg s15  }
0x14: {  	s18 =	sadd.s32 s26, s4;
	s26 =	simm.s32 $0x28;
	[dreg:$0x5] =	wrdreg s12  }
0x15: {  	s23 =	sadd.s32 s4, s11;
	s11 =	sadd.s32 s6, s11;
	s15 =	sadd.s32 $0x25080, s0  }
0x16: {  	s0 =	simm.s32 $0x4;
	[dreg:$0x7] =	wrdreg s11;
	s11 =	sadd.s32 $0x128400, s1  }
0x17: {  	[dreg:$0x6] =	wrdreg s23;
	s23 =	simm.s32 $0x180;
	s25 =	sshrl.u32 @p0 s11, $0x3  }
.LBB2_1:
0x18: {  	s7 =	sshrl.u32 s8, $0x3;
	s10 =	rddreg [dreg:$0x3]  }
0x19: {  	[spmem:s7], [sflag:s9] =	dma.local [hbm:s10], $0x2780  }
0x1a: {  	_ =	swait.ge [sflag:s20], $0x2780  }
0x1b: {  	[sflag:s20] =	ssyncset.done $0x0  }
0x1c: {  	[sflag:s20] =	ssyncadd.s32 $0xFFFFD880  }
0x1d: {  	[bflag:$0x0] =	sbarrier.arrive $0xFFFF  }
0x1e: {  	s11 =	rddreg [dreg:$0x4]  }
0x1f: {  	[tilespmem:s2], [sflag:$0x1] =	stream.linear.gather [hbm4b:s11+s2], $0x28, $0x38;
	[tilespmem:$0x16600] =	vst v63  }
0x20: {  	s12 =	rddreg [dreg:$0x5]  }
0x21: {  	[tilespmem:s21], [sflag:$0x1] =	stream.linear.gather [hbm4b:s12+s2], $0x28, $0x38;
	[tilespmem:$0x16600] =	vst v63  }
0x22: {  	s13 =	rddreg [dreg:$0x6]  }
0x23: {  	[tilespmem:s22], [sflag:$0x2] =	stream.linear.gather [hbm4b:s13+s2], $0x28, $0x38;
	[tilespmem:$0x16600] =	vst v63  }
0x24: {  	s10 =	rddreg [dreg:$0x7]  }
0x25: {  	[tilespmem:s23], [sflag:$0x2] =	stream.linear.gather [hbm4b:s10+s2], $0x28, $0x38;
	[tilespmem:$0x16600] =	vst v63  }
0x26: {  	_ =	swait.ge [sflag:s24], $0x28  }
0x27: {  	[sflag:s24] =	ssyncset.done $0x0  }
0x28: {  	[sflag:s24] =	ssyncadd.s32 $0xFFFFFFD8  }
0x29: {  	_ =	swait.ge [sflag:s24], $0x28  }
0x2a: {  	[sflag:s24] =	ssyncset.done $0x0  }
0x2b: {  	[sflag:s24] =	ssyncadd.s32 $0xFFFFFFD8  }
0x2c: {  	[tilespmem:s28], [sflag:$0x3] =	stream.indirect.gather [hbm4b:s3+s26], $0x80, s2, s26, $0xb8;
	[tilespmem:$0x16600] =	vst v63  }
0x2d: {  	_ =	swait.ge [sflag:s29], $0x28  }
0x2e: {  	[sflag:s29] =	ssyncset.done $0x0  }
0x2f: {  	[sflag:s29] =	ssyncadd.s32 $0xFFFFFFD8  }
0x30: {  	_ =	swait.ge [sflag:s29], $0x28  }
0x31: {  	[sflag:s29] =	ssyncset.done $0x0  }
0x32: {  	[sflag:s29] =	ssyncadd.s32 $0xFFFFFFD8  }
0x33: {  	[tilespmem:s30], [sflag:$0x4] =	stream.indirect.gather [hbm4b:s3+s26], $0x80, s22, s26, $0xb8;
	[tilespmem:$0x16600] =	vst v63  }
0x34: {  	_ =	swait.ge [sflag:s31], $0x1400  }
0x35: {  	[sflag:s31] =	ssyncset.done $0x0  }
0x36: {  	[sflag:s31] =	ssyncadd.s32 $0xFFFFEC00  }
0x37: {  	[spmem:s1] =	stream.indirect.scatter.add.f32 [tilespmem:s28], [sflag:$0x5], $0x80, s21, s26, $0xb8;
	[tilespmem:$0x16600] =	vst v63  }
0x38: {  	_ =	swait.ge [sflag:s20], $0x1400  }
0x39: {  	s11 =	sshrl.u32 s19, $0x3;
	[sflag:s20] =	ssyncset.done $0x0  }
0x3a: {  	s12 =	sadd.s32 s4, s11;
	[sflag:s20] =	ssyncadd.s32 $0xFFFFEC00  }
0x3b: {  	[tilespmem:s2], [sflag:$0x1] =	stream.linear.gather [hbm4b:s12+s2], $0x28, $0x38;
	[tilespmem:$0x16600] =	vst v63  }
0x3c: {  	s7 =	sadd.s32 s6, s11  }
0x3d: {  	[tilespmem:s21], [sflag:$0x1] =	stream.linear.gather [hbm4b:s7+s2], $0x28, $0x38;
	[tilespmem:$0x16600] =	vst v63  }
0x3e: {  	_ =	swait.ge [sflag:s0], $0x1400  }
0x3f: {  	[sflag:s0] =	ssyncset.done $0x0  }
0x40: {  	[sflag:s0] =	ssyncadd.s32 $0xFFFFEC00  }
0x41: {  	[spmem:s1] =	stream.indirect.scatter.add.f32 [tilespmem:s30], [sflag:$0x5], $0x80, s23, s26, $0xb8;
	[tilespmem:$0x16600] =	vst v63  }
0x42: {  	_ =	swait.ge [sflag:s20], $0x1400  }
0x43: {  	s11 =	sadd.s32 $0x0, s17;
	s13 =	sadd.s32 $0x0, s18;
	[sflag:s20] =	ssyncset.done $0x0  }
0x44: {  	s10 =	sadd.s32 $0x50, s19;
	s7 =	simm.s32 $0xA;
	[sflag:s20] =	ssyncadd.s32 $0xFFFFEC00  }
0x45: {  	[tilespmem:s22], [sflag:$0x2] =	stream.linear.gather [hbm4b:s13+s2], $0x28, $0x38;
	[tilespmem:$0x16600] =	vst v63  }
.LBB2_2:
0x46: {  	[tilespmem:s23], [sflag:$0x2] =	stream.linear.gather [hbm4b:s11+s2], $0x28, $0x38;
	[tilespmem:$0x16600] =	vst v63  }
0x47: {  	s11 =	smov.u32 s7  }
0x48: {  	p1 =	sne.s32 s7, $0x4CE;
	s7 =	sadd.s32 $0xA, s7;
	_ =	swait.ge [sflag:s24], $0x28  }
0x49: {  	[sflag:s24] =	ssyncset.done $0x0  }
0x4a: {  	[sflag:s24] =	ssyncadd.s32 $0xFFFFFFD8  }
0x4b: {  	_ =	swait.ge [sflag:s24], $0x28  }
0x4c: {  	[sflag:s24] =	ssyncset.done $0x0  }
0x4d: {  	[sflag:s24] =	ssyncadd.s32 $0xFFFFFFD8  }
0x4e: {  	[tilespmem:s28], [sflag:$0x3] =	stream.indirect.gather [hbm4b:s3+s26], $0x80, s2, s26, $0xb8;
	[tilespmem:$0x16600] =	vst v63  }
0x4f: {  	_ =	swait.ge [sflag:s29], $0x28  }
0x50: {  	[sflag:s29] =	ssyncset.done $0x0  }
0x51: {  	[sflag:s29] =	ssyncadd.s32 $0xFFFFFFD8  }
0x52: {  	_ =	swait.ge [sflag:s29], $0x28  }
0x53: {  	[sflag:s29] =	ssyncset.done $0x0  }
0x54: {  	[sflag:s29] =	ssyncadd.s32 $0xFFFFFFD8  }
0x55: {  	[tilespmem:s30], [sflag:$0x4] =	stream.indirect.gather [hbm4b:s3+s26], $0x80, s22, s26, $0xb8;
	[tilespmem:$0x16600] =	vst v63  }
0x56: {  	_ =	swait.ge [sflag:s31], $0x1400  }
0x57: {  	[sflag:s31] =	ssyncset.done $0x0  }
0x58: {  	[sflag:s31] =	ssyncadd.s32 $0xFFFFEC00  }
0x59: {  	[spmem:s1] =	stream.indirect.scatter.add.f32 [tilespmem:s28], [sflag:$0x5], $0x80, s21, s26, $0xb8;
	[tilespmem:$0x16600] =	vst v63  }
0x5a: {  	_ =	swait.ge [sflag:s20], $0x1400  }
0x5b: {  	s12 =	sshrl.u32 s10, $0x3;
	[sflag:s20] =	ssyncset.done $0x0  }
0x5c: {  	s13 =	sadd.s32 s4, s12;
	[sflag:s20] =	ssyncadd.s32 $0xFFFFEC00  }
0x5d: {  	[tilespmem:s2], [sflag:$0x1] =	stream.linear.gather [hbm4b:s13+s2], $0x28, $0x38;
	[tilespmem:$0x16600] =	vst v63  }
0x5e: {  	s12 =	sadd.s32 s6, s12  }
0x5f: {  	[tilespmem:s21], [sflag:$0x1] =	stream.linear.gather [hbm4b:s12+s2], $0x28, $0x38;
	[tilespmem:$0x16600] =	vst v63  }
0x60: {  	_ =	swait.ge [sflag:s0], $0x1400  }
0x61: {  	[sflag:s0] =	ssyncset.done $0x0  }
0x62: {  	[sflag:s0] =	ssyncadd.s32 $0xFFFFEC00  }
0x63: {  	[spmem:s1] =	stream.indirect.scatter.add.f32 [tilespmem:s30], [sflag:$0x5], $0x80, s23, s26, $0xb8;
	[tilespmem:$0x16600] =	vst v63  }
.Ltmp0:
0x64: {  	_ =	swait.ge [sflag:s20], $0x1400;
	(pc) =	sbr.rel @p1 .LBB2_2-.Ltmp0, $4  }
0x65: {  	[sflag:s20] =	ssyncset.done $0x0  }
0x66: {  	s12 =	sadd.s32 s11, s18;
	[sflag:s20] =	ssyncadd.s32 $0xFFFFEC00  }
0x67: {  	[tilespmem:s22], [sflag:$0x2] =	stream.linear.gather [hbm4b:s12+s2], $0x28, $0x38;
	[tilespmem:$0x16600] =	vst v63  }
0x68: {  	s10 =	sadd.s32 $0x50, s10;
	s11 =	sadd.s32 s11, s17  }
0x69: {  	[tilespmem:s23], [sflag:$0x2] =	stream.linear.gather [hbm4b:s11+s2], $0x28, $0x38;
	[tilespmem:$0x16600] =	vst v63  }
0x6a: {  	_ =	swait.ge [sflag:s24], $0x28  }
0x6b: {  	[sflag:s24] =	ssyncset.done $0x0  }
0x6c: {  	[sflag:s24] =	ssyncadd.s32 $0xFFFFFFD8  }
0x6d: {  	_ =	swait.ge [sflag:s24], $0x28  }
0x6e: {  	[sflag:s24] =	ssyncset.done $0x0  }
0x6f: {  	[sflag:s24] =	ssyncadd.s32 $0xFFFFFFD8  }
0x70: {  	[tilespmem:s28], [sflag:$0x3] =	stream.indirect.gather [hbm4b:s3+s26], $0x80, s2, s26, $0xb8;
	[tilespmem:$0x16600] =	vst v63  }
0x71: {  	_ =	swait.ge [sflag:s29], $0x28  }
0x72: {  	[sflag:s29] =	ssyncset.done $0x0  }
0x73: {  	[sflag:s29] =	ssyncadd.s32 $0xFFFFFFD8  }
0x74: {  	_ =	swait.ge [sflag:s29], $0x28  }
0x75: {  	[sflag:s29] =	ssyncset.done $0x0  }
0x76: {  	[sflag:s29] =	ssyncadd.s32 $0xFFFFFFD8  }
0x77: {  	[tilespmem:s30], [sflag:$0x4] =	stream.indirect.gather [hbm4b:s3+s26], $0x80, s22, s26, $0xb8;
	[tilespmem:$0x16600] =	vst v63  }
0x78: {  	_ =	swait.ge [sflag:s31], $0x1400  }
0x79: {  	[sflag:s31] =	ssyncset.done $0x0  }
0x7a: {  	[sflag:s31] =	ssyncadd.s32 $0xFFFFEC00  }
0x7b: {  	[spmem:s1] =	stream.indirect.scatter.add.f32 [tilespmem:s28], [sflag:$0x5], $0x80, s21, s26, $0xb8;
	[tilespmem:$0x16600] =	vst v63  }
0x7c: {  	_ =	swait.ge [sflag:s20], $0x1400  }
0x7d: {  	[sflag:s20] =	ssyncset.done $0x0  }
0x7e: {  	[sflag:s20] =	ssyncadd.s32 $0xFFFFEC00  }
0x7f: {  	_ =	swait.ge [sflag:s0], $0x1400  }
0x80: {  	[sflag:s0] =	ssyncset.done $0x0  }
0x81: {  	[sflag:s0] =	ssyncadd.s32 $0xFFFFEC00  }
0x82: {  	[spmem:s1] =	stream.indirect.scatter.add.f32 [tilespmem:s30], [sflag:$0x5], $0x80, s23, s26, $0xb8;
	[tilespmem:$0x16600] =	vst v63  }
0x83: {  	_ =	swait.ge [sflag:s20], $0x1400  }
0x84: {  	[sflag:s20] =	ssyncset.done $0x0  }
0x85: {  	[sflag:s20] =	ssyncadd.s32 $0xFFFFEC00  }
0x86: {  	s7 =	simm.s32 @p0 $0x5;
	[bflag:$0x0] =	sbarrier.arrive $0xFFFF  }
0x87: {  	[hbm:s15], [sflag:s9] =	dma.local @p0 [spmem:s25], $0x2080  }
0x88: {  	_ =	swait.ge @p0 [sflag:s7], $0x2080  }
0x89: {  	s5 =	sadd.s32 $0x1, s5;
	[sflag:s7] =	ssyncset.done @p0 $0x0  }
0x8a: {  	p1 =	sne.s32 s5, s16;
	[sflag:s7] =	ssyncadd.s32 @p0 $0xFFFFDF80;
	s7 =	sshrl.u32 @!p0 s8, $0x3  }
0x8b: {  	[hbm:s14], [sflag:s9] =	dma.local @!p0 [spmem:s7], $0x2780  }
.Ltmp1:
0x8c: {  	_ = 	snop;
	(pc) =	sbr.rel @p1 .LBB2_1-.Ltmp1, $4  }
0x8d: {  	s7 =	simm.s32 @!p0 $0x5  }
0x8e: {  	_ =	swait.ge @!p0 [sflag:s7], $0x2780  }
0x8f: {  	[sflag:s7] =	ssyncset.done @!p0 $0x0  }
0x90: {  	[sflag:s7] =	ssyncadd.s32 @!p0 $0xFFFFD880  }
0x91: {  	_ =	sfence.sel $0x180000  }
0x92: {  	[bflag:$0x0] =	sbarrier.arrive $0xFFFF  }
0x93: {  	_ =	strace $0x90000050  }
0x94: {  	s0 =	stileid.u32;
	[bflag:$0x2] =	sbarrier.arrive $0xFFFF  }
0x95: {  	p0 =	sne.s32 s0, $0x0;
	s0 =	rddreg [dreg:$0x2]  }
0x96: {  	s0 =	sadd.s32 @!p0 $0x100000, s0  }
0x97: {  	[sflag:s0] =	ssyncadd.tile.s32 @!p0 $0x1;
	_ =	shalt  }
.Lfunc_end2:
_tile_overlayer_lowered:
.L_overlay_start_2:
0x98: {  	(tag) =	ssettag $0x2  }
0x99: {  	s0 =	rddreg [dreg:$0x0];
	s2 =	stileid.u32  }
0x9a: {  	s1 =	rddreg [dreg:$0x1];
	p0 =	sne.s32 s2, $0x0  }
0x9b: {  	s3 =	rddreg [dreg:$0x2];
	[bflag:$0x3] =	sbarrier.arrive $0xFFFF;
	s2 =	simm.s32 @!p0 $0x1C05  }
0x9c: {  	[timem:s3], [sflag:s2] =	dma.local @!p0 [hbm:s0], s1  }
0x9d: {  	s0 =	simm.s32 @!p0 $0x5  }
0x9e: {  	_ =	swait.ge @!p0 [sflag:s0], s1  }
0x9f: {  	s1 =	ssub.s32 @!p0 $0x0, s1;
	[sflag:s0] =	ssyncset.done @!p0 $0x0  }
0xa0: {  	[sflag:s0] =	ssyncadd.s32 @!p0 s1  }
0xa1: {  	[bflag:$0x3] =	sbarrier.arrive $0xFFFF  }
0xa2: {  	_ =	shalt  }

// kernel: kernel.18.cloned.1.call-start
scs
__scs_entry_jumppad:
0x0: {  	(pc) =	sbr.rel $0x88, $3  }
0x1: {  	(tag) =	ssettag $0x0;
	lr =	simm.s32 $0x1  }
0x2: {  	[smem:$0x3F99] =	sst lr;
	_ =	strace $0xD0000000  }
0x3: {  	_ = 	snop  }
0x4: {  	_ = 	snop  }
0x5: {  	_ = 	snop  }
0x6: {  	_ = 	snop  }
0x7: {  	_ = 	snop  }
__scs_overlays_trampoline_lowered:
0x8: {  	[smem:$0x3FA8] =	sst s0  }
0x9: {  	[smem:$0x3FA9] =	sst s1  }
0xa: {  	[smem:$0x3FAA] =	sst s2  }
0xb: {  	[smem:$0x3FAB] =	sst s3  }
0xc: {  	[smem:$0x3FAC] =	sst s4  }
0xd: {  	[smem:$0x3FAD] =	sst s5  }
0xe: {  	[smem:$0x3FAE] =	sst s6  }
0xf: {  	[smem:$0x3FAF] =	sst s7  }
0x10: {  	[smem:$0x3FB0] =	sst s8  }
0x11: {  	[smem:$0x3FB1] =	sst s9;
	s0 =	simm.s32 @!p0 $0x0  }
0x12: {  	s1 =	sld [smem:$0x3F97];
	s0 =	simm.s32 @p0 $0x1  }
0x13: {  	[smem:$0x3FB2] =	sst s0;
	s0 =	simm.s32 @!p1 $0x0  }
0x14: {  	s2 =	sld [smem:$0x3F96];
	s0 =	simm.s32 @p1 $0x1  }
0x15: {  	[smem:$0x3FB3] =	sst s0;
	s0 =	simm.s32 @!p2 $0x0  }
0x16: {  	s3 =	sld [smem:$0x3FDB];
	s0 =	simm.s32 @p2 $0x1  }
0x17: {  	s4 =	simm.s32 $0x1BF5;
	[smem:$0x3FB5] =	sst s0  }
0x18: {  	s0 =	sld [smem:$0x3F98];
	_ =	swait.ge [sflag:s4], $0x0  }
0x19: {  	s7 =	sld [smem:$0x3F99]  }
0x1a: {  	s8 =	sadd.s32 $0xFFFFE003, lr  }
0x1b: {  	s9 =	sadd.s32 $0xFFFFFEF7, lr;
	s5 =	simm.s32 $0xFFFFFFFF;
	p2 =	slt.u32 s8, $0xFFFFF086  }
0x1c: {  	p1 =	slt.u32 s9, $0xF7A;
	s5 =	simm.s32 @!p2 $0x0  }
0x1d: {  	s5 =	simm.s32 @p1 $0x1;
	p0 =	seq.s32 s7, s2  }
0x1e: {  	s7 =	smul.u32 @!p0 $0xF7A, s2;
	p2 =	seq.s32 @!p0 s5, $0x0  }
0x1f: {  	s9 =	smul.u32 $0xF7A, s1;
	s8 =	simm.s32 @!p0 $0x1BF5;
	p2 =	por !p2, p0  }
0x20: {  	[sflag:s8] =	ssyncset.s32 @!p0 $0xFFFFF086;
	s6 =	sadd.s32 @!p0 s3, s7;
	s7 =	simm.s32 @!p0 $0x108  }
0x21: {  	s3 =	sadd.s32 s3, s9;
	s6 =	sadd.s32 @!p0 $0x88, s6;
	s7 =	simm.s32 @p2 $0x1082  }
0x22: {  	[simem:s7], [sflag:s8] =	dma.local @!p0 [hbm:s6], $0xF7A  }
0x23: {  	s9 =	sor.u32 $0xD0000000, s2;
	s6 =	simm.s32 $0x108;
	_ =	swait.ge @!p0 [sflag:s8], $0x0  }
0x24: {  	s3 =	sadd.s32 $0x88, s3;
	s6 =	simm.s32 @!p1 $0x1082;
	[sflag:s4] =	ssyncset.s32 $0xFFFFF086  }
0x25: {  	[simem:s6], [sflag:s4] =	dma.local [hbm:s3], $0xF7A  }
0x26: {  	[smem:$0x3F99] =	sst s1;
	(tag) =	ssettag s2;
	_ =	strace s9  }
0x27: {  	s1 =	sld [smem:$0x3FA9]  }
0x28: {  	s2 =	sld [smem:$0x3FAA]  }
0x29: {  	s4 =	sld [smem:$0x3FAC]  }
0x2a: {  	p0 =	seq.s32 s5, $0x0;
	s5 =	sld [smem:$0x3FAD]  }
0x2b: {  	s6 =	sld [smem:$0x3FAE]  }
0x2c: {  	s7 =	sld [smem:$0x3FAF]  }
0x2d: {  	s3 =	simm.s32 $0x108;
	s8 =	sld [smem:$0x3FB0]  }
0x2e: {  	s3 =	simm.s32 @!p0 $0x1082;
	s9 =	sld [smem:$0x3FB1]  }
0x2f: {  	lr =	sadd.s32 s0, s3;
	s0 =	sld [smem:$0x3FA8]  }
0x30: {  	s3 =	sld [smem:$0x3FAB]  }
0x31: {  	[smem:$0x3FB4] =	sst s10  }
0x32: {  	s10 =	sld [smem:$0x3FB2];
	_ =	sdelay $0x3  }
0x33: {  	p0 =	seq.s32 s10, $0x1;
	s10 =	sld [smem:$0x3FB4];
	_ =	sdelay $0x3  }
0x34: {  	[smem:$0x3FB4] =	sst s10  }
0x35: {  	s10 =	sld [smem:$0x3FB3];
	_ =	sdelay $0x3  }
0x36: {  	p1 =	seq.s32 s10, $0x1;
	s10 =	sld [smem:$0x3FB4];
	_ =	sdelay $0x3  }
0x37: {  	[smem:$0x3FB4] =	sst s10  }
0x38: {  	s10 =	sld [smem:$0x3FB5]  }
0x39: {  	_ = 	snop;
	(pc) =	sbr.ind lr, $3  }
0x3a: {  	_ = 	snop  }
0x3b: {  	_ = 	snop  }
0x3c: {  	p2 =	seq.s32 s10, $0x1;
	s10 =	sld [smem:$0x3FB4]  }
0x3d: {  	_ =	shalt  }
0x3e: {  	_ =	shalt  }
0x3f: {  	_ =	shalt  }
0x40: {  	_ =	shalt  }
0x41: {  	_ =	shalt  }
0x42: {  	_ =	shalt  }
0x43: {  	_ =	shalt  }
0x44: {  	_ =	shalt  }
0x45: {  	_ =	shalt  }
0x46: {  	_ =	shalt  }
0x47: {  	_ =	shalt  }
0x48: {  	_ =	shalt  }
0x49: {  	_ =	shalt  }
0x4a: {  	_ =	shalt  }
0x4b: {  	_ =	shalt  }
0x4c: {  	_ =	shalt  }
0x4d: {  	_ =	shalt  }
0x4e: {  	_ =	shalt  }
0x4f: {  	_ =	shalt  }
0x50: {  	_ =	shalt  }
0x51: {  	_ =	shalt  }
0x52: {  	_ =	shalt  }
0x53: {  	_ =	shalt  }
0x54: {  	_ =	shalt  }
0x55: {  	_ =	shalt  }
0x56: {  	_ =	shalt  }
0x57: {  	_ =	shalt  }
0x58: {  	_ =	shalt  }
0x59: {  	_ =	shalt  }
0x5a: {  	_ =	shalt  }
0x5b: {  	_ =	shalt  }
0x5c: {  	_ =	shalt  }
0x5d: {  	_ =	shalt  }
0x5e: {  	_ =	shalt  }
0x5f: {  	_ =	shalt  }
0x60: {  	_ =	shalt  }
0x61: {  	_ =	shalt  }
0x62: {  	_ =	shalt  }
0x63: {  	_ =	shalt  }
0x64: {  	_ =	shalt  }
0x65: {  	_ =	shalt  }
0x66: {  	_ =	shalt  }
0x67: {  	_ =	shalt  }
0x68: {  	_ =	shalt  }
0x69: {  	_ =	shalt  }
0x6a: {  	_ =	shalt  }
0x6b: {  	_ =	shalt  }
0x6c: {  	_ =	shalt  }
0x6d: {  	_ =	shalt  }
0x6e: {  	_ =	shalt  }
0x6f: {  	_ =	shalt  }
0x70: {  	_ =	shalt  }
0x71: {  	_ =	shalt  }
0x72: {  	_ =	shalt  }
0x73: {  	_ =	shalt  }
0x74: {  	_ =	shalt  }
0x75: {  	_ =	shalt  }
0x76: {  	_ =	shalt  }
0x77: {  	_ =	shalt  }
0x78: {  	_ =	shalt  }
0x79: {  	_ =	shalt  }
0x7a: {  	_ =	shalt  }
0x7b: {  	_ =	shalt  }
0x7c: {  	_ =	shalt  }
0x7d: {  	_ =	shalt  }
0x7e: {  	_ =	shalt  }
0x7f: {  	_ =	shalt  }
0x80: {  	_ =	shalt  }
0x81: {  	_ =	shalt  }
0x82: {  	_ =	shalt  }
0x83: {  	_ =	shalt  }
0x84: {  	_ =	shalt  }
0x85: {  	_ =	shalt  }
0x86: {  	_ =	shalt  }
0x87: {  	_ =	shalt  }
.Lfunc_end0:
.L_simem_size_0:
called_computation.3_lowered:
.L_overlay_start_0:
0x88: {  	s2 =	sld [smem:$0x3FD9]  }
0x89: {  	s3 =	sld [smem:$0x3FFE];
	_ =	sdelay $0x1  }
0x8a: {  	s1 =	srdreg.scid  }
0x8b: {  	s0 =	sand.u32 $0x1, s1  }
0x8c: {  	s16 =	sshll.u32 s0, $0xA;
	s2 =	sadd.s32 s3, s2  }
0x8d: {  	s2 =	sadd.s32 s2, s16  }
0x8e: {  	[smem:$0x3FC0] =	sst s2  }
0x8f: {  	_ = 	snop  }
0x90: {  	(tm) =	ssettm $0x1  }
0x91: {  	s17 =	sld [smem:$0x3FFB];
	_ =	sdelay $0x3  }
0x92: {  	_ =	strace s17  }
0x93: {  	s2 =	sld [smem:$0x3FFC];
	_ =	sdelay $0x3  }
0x94: {  	_ =	strace s2  }
0x95: {  	s2 =	sld [smem:$0x3FFD];
	_ =	sdelay $0x3  }
0x96: {  	_ =	strace s2  }
0x97: {  	_ =	strace $0x8FFFFFFF  }
0x98: {  	s18 =	sld [smem:$0x3FDB];
	_ =	sdelay $0x1  }
0x99: {  	s19 =	simm.s32 $_scs_section_size  }
0x9a: {  	s4 =	simm.s32 $_size__tile_overlayer_lowered;
	s5 =	simm.s32 $_tile_overlayer_lowered  }
0x9b: {  	s22 =	simm.s32 $0x1BFF;
	s21 =	sshll.u32 s5, $0x1;
	s2 =	sadd.s32 s19, s18  }
0x9c: {  	s6 =	simm.s32 $0x0;
	s20 =	sshll.u32 s4, $0x1;
	s4 =	sadd.s32 s21, s2  }
0x9d: {  	[timem:s6], [sflag:s22] =	dma.local [hbm:s4], s20  }
0x9e: {  	_ =	swait.ge [sflag:s22], s20  }
0x9f: {  	s3 =	ssub.s32 $0x0, s20;
	[sflag:s22] =	ssyncset.done $0x0  }
0xa0: {  	[sflag:s22] =	ssyncadd.s32 s3;
	_ =	sdelay $0x1  }
0xa1: {  	s23 =	simm.s32 $0x1B8B  }
0xa2: {  	_ =	swait.ge [sflag:s23], $0x1  }
0xa3: {  	[sflag:s23] =	ssyncset.done $0x0  }
0xa4: {  	s25 =	simm.s32 $0x1B8E;
	s24 =	sld [smem:$0x3FFE];
	[sflag:s23] =	ssyncadd.s32 $0xFFFFFFFF  }
0xa5: {  	s26 =	simm.s32 $execute0_lowered;
	[smem:$0x3FD2] =	sst s25  }
0xa6: {  	s4 =	sshll.u32 s26, $0x1;
	_ =	strace $0x8000004C;
	[dreg:$0x1] =	wrdreg $0xFFFFFFFF  }
0xa7: {  	s28 =	simm.s32 $_size_execute0_lowered;
	s2 =	sadd.s32 s2, s4;
	[dreg:$0x0] =	wrdreg $0x0  }
0xa8: {  	s4 =	sshll.u32 s28, $0x1;
	[dreg:$0x2] =	wrdreg s2  }
0xa9: {  	[dreg:$0x3] =	wrdreg s4  }
0xaa: {  	[dreg:$0x4] =	wrdreg $0xC0  }
0xab: {  	_ =	task [dreg:s6], $0x5FFFF  }
0xac: {  	[dreg:$0x1] =	wrdreg $0xFFFFFFFF  }
0xad: {  	[dreg:$0x0] =	wrdreg $0x60  }
0xae: {  	[dreg:$0x2] =	wrdreg s24  }
0xaf: {  	[dreg:$0x3] =	wrdreg $0x2A000  }
0xb0: {  	[dreg:$0x4] =	wrdreg $0xA  }
0xb1: {  	_ =	task.clear_ibuf [dreg:s6], $0x5FFFF;
	_ =	strace $0x9000004C  }
0xb2: {  	s29 =	simm.s32 $0xA;
	_ =	strace $0x8000004E  }
0xb3: {  	_ =	swait.ge [sflag:s29], $0x1  }
0xb4: {  	[sflag:s29] =	ssyncadd.s32 $0xFFFFFFFF  }
0xb5: {  	_ =	strace $0x9000004E  }
0xb6: {  	_ =	sfence  }
0xb7: {  	s30 =	sld [smem:$0x0];
	_ =	sdelay $0x2  }
0xb8: {  	s31 =	sshll.u32 s1, $0xD;
	s1 =	sshrl.u32 s1, $0x2  }
0xb9: {  	s3 =	sand.u32 $0x4000, s31;
	s1 =	sadd.s32 s1, s30  }
0xba: {  	s0 =	sor.u32 s3, s0;
	s1 =	sshll.u32 s1, $0x11  }
0xbb: {  	s0 =	sor.u32 s1, s0  }
0xbc: {  	s0 =	sadd.s32 $0x8F2B, s0  }
0xbd: {  	[sflag:s0] =	ssyncadd.remote.s32 $0x1  }
0xbe: {  	_ =	sfence.sel $0xFFFF  }
0xbf: {  	[dreg:$0x0] =	wrdreg $0xFFFFFFFF;
	(pc) =	sbr.abs _section_cstart, $3  }
0xc0: {  	[dreg:$0x1] =	wrdreg $0xFFFFFFFF  }
0xc1: {  	_ =	task.clear_ibuf [dreg:s6], $0x2FFFF;
	_ =	strace $0x9FFFFFFF  }
0xc2: {  	(tm) =	ssettm $0x7FFFFFFF  }
0xc3: {  	_ =	shalt  }
tec
execute0_lowered:
.L_overlay_start_1:
0x0: {  	(tag) =	ssettag $0x1  }
0x1: {  	s0 =	rddreg [dreg:$0x0]  }
0x2: {  	s1 =	rddreg [dreg:$0x1];
	s2 =	simm.s32 $0x0;
	s5 =	srdreg.scid  }
0x3: {  	s13 =	stileid.u32;
	s28 =	simm.s32 $0x200;
	s29 =	simm.s32 $0x2  }
0x4: {  	s30 =	simm.s32 $0x1600;
	s31 =	simm.s32 $0x3;
	[smem:$0x7FF] =	sst s2  }
0x5: {  	s3 =	sadd.s32 $0x67800, s0;
	s4 =	sadd.s32 $0xC800, s0;
	s6 =	sadd.s32 $0x2A00, s0  }
0x6: {  	s7 =	sadd.s32 $0x16E00, s0;
	s5 =	sand.u32 $0x1, s5;
	s10 =	smul.u32 $0x4F000, s13  }
0x7: {  	s0 =	sadd.s32 $0xB5C00, s0;
	s14 =	smul.u32 $0x2780, s13;
	s20 =	sshll.u32 s13, $0x6  }
0x8: {  	s22 =	smul.u32 $0x2710, s13;
	p0 =	seq.s32 s13, $0xF;
	_ =	strace $0x8000004D  }
0x9: {  	[dreg:$0x3] =	wrdreg s7;
	s18 =	ssub.s32 $0x2, s5;
	s21 =	smul.u32 $0x27100, s5  }
0xa: {  	s8 =	sshll.u32 s5, $0x4;
	s5 =	smul.u32 $0x138800, s5;
	s9 =	sshrl.u32 s18, $0x1  }
0xb: {  	s8 =	sor.u32 s13, s8;
	s19 =	sshrl.u32 s10, $0x2;
	s7 =	ssub.s32 s18, s9  }
0xc: {  	s11 =	smul.u32 $0x2710, s8;
	s8 =	sadd.s32 s19, s1;
	s9 =	sor.u32 $0x1C05, s20  }
0xd: {  	s24 =	sadd.s32 s14, s21;
	s5 =	sshrl.u32 s5, $0x3;
	s10 =	sadd.s32 s22, s21  }
0xe: {  	s20 =	simm.s32 $0x5;
	s21 =	simm.s32 $0x100;
	s22 =	simm.s32 $0x80  }
0xf: {  	s14 =	sadd.s32 s0, s24;
	s0 =	sadd.s32 s0, s5;
	s25 =	sadd.s32 $0x78, s10  }
0x10: {  	s16 =	smax.u32 s7, $0x1;
	s19 =	sadd.s32 $0x50, s10;
	s24 =	simm.s32 $0x1  }
0x11: {  	s5 =	simm.s32 $0x0;
	s12 =	sshrl.u32 s11, $0x3;
	s11 =	sadd.s32 $0x28, s11  }
0x12: {  	s26 =	sshrl.u32 s25, $0x3;
	s15 =	sadd.s32 s4, s12;
	s11 =	sshrl.u32 s11, $0x3  }
0x13: {  	s12 =	sadd.s32 s6, s12;
	s17 =	sadd.s32 s26, s6;
	[dreg:$0x4] =	wrdreg s15  }
0x14: {  	s18 =	sadd.s32 s26, s4;
	s26 =	simm.s32 $0x28;
	[dreg:$0x5] =	wrdreg s12  }
0x15: {  	s23 =	sadd.s32 s4, s11;
	s11 =	sadd.s32 s6, s11;
	s15 =	sadd.s32 $0x25080, s0  }
0x16: {  	s0 =	simm.s32 $0x4;
	[dreg:$0x7] =	wrdreg s11;
	s11 =	sadd.s32 $0x128400, s1  }
0x17: {  	[dreg:$0x6] =	wrdreg s23;
	s23 =	simm.s32 $0x180;
	s25 =	sshrl.u32 @p0 s11, $0x3  }
.LBB2_1:
0x18: {  	s7 =	sshrl.u32 s8, $0x3;
	s10 =	rddreg [dreg:$0x3]  }
0x19: {  	[spmem:s7], [sflag:s9] =	dma.local [hbm:s10], $0x2780  }
0x1a: {  	_ =	swait.ge [sflag:s20], $0x2780  }
0x1b: {  	[sflag:s20] =	ssyncset.done $0x0  }
0x1c: {  	[sflag:s20] =	ssyncadd.s32 $0xFFFFD880  }
0x1d: {  	[bflag:$0x0] =	sbarrier.arrive $0xFFFF  }
0x1e: {  	s11 =	rddreg [dreg:$0x4]  }
0x1f: {  	[tilespmem:s2], [sflag:$0x1] =	stream.linear.gather [hbm4b:s11+s2], $0x28, $0x38;
	[tilespmem:$0x16600] =	vst v63  }
0x20: {  	s12 =	rddreg [dreg:$0x5]  }
0x21: {  	[tilespmem:s21], [sflag:$0x1] =	stream.linear.gather [hbm4b:s12+s2], $0x28, $0x38;
	[tilespmem:$0x16600] =	vst v63  }
0x22: {  	s13 =	rddreg [dreg:$0x6]  }
0x23: {  	[tilespmem:s22], [sflag:$0x2] =	stream.linear.gather [hbm4b:s13+s2], $0x28, $0x38;
	[tilespmem:$0x16600] =	vst v63  }
0x24: {  	s10 =	rddreg [dreg:$0x7]  }
0x25: {  	[tilespmem:s23], [sflag:$0x2] =	stream.linear.gather [hbm4b:s10+s2], $0x28, $0x38;
	[tilespmem:$0x16600] =	vst v63  }
0x26: {  	_ =	swait.ge [sflag:s24], $0x28  }
0x27: {  	[sflag:s24] =	ssyncset.done $0x0  }
0x28: {  	[sflag:s24] =	ssyncadd.s32 $0xFFFFFFD8  }
0x29: {  	_ =	swait.ge [sflag:s24], $0x28  }
0x2a: {  	[sflag:s24] =	ssyncset.done $0x0  }
0x2b: {  	[sflag:s24] =	ssyncadd.s32 $0xFFFFFFD8  }
0x2c: {  	[tilespmem:s28], [sflag:$0x3] =	stream.indirect.gather [hbm4b:s3+s26], $0x80, s2, s26, $0xb8;
	[tilespmem:$0x16600] =	vst v63  }
0x2d: {  	_ =	swait.ge [sflag:s29], $0x28  }
0x2e: {  	[sflag:s29] =	ssyncset.done $0x0  }
0x2f: {  	[sflag:s29] =	ssyncadd.s32 $0xFFFFFFD8  }
0x30: {  	_ =	swait.ge [sflag:s29], $0x28  }
0x31: {  	[sflag:s29] =	ssyncset.done $0x0  }
0x32: {  	[sflag:s29] =	ssyncadd.s32 $0xFFFFFFD8  }
0x33: {  	[tilespmem:s30], [sflag:$0x4] =	stream.indirect.gather [hbm4b:s3+s26], $0x80, s22, s26, $0xb8;
	[tilespmem:$0x16600] =	vst v63  }
0x34: {  	_ =	swait.ge [sflag:s31], $0x1400  }
0x35: {  	[sflag:s31] =	ssyncset.done $0x0  }
0x36: {  	[sflag:s31] =	ssyncadd.s32 $0xFFFFEC00  }
0x37: {  	[spmem:s1] =	stream.indirect.scatter.add.f32 [tilespmem:s28], [sflag:$0x5], $0x80, s21, s26, $0xb8;
	[tilespmem:$0x16600] =	vst v63  }
0x38: {  	_ =	swait.ge [sflag:s20], $0x1400  }
0x39: {  	s11 =	sshrl.u32 s19, $0x3;
	[sflag:s20] =	ssyncset.done $0x0  }
0x3a: {  	s12 =	sadd.s32 s4, s11;
	[sflag:s20] =	ssyncadd.s32 $0xFFFFEC00  }
0x3b: {  	[tilespmem:s2], [sflag:$0x1] =	stream.linear.gather [hbm4b:s12+s2], $0x28, $0x38;
	[tilespmem:$0x16600] =	vst v63  }
0x3c: {  	s7 =	sadd.s32 s6, s11  }
0x3d: {  	[tilespmem:s21], [sflag:$0x1] =	stream.linear.gather [hbm4b:s7+s2], $0x28, $0x38;
	[tilespmem:$0x16600] =	vst v63  }
0x3e: {  	_ =	swait.ge [sflag:s0], $0x1400  }
0x3f: {  	[sflag:s0] =	ssyncset.done $0x0  }
0x40: {  	[sflag:s0] =	ssyncadd.s32 $0xFFFFEC00  }
0x41: {  	[spmem:s1] =	stream.indirect.scatter.add.f32 [tilespmem:s30], [sflag:$0x5], $0x80, s23, s26, $0xb8;
	[tilespmem:$0x16600] =	vst v63  }
0x42: {  	_ =	swait.ge [sflag:s20], $0x1400  }
0x43: {  	s11 =	sadd.s32 $0x0, s17;
	s13 =	sadd.s32 $0x0, s18;
	[sflag:s20] =	ssyncset.done $0x0  }
0x44: {  	s10 =	sadd.s32 $0x50, s19;
	s7 =	simm.s32 $0xA;
	[sflag:s20] =	ssyncadd.s32 $0xFFFFEC00  }
0x45: {  	[tilespmem:s22], [sflag:$0x2] =	stream.linear.gather [hbm4b:s13+s2], $0x28, $0x38;
	[tilespmem:$0x16600] =	vst v63  }
.LBB2_2:
0x46: {  	[tilespmem:s23], [sflag:$0x2] =	stream.linear.gather [hbm4b:s11+s2], $0x28, $0x38;
	[tilespmem:$0x16600] =	vst v63  }
0x47: {  	s11 =	smov.u32 s7  }
0x48: {  	p1 =	sne.s32 s7, $0x4CE;
	s7 =	sadd.s32 $0xA, s7;
	_ =	swait.ge [sflag:s24], $0x28  }
0x49: {  	[sflag:s24] =	ssyncset.done $0x0  }
0x4a: {  	[sflag:s24] =	ssyncadd.s32 $0xFFFFFFD8  }
0x4b: {  	_ =	swait.ge [sflag:s24], $0x28  }
0x4c: {  	[sflag:s24] =	ssyncset.done $0x0  }
0x4d: {  	[sflag:s24] =	ssyncadd.s32 $0xFFFFFFD8  }
0x4e: {  	[tilespmem:s28], [sflag:$0x3] =	stream.indirect.gather [hbm4b:s3+s26], $0x80, s2, s26, $0xb8;
	[tilespmem:$0x16600] =	vst v63  }
0x4f: {  	_ =	swait.ge [sflag:s29], $0x28  }
0x50: {  	[sflag:s29] =	ssyncset.done $0x0  }
0x51: {  	[sflag:s29] =	ssyncadd.s32 $0xFFFFFFD8  }
0x52: {  	_ =	swait.ge [sflag:s29], $0x28  }
0x53: {  	[sflag:s29] =	ssyncset.done $0x0  }
0x54: {  	[sflag:s29] =	ssyncadd.s32 $0xFFFFFFD8  }
0x55: {  	[tilespmem:s30], [sflag:$0x4] =	stream.indirect.gather [hbm4b:s3+s26], $0x80, s22, s26, $0xb8;
	[tilespmem:$0x16600] =	vst v63  }
0x56: {  	_ =	swait.ge [sflag:s31], $0x1400  }
0x57: {  	[sflag:s31] =	ssyncset.done $0x0  }
0x58: {  	[sflag:s31] =	ssyncadd.s32 $0xFFFFEC00  }
0x59: {  	[spmem:s1] =	stream.indirect.scatter.add.f32 [tilespmem:s28], [sflag:$0x5], $0x80, s21, s26, $0xb8;
	[tilespmem:$0x16600] =	vst v63  }
0x5a: {  	_ =	swait.ge [sflag:s20], $0x1400  }
0x5b: {  	s12 =	sshrl.u32 s10, $0x3;
	[sflag:s20] =	ssyncset.done $0x0  }
0x5c: {  	s13 =	sadd.s32 s4, s12;
	[sflag:s20] =	ssyncadd.s32 $0xFFFFEC00  }
0x5d: {  	[tilespmem:s2], [sflag:$0x1] =	stream.linear.gather [hbm4b:s13+s2], $0x28, $0x38;
	[tilespmem:$0x16600] =	vst v63  }
0x5e: {  	s12 =	sadd.s32 s6, s12  }
0x5f: {  	[tilespmem:s21], [sflag:$0x1] =	stream.linear.gather [hbm4b:s12+s2], $0x28, $0x38;
	[tilespmem:$0x16600] =	vst v63  }
0x60: {  	_ =	swait.ge [sflag:s0], $0x1400  }
0x61: {  	[sflag:s0] =	ssyncset.done $0x0  }
0x62: {  	[sflag:s0] =	ssyncadd.s32 $0xFFFFEC00  }
0x63: {  	[spmem:s1] =	stream.indirect.scatter.add.f32 [tilespmem:s30], [sflag:$0x5], $0x80, s23, s26, $0xb8;
	[tilespmem:$0x16600] =	vst v63  }
.Ltmp0:
0x64: {  	_ =	swait.ge [sflag:s20], $0x1400;
	(pc) =	sbr.rel @p1 .LBB2_2-.Ltmp0, $4  }
0x65: {  	[sflag:s20] =	ssyncset.done $0x0  }
0x66: {  	s12 =	sadd.s32 s11, s18;
	[sflag:s20] =	ssyncadd.s32 $0xFFFFEC00  }
0x67: {  	[tilespmem:s22], [sflag:$0x2] =	stream.linear.gather [hbm4b:s12+s2], $0x28, $0x38;
	[tilespmem:$0x16600] =	vst v63  }
0x68: {  	s10 =	sadd.s32 $0x50, s10;
	s11 =	sadd.s32 s11, s17  }
0x69: {  	[tilespmem:s23], [sflag:$0x2] =	stream.linear.gather [hbm4b:s11+s2], $0x28, $0x38;
	[tilespmem:$0x16600] =	vst v63  }
0x6a: {  	_ =	swait.ge [sflag:s24], $0x28  }
0x6b: {  	[sflag:s24] =	ssyncset.done $0x0  }
0x6c: {  	[sflag:s24] =	ssyncadd.s32 $0xFFFFFFD8  }
0x6d: {  	_ =	swait.ge [sflag:s24], $0x28  }
0x6e: {  	[sflag:s24] =	ssyncset.done $0x0  }
0x6f: {  	[sflag:s24] =	ssyncadd.s32 $0xFFFFFFD8  }
0x70: {  	[tilespmem:s28], [sflag:$0x3] =	stream.indirect.gather [hbm4b:s3+s26], $0x80, s2, s26, $0xb8;
	[tilespmem:$0x16600] =	vst v63  }
0x71: {  	_ =	swait.ge [sflag:s29], $0x28  }
0x72: {  	[sflag:s29] =	ssyncset.done $0x0  }
0x73: {  	[sflag:s29] =	ssyncadd.s32 $0xFFFFFFD8  }
0x74: {  	_ =	swait.ge [sflag:s29], $0x28  }
0x75: {  	[sflag:s29] =	ssyncset.done $0x0  }
0x76: {  	[sflag:s29] =	ssyncadd.s32 $0xFFFFFFD8  }
0x77: {  	[tilespmem:s30], [sflag:$0x4] =	stream.indirect.gather [hbm4b:s3+s26], $0x80, s22, s26, $0xb8;
	[tilespmem:$0x16600] =	vst v63  }
0x78: {  	_ =	swait.ge [sflag:s31], $0x1400  }
0x79: {  	[sflag:s31] =	ssyncset.done $0x0  }
0x7a: {  	[sflag:s31] =	ssyncadd.s32 $0xFFFFEC00  }
0x7b: {  	[spmem:s1] =	stream.indirect.scatter.add.f32 [tilespmem:s28], [sflag:$0x5], $0x80, s21, s26, $0xb8;
	[tilespmem:$0x16600] =	vst v63  }
0x7c: {  	_ =	swait.ge [sflag:s20], $0x1400  }
0x7d: {  	[sflag:s20] =	ssyncset.done $0x0  }
0x7e: {  	[sflag:s20] =	ssyncadd.s32 $0xFFFFEC00  }
0x7f: {  	_ =	swait.ge [sflag:s0], $0x1400  }
0x80: {  	[sflag:s0] =	ssyncset.done $0x0  }
0x81: {  	[sflag:s0] =	ssyncadd.s32 $0xFFFFEC00  }
0x82: {  	[spmem:s1] =	stream.indirect.scatter.add.f32 [tilespmem:s30], [sflag:$0x5], $0x80, s23, s26, $0xb8;
	[tilespmem:$0x16600] =	vst v63  }
0x83: {  	_ =	swait.ge [sflag:s20], $0x1400  }
0x84: {  	[sflag:s20] =	ssyncset.done $0x0  }
0x85: {  	[sflag:s20] =	ssyncadd.s32 $0xFFFFEC00  }
0x86: {  	s7 =	simm.s32 @p0 $0x5;
	[bflag:$0x0] =	sbarrier.arrive $0xFFFF  }
0x87: {  	[hbm:s15], [sflag:s9] =	dma.local @p0 [spmem:s25], $0x2080  }
0x88: {  	_ =	swait.ge @p0 [sflag:s7], $0x2080  }
0x89: {  	s5 =	sadd.s32 $0x1, s5;
	[sflag:s7] =	ssyncset.done @p0 $0x0  }
0x8a: {  	p1 =	sne.s32 s5, s16;
	[sflag:s7] =	ssyncadd.s32 @p0 $0xFFFFDF80;
	s7 =	sshrl.u32 @!p0 s8, $0x3  }
0x8b: {  	[hbm:s14], [sflag:s9] =	dma.local @!p0 [spmem:s7], $0x2780  }
.Ltmp1:
0x8c: {  	_ = 	snop;
	(pc) =	sbr.rel @p1 .LBB2_1-.Ltmp1, $4  }
0x8d: {  	s7 =	simm.s32 @!p0 $0x5  }
0x8e: {  	_ =	swait.ge @!p0 [sflag:s7], $0x2780  }
0x8f: {  	[sflag:s7] =	ssyncset.done @!p0 $0x0  }
0x90: {  	[sflag:s7] =	ssyncadd.s32 @!p0 $0xFFFFD880  }
0x91: {  	_ =	sfence.sel $0x180000  }
0x92: {  	[bflag:$0x0] =	sbarrier.arrive $0xFFFF  }
0x93: {  	_ =	strace $0x9000004D  }
0x94: {  	s0 =	stileid.u32;
	[bflag:$0x2] =	sbarrier.arrive $0xFFFF  }
0x95: {  	p0 =	sne.s32 s0, $0x0;
	s0 =	rddreg [dreg:$0x2]  }
0x96: {  	s0 =	sadd.s32 @!p0 $0x100000, s0  }
0x97: {  	[sflag:s0] =	ssyncadd.tile.s32 @!p0 $0x1;
	_ =	shalt  }
.Lfunc_end2:
_tile_overlayer_lowered:
.L_overlay_start_2:
0x98: {  	(tag) =	ssettag $0x2  }
0x99: {  	s0 =	rddreg [dreg:$0x0];
	s2 =	stileid.u32  }
0x9a: {  	s1 =	rddreg [dreg:$0x1];
	p0 =	sne.s32 s2, $0x0  }
0x9b: {  	s3 =	rddreg [dreg:$0x2];
	[bflag:$0x3] =	sbarrier.arrive $0xFFFF;
	s2 =	simm.s32 @!p0 $0x1C05  }
0x9c: {  	[timem:s3], [sflag:s2] =	dma.local @!p0 [hbm:s0], s1  }
0x9d: {  	s0 =	simm.s32 @!p0 $0x5  }
0x9e: {  	_ =	swait.ge @!p0 [sflag:s0], s1  }
0x9f: {  	s1 =	ssub.s32 @!p0 $0x0, s1;
	[sflag:s0] =	ssyncset.done @!p0 $0x0  }
0xa0: {  	[sflag:s0] =	ssyncadd.s32 @!p0 s1  }
0xa1: {  	[bflag:$0x3] =	sbarrier.arrive $0xFFFF  }
0xa2: {  	_ =	shalt  }

// kernel: kernel.9.cloned.1.call-start
scs
__scs_entry_jumppad:
0x0: {  	(pc) =	sbr.rel $0x88, $3  }
0x1: {  	(tag) =	ssettag $0x0;
	lr =	simm.s32 $0x1  }
0x2: {  	[smem:$0x3F99] =	sst lr;
	_ =	strace $0xD0000000  }
0x3: {  	_ = 	snop  }
0x4: {  	_ = 	snop  }
0x5: {  	_ = 	snop  }
0x6: {  	_ = 	snop  }
0x7: {  	_ = 	snop  }
__scs_overlays_trampoline_lowered:
0x8: {  	[smem:$0x3FA8] =	sst s0  }
0x9: {  	[smem:$0x3FA9] =	sst s1  }
0xa: {  	[smem:$0x3FAA] =	sst s2  }
0xb: {  	[smem:$0x3FAB] =	sst s3  }
0xc: {  	[smem:$0x3FAC] =	sst s4  }
0xd: {  	[smem:$0x3FAD] =	sst s5  }
0xe: {  	[smem:$0x3FAE] =	sst s6  }
0xf: {  	[smem:$0x3FAF] =	sst s7  }
0x10: {  	[smem:$0x3FB0] =	sst s8  }
0x11: {  	[smem:$0x3FB1] =	sst s9;
	s0 =	simm.s32 @!p0 $0x0  }
0x12: {  	s1 =	sld [smem:$0x3F97];
	s0 =	simm.s32 @p0 $0x1  }
0x13: {  	[smem:$0x3FB2] =	sst s0;
	s0 =	simm.s32 @!p1 $0x0  }
0x14: {  	s2 =	sld [smem:$0x3F96];
	s0 =	simm.s32 @p1 $0x1  }
0x15: {  	[smem:$0x3FB3] =	sst s0;
	s0 =	simm.s32 @!p2 $0x0  }
0x16: {  	s3 =	sld [smem:$0x3FDB];
	s0 =	simm.s32 @p2 $0x1  }
0x17: {  	s4 =	simm.s32 $0x1BF5;
	[smem:$0x3FB5] =	sst s0  }
0x18: {  	s0 =	sld [smem:$0x3F98];
	_ =	swait.ge [sflag:s4], $0x0  }
0x19: {  	s7 =	sld [smem:$0x3F99]  }
0x1a: {  	s8 =	sadd.s32 $0xFFFFE003, lr  }
0x1b: {  	s9 =	sadd.s32 $0xFFFFFEF7, lr;
	s5 =	simm.s32 $0xFFFFFFFF;
	p2 =	slt.u32 s8, $0xFFFFF086  }
0x1c: {  	p1 =	slt.u32 s9, $0xF7A;
	s5 =	simm.s32 @!p2 $0x0  }
0x1d: {  	s5 =	simm.s32 @p1 $0x1;
	p0 =	seq.s32 s7, s2  }
0x1e: {  	s7 =	smul.u32 @!p0 $0xF7A, s2;
	p2 =	seq.s32 @!p0 s5, $0x0  }
0x1f: {  	s9 =	smul.u32 $0xF7A, s1;
	s8 =	simm.s32 @!p0 $0x1BF5;
	p2 =	por !p2, p0  }
0x20: {  	[sflag:s8] =	ssyncset.s32 @!p0 $0xFFFFF086;
	s6 =	sadd.s32 @!p0 s3, s7;
	s7 =	simm.s32 @!p0 $0x108  }
0x21: {  	s3 =	sadd.s32 s3, s9;
	s6 =	sadd.s32 @!p0 $0x88, s6;
	s7 =	simm.s32 @p2 $0x1082  }
0x22: {  	[simem:s7], [sflag:s8] =	dma.local @!p0 [hbm:s6], $0xF7A  }
0x23: {  	s9 =	sor.u32 $0xD0000000, s2;
	s6 =	simm.s32 $0x108;
	_ =	swait.ge @!p0 [sflag:s8], $0x0  }
0x24: {  	s3 =	sadd.s32 $0x88, s3;
	s6 =	simm.s32 @!p1 $0x1082;
	[sflag:s4] =	ssyncset.s32 $0xFFFFF086  }
0x25: {  	[simem:s6], [sflag:s4] =	dma.local [hbm:s3], $0xF7A  }
0x26: {  	[smem:$0x3F99] =	sst s1;
	(tag) =	ssettag s2;
	_ =	strace s9  }
0x27: {  	s1 =	sld [smem:$0x3FA9]  }
0x28: {  	s2 =	sld [smem:$0x3FAA]  }
0x29: {  	s4 =	sld [smem:$0x3FAC]  }
0x2a: {  	p0 =	seq.s32 s5, $0x0;
	s5 =	sld [smem:$0x3FAD]  }
0x2b: {  	s6 =	sld [smem:$0x3FAE]  }
0x2c: {  	s7 =	sld [smem:$0x3FAF]  }
0x2d: {  	s3 =	simm.s32 $0x108;
	s8 =	sld [smem:$0x3FB0]  }
0x2e: {  	s3 =	simm.s32 @!p0 $0x1082;
	s9 =	sld [smem:$0x3FB1]  }
0x2f: {  	lr =	sadd.s32 s0, s3;
	s0 =	sld [smem:$0x3FA8]  }
0x30: {  	s3 =	sld [smem:$0x3FAB]  }
0x31: {  	[smem:$0x3FB4] =	sst s10  }
0x32: {  	s10 =	sld [smem:$0x3FB2];
	_ =	sdelay $0x3  }
0x33: {  	p0 =	seq.s32 s10, $0x1;
	s10 =	sld [smem:$0x3FB4];
	_ =	sdelay $0x3  }
0x34: {  	[smem:$0x3FB4] =	sst s10  }
0x35: {  	s10 =	sld [smem:$0x3FB3];
	_ =	sdelay $0x3  }
0x36: {  	p1 =	seq.s32 s10, $0x1;
	s10 =	sld [smem:$0x3FB4];
	_ =	sdelay $0x3  }
0x37: {  	[smem:$0x3FB4] =	sst s10  }
0x38: {  	s10 =	sld [smem:$0x3FB5]  }
0x39: {  	_ = 	snop;
	(pc) =	sbr.ind lr, $3  }
0x3a: {  	_ = 	snop  }
0x3b: {  	_ = 	snop  }
0x3c: {  	p2 =	seq.s32 s10, $0x1;
	s10 =	sld [smem:$0x3FB4]  }
0x3d: {  	_ =	shalt  }
0x3e: {  	_ =	shalt  }
0x3f: {  	_ =	shalt  }
0x40: {  	_ =	shalt  }
0x41: {  	_ =	shalt  }
0x42: {  	_ =	shalt  }
0x43: {  	_ =	shalt  }
0x44: {  	_ =	shalt  }
0x45: {  	_ =	shalt  }
0x46: {  	_ =	shalt  }
0x47: {  	_ =	shalt  }
0x48: {  	_ =	shalt  }
0x49: {  	_ =	shalt  }
0x4a: {  	_ =	shalt  }
0x4b: {  	_ =	shalt  }
0x4c: {  	_ =	shalt  }
0x4d: {  	_ =	shalt  }
0x4e: {  	_ =	shalt  }
0x4f: {  	_ =	shalt  }
0x50: {  	_ =	shalt  }
0x51: {  	_ =	shalt  }
0x52: {  	_ =	shalt  }
0x53: {  	_ =	shalt  }
0x54: {  	_ =	shalt  }
0x55: {  	_ =	shalt  }
0x56: {  	_ =	shalt  }
0x57: {  	_ =	shalt  }
0x58: {  	_ =	shalt  }
0x59: {  	_ =	shalt  }
0x5a: {  	_ =	shalt  }
0x5b: {  	_ =	shalt  }
0x5c: {  	_ =	shalt  }
0x5d: {  	_ =	shalt  }
0x5e: {  	_ =	shalt  }
0x5f: {  	_ =	shalt  }
0x60: {  	_ =	shalt  }
0x61: {  	_ =	shalt  }
0x62: {  	_ =	shalt  }
0x63: {  	_ =	shalt  }
0x64: {  	_ =	shalt  }
0x65: {  	_ =	shalt  }
0x66: {  	_ =	shalt  }
0x67: {  	_ =	shalt  }
0x68: {  	_ =	shalt  }
0x69: {  	_ =	shalt  }
0x6a: {  	_ =	shalt  }
0x6b: {  	_ =	shalt  }
0x6c: {  	_ =	shalt  }
0x6d: {  	_ =	shalt  }
0x6e: {  	_ =	shalt  }
0x6f: {  	_ =	shalt  }
0x70: {  	_ =	shalt  }
0x71: {  	_ =	shalt  }
0x72: {  	_ =	shalt  }
0x73: {  	_ =	shalt  }
0x74: {  	_ =	shalt  }
0x75: {  	_ =	shalt  }
0x76: {  	_ =	shalt  }
0x77: {  	_ =	shalt  }
0x78: {  	_ =	shalt  }
0x79: {  	_ =	shalt  }
0x7a: {  	_ =	shalt  }
0x7b: {  	_ =	shalt  }
0x7c: {  	_ =	shalt  }
0x7d: {  	_ =	shalt  }
0x7e: {  	_ =	shalt  }
0x7f: {  	_ =	shalt  }
0x80: {  	_ =	shalt  }
0x81: {  	_ =	shalt  }
0x82: {  	_ =	shalt  }
0x83: {  	_ =	shalt  }
0x84: {  	_ =	shalt  }
0x85: {  	_ =	shalt  }
0x86: {  	_ =	shalt  }
0x87: {  	_ =	shalt  }
.Lfunc_end0:
.L_simem_size_0:
called_computation_lowered:
.L_overlay_start_0:
0x88: {  	s2 =	sld [smem:$0x3FD9]  }
0x89: {  	s3 =	sld [smem:$0x3FFE];
	_ =	sdelay $0x1  }
0x8a: {  	s1 =	srdreg.scid  }
0x8b: {  	s0 =	sand.u32 $0x1, s1  }
0x8c: {  	s16 =	sshll.u32 s0, $0xA;
	s2 =	sadd.s32 s3, s2  }
0x8d: {  	s2 =	sadd.s32 s2, s16  }
0x8e: {  	[smem:$0x3FC0] =	sst s2  }
0x8f: {  	_ = 	snop  }
0x90: {  	(tm) =	ssettm $0x1  }
0x91: {  	s17 =	sld [smem:$0x3FFB];
	_ =	sdelay $0x3  }
0x92: {  	_ =	strace s17  }
0x93: {  	s2 =	sld [smem:$0x3FFC];
	_ =	sdelay $0x3  }
0x94: {  	_ =	strace s2  }
0x95: {  	s2 =	sld [smem:$0x3FFD];
	_ =	sdelay $0x3  }
0x96: {  	_ =	strace s2  }
0x97: {  	_ =	strace $0x8FFFFFFF  }
0x98: {  	s18 =	sld [smem:$0x3FDB];
	_ =	sdelay $0x1  }
0x99: {  	s19 =	simm.s32 $_scs_section_size  }
0x9a: {  	s4 =	simm.s32 $_size__tile_overlayer_lowered;
	s5 =	simm.s32 $_tile_overlayer_lowered  }
0x9b: {  	s22 =	simm.s32 $0x1BFF;
	s21 =	sshll.u32 s5, $0x1;
	s2 =	sadd.s32 s19, s18  }
0x9c: {  	s6 =	simm.s32 $0x0;
	s20 =	sshll.u32 s4, $0x1;
	s4 =	sadd.s32 s21, s2  }
0x9d: {  	[timem:s6], [sflag:s22] =	dma.local [hbm:s4], s20  }
0x9e: {  	_ =	swait.ge [sflag:s22], s20  }
0x9f: {  	s3 =	ssub.s32 $0x0, s20;
	[sflag:s22] =	ssyncset.done $0x0  }
0xa0: {  	[sflag:s22] =	ssyncadd.s32 s3;
	_ =	sdelay $0x1  }
0xa1: {  	s23 =	simm.s32 $0x1B8B  }
0xa2: {  	_ =	swait.ge [sflag:s23], $0x1  }
0xa3: {  	[sflag:s23] =	ssyncset.done $0x0  }
0xa4: {  	s25 =	simm.s32 $0x1B8E;
	s24 =	sld [smem:$0x3FFE];
	[sflag:s23] =	ssyncadd.s32 $0xFFFFFFFF  }
0xa5: {  	s26 =	simm.s32 $execute0_lowered;
	[smem:$0x3FD2] =	sst s25  }
0xa6: {  	s4 =	sshll.u32 s26, $0x1;
	_ =	strace $0x80000046;
	[dreg:$0x1] =	wrdreg $0xFFFFFFFF  }
0xa7: {  	s28 =	simm.s32 $_size_execute0_lowered;
	s2 =	sadd.s32 s2, s4;
	[dreg:$0x0] =	wrdreg $0x0  }
0xa8: {  	s4 =	sshll.u32 s28, $0x1;
	[dreg:$0x2] =	wrdreg s2  }
0xa9: {  	[dreg:$0x3] =	wrdreg s4  }
0xaa: {  	[dreg:$0x4] =	wrdreg $0xC0  }
0xab: {  	_ =	task [dreg:s6], $0x5FFFF  }
0xac: {  	[dreg:$0x1] =	wrdreg $0xFFFFFFFF  }
0xad: {  	[dreg:$0x0] =	wrdreg $0x60  }
0xae: {  	[dreg:$0x2] =	wrdreg s24  }
0xaf: {  	[dreg:$0x3] =	wrdreg $0x2A000  }
0xb0: {  	[dreg:$0x4] =	wrdreg $0x9  }
0xb1: {  	_ =	task.clear_ibuf [dreg:s6], $0x5FFFF;
	_ =	strace $0x90000046  }
0xb2: {  	s29 =	simm.s32 $0x9;
	_ =	strace $0x80000048  }
0xb3: {  	_ =	swait.ge [sflag:s29], $0x1  }
0xb4: {  	[sflag:s29] =	ssyncadd.s32 $0xFFFFFFFF  }
0xb5: {  	_ =	strace $0x90000048  }
0xb6: {  	_ =	sfence  }
0xb7: {  	s30 =	sld [smem:$0x0];
	_ =	sdelay $0x2  }
0xb8: {  	s31 =	sshll.u32 s1, $0xD;
	s1 =	sshrl.u32 s1, $0x2  }
0xb9: {  	s3 =	sand.u32 $0x4000, s31;
	s1 =	sadd.s32 s1, s30  }
0xba: {  	s0 =	sor.u32 s3, s0;
	s1 =	sshll.u32 s1, $0x11  }
0xbb: {  	s0 =	sor.u32 s1, s0  }
0xbc: {  	s0 =	sadd.s32 $0x8F2B, s0  }
0xbd: {  	[sflag:s0] =	ssyncadd.remote.s32 $0x1  }
0xbe: {  	_ =	sfence.sel $0xFFFF  }
0xbf: {  	[dreg:$0x0] =	wrdreg $0xFFFFFFFF;
	(pc) =	sbr.abs _section_cstart, $3  }
0xc0: {  	[dreg:$0x1] =	wrdreg $0xFFFFFFFF  }
0xc1: {  	_ =	task.clear_ibuf [dreg:s6], $0x2FFFF;
	_ =	strace $0x9FFFFFFF  }
0xc2: {  	(tm) =	ssettm $0x7FFFFFFF  }
0xc3: {  	_ =	shalt  }
tec
execute0_lowered:
.L_overlay_start_1:
0x0: {  	(tag) =	ssettag $0x1  }
0x1: {  	s0 =	rddreg [dreg:$0x0]  }
0x2: {  	s1 =	rddreg [dreg:$0x1];
	s2 =	simm.s32 $0x0  }
0x3: {  	s5 =	srdreg.scid;
	s8 =	stileid.u32;
	s28 =	simm.s32 $0x1  }
0x4: {  	s29 =	simm.s32 $0x28;
	s30 =	simm.s32 $0x2;
	s31 =	simm.s32 $0x0  }
0x5: {  	[smem:$0x7FF] =	sst s2;
	s3 =	sadd.s32 $0xC800, s0;
	s4 =	sadd.s32 $0x2A00, s0  }
0x6: {  	s6 =	sadd.s32 $0x16600, s0;
	s18 =	sadd.s32 $0x16A00, s0;
	s5 =	sand.u32 $0x1, s5  }
0x7: {  	s19 =	sadd.s32 $0x16E00, s0;
	s9 =	smul.u32 $0x4F000, s8;
	s0 =	sadd.s32 $0x19600, s0  }
0x8: {  	s14 =	smul.u32 $0x2780, s8;
	_ =	strace $0x80000047;
	[dreg:$0x3] =	wrdreg s6  }
0x9: {  	s16 =	smul.u32 $0x2710, s8;
	s25 =	sadd.s32 $0x128400, s1;
	[dreg:$0x4] =	wrdreg s18  }
0xa: {  	p0 =	seq.s32 s8, $0xF;
	[dreg:$0x5] =	wrdreg s19;
	s15 =	smul.u32 $0x27100, s5  }
0xb: {  	s20 =	sshll.u32 s5, $0x4;
	s7 =	ssub.s32 $0x2, s5;
	s5 =	smul.u32 $0x138800, s5  }
0xc: {  	s25 =	sshrl.u32 @p0 s25, $0x3;
	s6 =	sor.u32 s8, s20;
	s10 =	sshrl.u32 s7, $0x1  }
0xd: {  	s9 =	sshrl.u32 s9, $0x2;
	s20 =	simm.s32 $0x200;
	s6 =	smul.u32 $0x2710, s6  }
0xe: {  	s7 =	ssub.s32 s7, s10;
	s9 =	sadd.s32 s9, s1;
	s22 =	sadd.s32 s14, s15  }
0xf: {  	s5 =	sshrl.u32 s5, $0x3;
	s23 =	sadd.s32 s16, s15;
	s14 =	sadd.s32 s0, s22  }
0x10: {  	s0 =	sadd.s32 s0, s5;
	s24 =	sadd.s32 $0x78, s23;
	s16 =	smax.u32 s7, $0x1  }
0x11: {  	s19 =	sadd.s32 $0x50, s23;
	s22 =	simm.s32 $0x1600;
	s23 =	simm.s32 $0x100  }
0x12: {  	s11 =	sshrl.u32 s6, $0x3;
	s6 =	sadd.s32 $0x28, s6;
	s15 =	sadd.s32 $0x25080, s0  }
0x13: {  	s26 =	sshrl.u32 s24, $0x3;
	s24 =	simm.s32 $0x80;
	s21 =	sadd.s32 s3, s11  }
0x14: {  	s11 =	sadd.s32 s4, s11;
	s6 =	sshrl.u32 s6, $0x3;
	s17 =	sadd.s32 s26, s4  }
0x15: {  	s18 =	sadd.s32 s26, s3;
	s26 =	simm.s32 $0x180;
	[dreg:$0x6] =	wrdreg s21  }
0x16: {  	s12 =	sadd.s32 s3, s6;
	s13 =	sadd.s32 s4, s6;
	s21 =	simm.s32 $0x3  }
.LBB2_1:
0x17: {  	s0 =	rddreg [dreg:$0x3]  }
0x18: {  	[tilespmem:s20], [sflag:$0x3] =	stream.linear.gather [hbm4b:s0+s2], $0x1400, $0x38;
	[tilespmem:$0x16600] =	vst v63  }
0x19: {  	_ =	swait.ge [sflag:s21], $0x1400  }
0x1a: {  	[sflag:s21] =	ssyncset.done $0x0  }
0x1b: {  	s10 =	rddreg [dreg:$0x4];
	[sflag:s21] =	ssyncadd.s32 $0xFFFFEC00  }
0x1c: {  	[tilespmem:s22], [sflag:$0x3] =	stream.linear.gather [hbm4b:s10+s2], $0x1400, $0x38;
	[tilespmem:$0x16600] =	vst v63  }
0x1d: {  	s5 =	stileid.u32;
	_ =	swait.ge [sflag:s21], $0x1400  }
0x1e: {  	s0 =	sshll.u32 s5, $0x6;
	s5 =	sshrl.u32 s9, $0x3;
	[sflag:s21] =	ssyncset.done $0x0  }
0x1f: {  	s0 =	sor.u32 $0x1C03, s0;
	s6 =	rddreg [dreg:$0x5];
	[sflag:s21] =	ssyncadd.s32 $0xFFFFEC00  }
0x20: {  	[spmem:s5], [sflag:s0] =	dma.local [hbm:s6], $0x2780  }
0x21: {  	_ =	swait.ge [sflag:s21], $0x2780  }
0x22: {  	[sflag:s21] =	ssyncset.done $0x0  }
0x23: {  	[sflag:s21] =	ssyncadd.s32 $0xFFFFD880  }
0x24: {  	[bflag:$0x0] =	sbarrier.arrive $0xFFFF  }
0x25: {  	s6 =	rddreg [dreg:$0x6]  }
0x26: {  	[tilespmem:s2], [sflag:$0x1] =	stream.linear.gather [hbm4b:s6+s2], $0x28, $0x38;
	[tilespmem:$0x16600] =	vst v63  }
0x27: {  	_ = 	snop  }
0x28: {  	[tilespmem:s23], [sflag:$0x1] =	stream.linear.gather [hbm4b:s11+s2], $0x28, $0x38;
	[tilespmem:$0x16600] =	vst v63  }
0x29: {  	_ = 	snop  }
0x2a: {  	[tilespmem:s24], [sflag:$0x2] =	stream.linear.gather [hbm4b:s12+s2], $0x28, $0x38;
	[tilespmem:$0x16600] =	vst v63  }
0x2b: {  	_ = 	snop  }
0x2c: {  	[tilespmem:s26], [sflag:$0x2] =	stream.linear.gather [hbm4b:s13+s2], $0x28, $0x38;
	[tilespmem:$0x16600] =	vst v63  }
0x2d: {  	_ =	swait.ge [sflag:s28], $0x28  }
0x2e: {  	[sflag:s28] =	ssyncset.done $0x0  }
0x2f: {  	[sflag:s28] =	ssyncadd.s32 $0xFFFFFFD8  }
0x30: {  	_ =	swait.ge [sflag:s28], $0x28  }
0x31: {  	[sflag:s28] =	ssyncset.done $0x0  }
0x32: {  	[sflag:s28] =	ssyncadd.s32 $0xFFFFFFD8  }
0x33: {  	[spmem:s1] =	stream.indirect.scatter.add.f32 [tilespmem:s20], [sflag:$0x3], $0x80, s2, s29, $0xb8;
	[tilespmem:$0x16600] =	vst v63  }
0x34: {  	_ =	swait.ge [sflag:s21], $0x1400  }
0x35: {  	[sflag:s21] =	ssyncset.done $0x0  }
0x36: {  	[sflag:s21] =	ssyncadd.s32 $0xFFFFEC00  }
0x37: {  	[spmem:s1] =	stream.indirect.scatter.add.f32 [tilespmem:s22], [sflag:$0x3], $0x80, s23, s29, $0xb8;
	[tilespmem:$0x16600] =	vst v63  }
0x38: {  	_ =	swait.ge [sflag:s21], $0x1400  }
0x39: {  	s7 =	sshrl.u32 s19, $0x3;
	[sflag:s21] =	ssyncset.done $0x0  }
0x3a: {  	s8 =	sadd.s32 s3, s7;
	[sflag:s21] =	ssyncadd.s32 $0xFFFFEC00  }
0x3b: {  	[tilespmem:s2], [sflag:$0x1] =	stream.linear.gather [hbm4b:s8+s2], $0x28, $0x38;
	[tilespmem:$0x16600] =	vst v63  }
0x3c: {  	s5 =	sadd.s32 s4, s7  }
0x3d: {  	[tilespmem:s23], [sflag:$0x1] =	stream.linear.gather [hbm4b:s5+s2], $0x28, $0x38;
	[tilespmem:$0x16600] =	vst v63  }
0x3e: {  	_ =	swait.ge [sflag:s30], $0x28  }
0x3f: {  	[sflag:s30] =	ssyncset.done $0x0  }
0x40: {  	[sflag:s30] =	ssyncadd.s32 $0xFFFFFFD8  }
0x41: {  	_ =	swait.ge [sflag:s30], $0x28  }
0x42: {  	[sflag:s30] =	ssyncset.done $0x0  }
0x43: {  	[sflag:s30] =	ssyncadd.s32 $0xFFFFFFD8  }
0x44: {  	[spmem:s1] =	stream.indirect.scatter.add.f32 [tilespmem:s20], [sflag:$0x3], $0x80, s24, s29, $0xb8;
	[tilespmem:$0x16600] =	vst v63  }
0x45: {  	_ =	swait.ge [sflag:s21], $0x1400  }
0x46: {  	[sflag:s21] =	ssyncset.done $0x0  }
0x47: {  	[sflag:s21] =	ssyncadd.s32 $0xFFFFEC00  }
0x48: {  	[spmem:s1] =	stream.indirect.scatter.add.f32 [tilespmem:s22], [sflag:$0x3], $0x80, s26, s29, $0xb8;
	[tilespmem:$0x16600] =	vst v63  }
0x49: {  	_ =	swait.ge [sflag:s21], $0x1400  }
0x4a: {  	s10 =	sadd.s32 $0x0, s18;
	s7 =	sadd.s32 $0x0, s17;
	[sflag:s21] =	ssyncset.done $0x0  }
0x4b: {  	s6 =	sadd.s32 $0x50, s19;
	s5 =	simm.s32 $0xA;
	[sflag:s21] =	ssyncadd.s32 $0xFFFFEC00  }
0x4c: {  	[tilespmem:s24], [sflag:$0x2] =	stream.linear.gather [hbm4b:s10+s2], $0x28, $0x38;
	[tilespmem:$0x16600] =	vst v63  }
.LBB2_2:
0x4d: {  	[tilespmem:s26], [sflag:$0x2] =	stream.linear.gather [hbm4b:s7+s2], $0x28, $0x38;
	[tilespmem:$0x16600] =	vst v63  }
0x4e: {  	s7 =	smov.u32 s5  }
0x4f: {  	p1 =	sne.s32 s5, $0x4CE;
	s5 =	sadd.s32 $0xA, s5;
	_ =	swait.ge [sflag:s28], $0x28  }
0x50: {  	[sflag:s28] =	ssyncset.done $0x0  }
0x51: {  	[sflag:s28] =	ssyncadd.s32 $0xFFFFFFD8  }
0x52: {  	_ =	swait.ge [sflag:s28], $0x28  }
0x53: {  	[sflag:s28] =	ssyncset.done $0x0  }
0x54: {  	[sflag:s28] =	ssyncadd.s32 $0xFFFFFFD8  }
0x55: {  	[spmem:s1] =	stream.indirect.scatter.add.f32 [tilespmem:s20], [sflag:$0x3], $0x80, s2, s29, $0xb8;
	[tilespmem:$0x16600] =	vst v63  }
0x56: {  	_ =	swait.ge [sflag:s21], $0x1400  }
0x57: {  	[sflag:s21] =	ssyncset.done $0x0  }
0x58: {  	[sflag:s21] =	ssyncadd.s32 $0xFFFFEC00  }
0x59: {  	[spmem:s1] =	stream.indirect.scatter.add.f32 [tilespmem:s22], [sflag:$0x3], $0x80, s23, s29, $0xb8;
	[tilespmem:$0x16600] =	vst v63  }
0x5a: {  	_ =	swait.ge [sflag:s21], $0x1400  }
0x5b: {  	s8 =	sshrl.u32 s6, $0x3;
	[sflag:s21] =	ssyncset.done $0x0  }
0x5c: {  	s10 =	sadd.s32 s3, s8;
	[sflag:s21] =	ssyncadd.s32 $0xFFFFEC00  }
0x5d: {  	[tilespmem:s2], [sflag:$0x1] =	stream.linear.gather [hbm4b:s10+s2], $0x28, $0x38;
	[tilespmem:$0x16600] =	vst v63  }
0x5e: {  	s8 =	sadd.s32 s4, s8  }
0x5f: {  	[tilespmem:s23], [sflag:$0x1] =	stream.linear.gather [hbm4b:s8+s2], $0x28, $0x38;
	[tilespmem:$0x16600] =	vst v63  }
0x60: {  	_ =	swait.ge [sflag:s30], $0x28  }
0x61: {  	[sflag:s30] =	ssyncset.done $0x0  }
0x62: {  	[sflag:s30] =	ssyncadd.s32 $0xFFFFFFD8  }
0x63: {  	_ =	swait.ge [sflag:s30], $0x28  }
0x64: {  	[sflag:s30] =	ssyncset.done $0x0  }
0x65: {  	[sflag:s30] =	ssyncadd.s32 $0xFFFFFFD8  }
0x66: {  	[spmem:s1] =	stream.indirect.scatter.add.f32 [tilespmem:s20], [sflag:$0x3], $0x80, s24, s29, $0xb8;
	[tilespmem:$0x16600] =	vst v63  }
0x67: {  	_ =	swait.ge [sflag:s21], $0x1400  }
0x68: {  	[sflag:s21] =	ssyncset.done $0x0  }
0x69: {  	[sflag:s21] =	ssyncadd.s32 $0xFFFFEC00  }
0x6a: {  	[spmem:s1] =	stream.indirect.scatter.add.f32 [tilespmem:s22], [sflag:$0x3], $0x80, s26, s29, $0xb8;
	[tilespmem:$0x16600] =	vst v63  }
.Ltmp0:
0x6b: {  	_ =	swait.ge [sflag:s21], $0x1400;
	(pc) =	sbr.rel @p1 .LBB2_2-.Ltmp0, $4  }
0x6c: {  	[sflag:s21] =	ssyncset.done $0x0  }
0x6d: {  	s8 =	sadd.s32 s7, s18;
	[sflag:s21] =	ssyncadd.s32 $0xFFFFEC00  }
0x6e: {  	[tilespmem:s24], [sflag:$0x2] =	stream.linear.gather [hbm4b:s8+s2], $0x28, $0x38;
	[tilespmem:$0x16600] =	vst v63  }
0x6f: {  	s6 =	sadd.s32 $0x50, s6;
	s7 =	sadd.s32 s7, s17  }
0x70: {  	[tilespmem:s26], [sflag:$0x2] =	stream.linear.gather [hbm4b:s7+s2], $0x28, $0x38;
	[tilespmem:$0x16600] =	vst v63  }
0x71: {  	_ =	swait.ge [sflag:s28], $0x28  }
0x72: {  	[sflag:s28] =	ssyncset.done $0x0  }
0x73: {  	[sflag:s28] =	ssyncadd.s32 $0xFFFFFFD8  }
0x74: {  	_ =	swait.ge [sflag:s28], $0x28  }
0x75: {  	[sflag:s28] =	ssyncset.done $0x0  }
0x76: {  	[sflag:s28] =	ssyncadd.s32 $0xFFFFFFD8  }
0x77: {  	[spmem:s1] =	stream.indirect.scatter.add.f32 [tilespmem:s20], [sflag:$0x3], $0x80, s2, s29, $0xb8;
	[tilespmem:$0x16600] =	vst v63  }
0x78: {  	_ =	swait.ge [sflag:s21], $0x1400  }
0x79: {  	[sflag:s21] =	ssyncset.done $0x0  }
0x7a: {  	[sflag:s21] =	ssyncadd.s32 $0xFFFFEC00  }
0x7b: {  	[spmem:s1] =	stream.indirect.scatter.add.f32 [tilespmem:s22], [sflag:$0x3], $0x80, s23, s29, $0xb8;
	[tilespmem:$0x16600] =	vst v63  }
0x7c: {  	_ =	swait.ge [sflag:s21], $0x1400  }
0x7d: {  	[sflag:s21] =	ssyncset.done $0x0  }
0x7e: {  	[sflag:s21] =	ssyncadd.s32 $0xFFFFEC00  }
0x7f: {  	_ =	swait.ge [sflag:s30], $0x28  }
0x80: {  	[sflag:s30] =	ssyncset.done $0x0  }
0x81: {  	[sflag:s30] =	ssyncadd.s32 $0xFFFFFFD8  }
0x82: {  	_ =	swait.ge [sflag:s30], $0x28  }
0x83: {  	[sflag:s30] =	ssyncset.done $0x0  }
0x84: {  	[sflag:s30] =	ssyncadd.s32 $0xFFFFFFD8  }
0x85: {  	[spmem:s1] =	stream.indirect.scatter.add.f32 [tilespmem:s20], [sflag:$0x3], $0x80, s24, s29, $0xb8;
	[tilespmem:$0x16600] =	vst v63  }
0x86: {  	_ =	swait.ge [sflag:s21], $0x1400  }
0x87: {  	[sflag:s21] =	ssyncset.done $0x0  }
0x88: {  	[sflag:s21] =	ssyncadd.s32 $0xFFFFEC00  }
0x89: {  	[spmem:s1] =	stream.indirect.scatter.add.f32 [tilespmem:s22], [sflag:$0x3], $0x80, s26, s29, $0xb8;
	[tilespmem:$0x16600] =	vst v63  }
0x8a: {  	_ =	swait.ge [sflag:s21], $0x1400  }
0x8b: {  	[sflag:s21] =	ssyncset.done $0x0  }
0x8c: {  	[sflag:s21] =	ssyncadd.s32 $0xFFFFEC00  }
0x8d: {  	s5 =	simm.s32 @p0 $0x3;
	[bflag:$0x0] =	sbarrier.arrive $0xFFFF  }
0x8e: {  	[hbm:s15], [sflag:s0] =	dma.local @p0 [spmem:s25], $0x2080  }
0x8f: {  	_ =	swait.ge @p0 [sflag:s5], $0x2080  }
0x90: {  	s31 =	sadd.s32 $0x1, s31;
	[sflag:s5] =	ssyncset.done @p0 $0x0  }
0x91: {  	p1 =	sne.s32 s31, s16;
	[sflag:s5] =	ssyncadd.s32 @p0 $0xFFFFDF80;
	s5 =	sshrl.u32 @!p0 s9, $0x3  }
0x92: {  	[hbm:s14], [sflag:s0] =	dma.local @!p0 [spmem:s5], $0x2780  }
.Ltmp1:
0x93: {  	_ = 	snop;
	(pc) =	sbr.rel @p1 .LBB2_1-.Ltmp1, $4  }
0x94: {  	s0 =	simm.s32 @!p0 $0x3  }
0x95: {  	_ =	swait.ge @!p0 [sflag:s0], $0x2780  }
0x96: {  	[sflag:s0] =	ssyncset.done @!p0 $0x0  }
0x97: {  	[sflag:s0] =	ssyncadd.s32 @!p0 $0xFFFFD880  }
0x98: {  	_ =	sfence.sel $0x180000  }
0x99: {  	[bflag:$0x0] =	sbarrier.arrive $0xFFFF  }
0x9a: {  	_ =	strace $0x90000047  }
0x9b: {  	s0 =	stileid.u32;
	[bflag:$0x2] =	sbarrier.arrive $0xFFFF  }
0x9c: {  	p0 =	sne.s32 s0, $0x0;
	s0 =	rddreg [dreg:$0x2]  }
0x9d: {  	s0 =	sadd.s32 @!p0 $0x100000, s0  }
0x9e: {  	[sflag:s0] =	ssyncadd.tile.s32 @!p0 $0x1;
	_ =	shalt  }
.Lfunc_end2:
_tile_overlayer_lowered:
.L_overlay_start_2:
0x9f: {  	(tag) =	ssettag $0x2  }
0xa0: {  	s0 =	rddreg [dreg:$0x0];
	s2 =	stileid.u32  }
0xa1: {  	s1 =	rddreg [dreg:$0x1];
	p0 =	sne.s32 s2, $0x0  }
0xa2: {  	s3 =	rddreg [dreg:$0x2];
	[bflag:$0x3] =	sbarrier.arrive $0xFFFF;
	s2 =	simm.s32 @!p0 $0x1C03  }
0xa3: {  	[timem:s3], [sflag:s2] =	dma.local @!p0 [hbm:s0], s1  }
0xa4: {  	s0 =	simm.s32 @!p0 $0x3  }
0xa5: {  	_ =	swait.ge @!p0 [sflag:s0], s1  }
0xa6: {  	s1 =	ssub.s32 @!p0 $0x0, s1;
	[sflag:s0] =	ssyncset.done @!p0 $0x0  }
0xa7: {  	[sflag:s0] =	ssyncadd.s32 @!p0 s1  }
0xa8: {  	[bflag:$0x3] =	sbarrier.arrive $0xFFFF  }
0xa9: {  	_ =	shalt  }

</sc_bundles>
